<compile_context>
chip_gen: v7x
topology: tpu7x:2x2x1
jax: 0.10.2.dev20260603
libtpu: 0.0.44.dev20260713+nightly
codegen_flags: <defaults>
</compile_context>

<pallas_src>
import functools

import jax
import jax.numpy as jnp
from jax import lax
from jax.experimental import pallas as pl
from jax.experimental.pallas import tpu as pltpu
from jax.experimental.pallas import tpu_sc as plsc

_B, _N = 4, 20000
_K = 128
_KIOU = 64
_NW = 32
_WCHUNK = 2560
_NSL = _WCHUNK // 16
_CPW = 64
_CAND = 8 * _CPW
_NROUNDS = 4
_H = _W = 16
_P = _H * _W

_MESH = plsc.VectorSubcoreMesh(core_axis_name="c", subcore_axis_name="s")
_CP_SC = pltpu.CompilerParams(use_tc_tiling_on_sc=False,
                              needs_layout_passes=False)


@functools.partial(
    pl.kernel, mesh=_MESH, compiler_params=_CP_SC,
    out_type=(jax.ShapeDtypeStruct((_NW * _CPW,), jnp.float32),
              jax.ShapeDtypeStruct((_NW * _CPW,), jnp.int32)),
    scratch_types=[pltpu.VMEM((_WCHUNK,), jnp.float32),
                   pltpu.VMEM((_CPW,), jnp.float32),
                   pltpu.VMEM((_CPW,), jnp.int32),
                   pltpu.VMEM((16,), jnp.int32),
                   pltpu.VMEM((8, 16), jnp.int32),
                   pltpu.VMEM_SHARED((_NROUNDS, 16, 16), jnp.int32)],
)
def _sc_topk(conf_hbm, oval_hbm, oidx_hbm, cval, cv, ci, cntv, tmp, shared):
    c = lax.axis_index("c")
    s = lax.axis_index("s")
    g = s // 8
    t = s % 8
    b = 2 * c + g
    row = 16 * c + s
    pltpu.sync_copy(conf_hbm.at[row], cval)

    li = lax.broadcasted_iota(jnp.int32, (16,), 0)
    lo = jnp.float32(0.0)
    width = jnp.float32(1.0)
    for r in range(_NROUNDS):
        q = width * jnp.float32(0.25)
        t1 = lo + q
        t2 = lo + q * jnp.float32(2.0)
        t3 = lo + q * jnp.float32(3.0)

        def body(i, carry):
            a1, a2, a3 = carry
            for u in range(4):
                x = cval[pl.ds(i * 64 + u * 16, 16)]
                a1 = a1 + (x >= t1).astype(jnp.int32)
                a2 = a2 + (x >= t2).astype(jnp.int32)
                a3 = a3 + (x >= t3).astype(jnp.int32)
            return a1, a2, a3

        z = jnp.zeros((16,), jnp.int32)
        a1, a2, a3 = lax.fori_loop(0, _NSL // 4, body, (z, z, z))
        n1 = jnp.sum(a1)
        n2 = jnp.sum(a2)
        n3 = jnp.sum(a3)
        cntv[...] = jnp.where(li == 0, n1,
                              jnp.where(li == 1, n2,
                                        jnp.where(li == 2, n3, 0)))
        pltpu.sync_copy(cntv, shared.at[r, s])
        plsc.subcore_barrier()
        pltpu.sync_copy(shared.at[r, pl.ds(8 * g, 8)], tmp)
        gcnt = jnp.zeros((16,), jnp.int32)
        for rr in range(8):
            gcnt = gcnt + tmp[rr]
        sel = jnp.sum(((gcnt >= _K) & (li < 3)).astype(jnp.int32))
        lo = lo + q * sel.astype(jnp.float32)
        width = q

    for i in range(_CPW // 16):
        cv[pl.ds(16 * i, 16)] = jnp.full((16,), -1.0, jnp.float32)
        ci[pl.ds(16 * i, 16)] = jnp.zeros((16,), jnp.int32)
    base_idx = t * _WCHUNK
    lof = lo

    def cbody(i, off):
        x = cval[pl.ds(i * 16, 16)]
        m = x >= lof
        mi = m.astype(jnp.int32)
        pos = off + plsc.cumsum(mi) - mi
        m2 = m & (pos < _CPW)
        plsc.store_scatter(cv, [pos], x, mask=m2)
        gi = base_idx + i * 16 + li
        plsc.store_scatter(ci, [pos], gi, mask=m2)
        return off + jnp.sum(mi)

    lax.fori_loop(0, _NSL, cbody, jnp.int32(0))

    obase = _CAND * b + _CPW * t
    pltpu.sync_copy(cv, oval_hbm.at[pl.ds(obase, _CPW)])
    pltpu.sync_copy(ci, oidx_hbm.at[pl.ds(obase, _CPW)])


def _sel_body(cv_ref, ci_ref, val_ref, idx_ref):
    cv = cv_ref[0, 0]
    ci = ci_ref[0, 0]
    gt = (cv[:, None] > cv[None, :]).astype(jnp.int32)
    tie = ((cv[:, None] == cv[None, :]) & (ci[:, None] < ci[None, :]))
    rank = jnp.sum(gt + tie.astype(jnp.int32), axis=0)
    r = lax.broadcasted_iota(jnp.int32, (_K, _CAND), 0)
    oh = rank[None, :] == r
    val_ref[0, 0] = jnp.sum(jnp.where(oh, cv[None, :], 0.0), axis=1)
    idx_ref[0, 0] = jnp.sum(jnp.where(oh, ci[None, :], 0), axis=1)


@functools.partial(
    pl.kernel, mesh=_MESH, compiler_params=_CP_SC,
    out_type=(jax.ShapeDtypeStruct((_B * _K, 32), jnp.float32),
              jax.ShapeDtypeStruct((_B * _K * 4,), jnp.float32)),
    scratch_types=[pltpu.VMEM((16,), jnp.int32),
                   pltpu.VMEM((16,), jnp.int32),
                   pltpu.VMEM((16, 32), jnp.float32),
                   pltpu.VMEM((16, 16), jnp.float32),
                   pltpu.VMEM((64,), jnp.float32),
                   pltpu.SemaphoreType.DMA,
                   pltpu.SemaphoreType.DMA],
)
def _sc_gather(mask_hbm, loc4_hbm, idx_hbm, omask_hbm, oloc_hbm,
               idx_v, row_v, rm, rl, lout, sm, sl):
    wid = 16 * lax.axis_index("c") + lax.axis_index("s")
    base = wid * 16
    pltpu.sync_copy(idx_hbm.at[pl.ds(base, 16)], idx_v)
    idx_v[...] = idx_v[...] + (wid // 8) * _N
    cm = pltpu.async_copy(mask_hbm.at[idx_v], rm, sm)
    row_v[...] = idx_v[...] // 4
    cl = pltpu.async_copy(loc4_hbm.at[row_v], rl, sl)
    cm.wait()
    pltpu.sync_copy(rm, omask_hbm.at[pl.ds(base, 16)])
    cl.wait()
    lane = lax.broadcasted_iota(jnp.int32, (16,), 0)
    coord = lane % 4
    for k in range(4):
        jvec = lane // 4 + 4 * k
        gidx = plsc.load_gather(idx_v, [jvec])
        colv = (gidx % 4) * 4 + coord
        lout[pl.ds(16 * k, 16)] = plsc.load_gather(rl, [jvec, colv])
    pltpu.sync_copy(lout, oloc_hbm.at[pl.ds(base * 4, 64)])


def _iou_body(loc_ref, xg_ref, yg_ref, iou_ref, kidx_ref):
    locb = loc_ref[0]
    cx = locb[:, 0:1]
    cy = locb[:, 1:2]
    sx = jnp.abs(locb[:, 2:3]) + 1e-4
    sy = jnp.abs(locb[:, 3:4]) + 1e-4
    xg = xg_ref[...]
    yg = yg_ref[...]
    g = jnp.exp(-0.5 * (((xg - cx) / sx) ** 2 + ((yg - cy) / sy) ** 2))

    rows = []
    for i8 in range(_K // 8):
        gi = g[i8 * 8:(i8 + 1) * 8][:, None, :]
        inter = jnp.sum(jnp.minimum(gi, g[None]), axis=-1)
        union = jnp.sum(jnp.maximum(gi, g[None]), axis=-1)
        rows.append(inter / (union + 1e-9))
    iou = jnp.concatenate(rows, axis=0)
    iou_ref[0] = iou

    ii = lax.broadcasted_iota(jnp.int32, (_K, _K), 0)
    jj = lax.broadcasted_iota(jnp.int32, (_K, _K), 1)
    vmax = jnp.max(jnp.where(ii < jj, iou, 0.0), axis=0)

    lt = (vmax[:, None] < vmax[None, :]).astype(jnp.int32)
    tie = ((vmax[:, None] == vmax[None, :]) & (ii < jj)).astype(jnp.int32)
    rank = jnp.sum(lt + tie, axis=0)
    r = lax.broadcasted_iota(jnp.int32, (_KIOU, _K), 0)
    jcol = lax.broadcasted_iota(jnp.int32, (_KIOU, _K), 1)
    oh = rank[None, :] == r
    kidx_ref[0, 0] = jnp.sum(jnp.where(oh, jcol, 0), axis=1)


def kernel(conf, loc, mask):
    conf_p = jnp.pad(conf, ((0, 0), (0, 8 * _WCHUNK - _N)),
                     constant_values=-1.0).reshape(_NW, _WCHUNK)
    cval_flat, cidx_flat = _sc_topk(conf_p)

    sorted_conf3, sorted_idx3 = pl.pallas_call(
        _sel_body,
        grid=(_B,),
        in_specs=[pl.BlockSpec((1, 1, _CAND), lambda b: (b, 0, 0)),
                  pl.BlockSpec((1, 1, _CAND), lambda b: (b, 0, 0))],
        out_specs=[pl.BlockSpec((1, 1, _K), lambda b: (b, 0, 0)),
                   pl.BlockSpec((1, 1, _K), lambda b: (b, 0, 0))],
        out_shape=[jax.ShapeDtypeStruct((_B, 1, _K), jnp.float32),
                   jax.ShapeDtypeStruct((_B, 1, _K), jnp.int32)],
    )(cval_flat.reshape(_B, 1, _CAND), cidx_flat.reshape(_B, 1, _CAND))

    gidx = sorted_idx3.reshape(_B * _K)
    mask_flat = mask.reshape(_B * _N, 32)
    loc4 = loc.reshape(_B * _N // 4, 16)
    smask, sloc_flat = _sc_gather(mask_flat, loc4, gidx)
    sorted_mask = smask.reshape(_B, _K, 32)
    sorted_loc = sloc_flat.reshape(_B, _K, 4)

    ys = jnp.linspace(0.0, 1.0, _H, dtype=jnp.float32)
    xs = jnp.linspace(0.0, 1.0, _W, dtype=jnp.float32)
    yy, xx = jnp.meshgrid(ys, xs, indexing='ij')
    xg = xx.reshape(1, _P)
    yg = yy.reshape(1, _P)

    gauss_iou, sorted_iou_idx = pl.pallas_call(
        _iou_body,
        grid=(_B,),
        in_specs=[pl.BlockSpec((1, _K, 4), lambda b: (b, 0, 0)),
                  pl.BlockSpec((1, _P), lambda b: (0, 0)),
                  pl.BlockSpec((1, _P), lambda b: (0, 0))],
        out_specs=[pl.BlockSpec((1, _K, _K), lambda b: (b, 0, 0)),
                   pl.BlockSpec((1, 1, _KIOU), lambda b: (b, 0, 0))],
        out_shape=[jax.ShapeDtypeStruct((_B, _K, _K), jnp.float32),
                   jax.ShapeDtypeStruct((_B, 1, _KIOU), jnp.int32)],
    )(sorted_loc, xg, yg)

    return (gauss_iou, sorted_loc, sorted_mask,
            sorted_conf3.reshape(_B, _K), sorted_iou_idx.reshape(_B, _KIOU))

# --- scband reference (transcript-rebuilt; emitter-appended) ---
"""Pipeline reference for scband-unsupervised-loss-15324443312685 (READ-ONLY COPY).

The authoritative reference and input builder live on the scoring server;
editing this copy changes nothing except your own understanding.
"""

import jax, jax.numpy as jnp
import numpy as np

TOP_K_CONF = 128
TOP_K_IOU = 64
IOU_GAUSS_DIM = (16, 16)
EPS = 1e-9


def unnormal_gaussian(mask_shape, loc):
    # loc[..., 0:2] = center (cx, cy) in [0,1]; loc[..., 2:4] = scales (sx, sy)
    H, W = mask_shape
    ys = jnp.linspace(0.0, 1.0, H, dtype=jnp.float32)
    xs = jnp.linspace(0.0, 1.0, W, dtype=jnp.float32)
    yy, xx = jnp.meshgrid(ys, xs, indexing='ij')  # [H, W]
    cx = loc[..., 0][..., None, None]
    cy = loc[..., 1][..., None, None]
    sx = jnp.abs(loc[..., 2])[..., None, None] + 1e-4
    sy = jnp.abs(loc[..., 3])[..., None, None] + 1e-4
    g = jnp.exp(-0.5 * (((xx - cx) / sx) ** 2 + ((yy - cy) / sy) ** 2))
    return g  # [..., H, W], unnormalized, values in (0, 1]


def setup_inputs(seed: int = 0) -> dict:
    key = jax.random.key(seed)
    k1, k2, k3 = jax.random.split(key, 3)
    conf = jax.random.uniform(k1, (4, 20000), dtype=jnp.float32)
    loc = jax.random.uniform(k2, (4, 20000, 4), dtype=jnp.float32)
    mask = jax.random.normal(k3, (4, 20000, 32), dtype=jnp.float32)
    return {"conf": conf, "loc": loc, "mask": mask}


def reference(conf, loc, mask):
    # --- UnsupervisedLoss.detect: sort by confidence (descending), keep top_k_conf ---
    idx = jnp.argsort(-conf, axis=-1)  # descending sort indices, [B, N]
    sorted_conf = jnp.take_along_axis(conf, idx, axis=-1)[:, :TOP_K_CONF]
    sorted_loc = jnp.take_along_axis(loc, idx[..., None], axis=1)[:, :TOP_K_CONF]
    sorted_mask = jnp.take_along_axis(mask, idx[..., None], axis=1)[:, :TOP_K_CONF]

    # --- Gaussian soft-masks per box, then pairwise Gaussian IoU ---
    gauss = unnormal_gaussian(IOU_GAUSS_DIM, sorted_loc)  # [B, K, H, W]
    gauss_rows = gauss[:, None, :, :, :]  # [B, 1, K, H, W]
    gauss_cols = gauss[:, :, None, :, :]  # [B, K, 1, H, W]
    gauss_intersection = jnp.sum(jnp.minimum(gauss_rows, gauss_cols), axis=(-2, -1))  # [B, K, K]
    gauss_union = jnp.sum(jnp.maximum(gauss_rows, gauss_cols), axis=(-2, -1))  # [B, K, K]
    gauss_iou = gauss_intersection / (gauss_union + EPS)

    # --- NMS-style keep: boxes with lowest max-IoU against higher-scoring boxes ---
    iou_max = jnp.max(jnp.triu(gauss_iou, k=1), axis=1)  # [B, K]
    sorted_iou_idx = jnp.argsort(iou_max, axis=-1)[:, :TOP_K_IOU]  # ascending, keep least-overlapping

    return gauss_iou, sorted_loc, sorted_mask, sorted_conf, sorted_iou_idx

if __name__ == "__main__":
    import jax
    _d = setup_inputs()
    print(jax.jit(kernel)(*tuple(_d.values())))

</pallas_src>

<mosaic_0001>
#map = affine_map<(d0, d1) -> (0, 0)>
#map1 = affine_map<(d0, d1) -> (0)>
module attributes {stable_mosaic.version = 14 : i64} {
  func.func @_sc_topk(%arg0: i32, %arg1: i32, %arg2: memref<32x2560xf32, #tpu.memory_space<hbm>>, %arg3: memref<2048xf32, #tpu.memory_space<hbm>>, %arg4: memref<2048xi32, #tpu.memory_space<hbm>>, %arg5: memref<2560xf32, #tpu.memory_space<vmem>>, %arg6: memref<64xf32, #tpu.memory_space<vmem>>, %arg7: memref<64xi32, #tpu.memory_space<vmem>>, %arg8: memref<16xi32, #tpu.memory_space<vmem>>, %arg9: memref<8x16xi32, #tpu.memory_space<vmem>>, %arg10: memref<4x16x16xi32, #tpu.memory_space<vmem_shared>>) attributes {dimension_semantics = [#tpu.dimension_semantics<core_parallel>, #tpu.dimension_semantics<subcore_parallel>], iteration_bounds = array<i64: 2, 16>, scalar_prefetch = 0 : i64, scratch_operands = 6 : i64, tpu.core_type = #tpu.core_type<sc_vector_subcore>, window_params = [{transform_indices = #map}, {transform_indices = #map1}, {transform_indices = #map1}]} {
    %jit3A = arith.constant 8 : i32
    %div3A = arith.divsi %arg1, %jit3A : i32
    %sign3A = arith.constant 0 : i32
    %sign3A_0 = arith.cmpi sgt, %arg1, %sign3A : i32
    %sign3A_1 = arith.extui %sign3A_0 : i1 to i32
    %sign3A_2 = arith.constant 0 : i32
    %sign3A_3 = arith.cmpi slt, %arg1, %sign3A_2 : i32
    %sign3A_4 = arith.extui %sign3A_3 : i1 to i32
    %sign3A_5 = arith.subi %sign3A_1, %sign3A_4 : i32
    %sign3A_6 = arith.constant 0 : i32
    %sign3A_7 = arith.cmpi sgt, %jit3A, %sign3A_6 : i32
    %sign3A_8 = arith.extui %sign3A_7 : i1 to i32
    %sign3A_9 = arith.constant 0 : i32
    %sign3A_10 = arith.cmpi slt, %jit3A, %sign3A_9 : i32
    %sign3A_11 = arith.extui %sign3A_10 : i1 to i32
    %sign3A_12 = arith.subi %sign3A_8, %sign3A_11 : i32
    %ne3A = arith.cmpi ne, %sign3A_5, %sign3A_12 : i32
    %rem3A = arith.remsi %arg1, %jit3A : i32
    %ne3A_13 = arith.constant 0 : i32
    %ne3A_14 = arith.cmpi ne, %rem3A, %ne3A_13 : i32
    %and3A = arith.andi %ne3A, %ne3A_14 : i1
    %sub3A = arith.constant 1 : i32
    %sub3A_15 = arith.subi %div3A, %sub3A : i32
    %select_n3A = arith.select %and3A, %sub3A_15, %div3A : i32
    %jit3A_16 = arith.constant 8 : i32
    %eq3A = arith.constant 0 : i32
    %eq3A_17 = arith.cmpi eq, %jit3A_16, %eq3A : i32
    %jit3A_18 = arith.constant 1 : i32
    %select_n3A_19 = arith.select %eq3A_17, %jit3A_18, %jit3A_16 : i32
    %rem3A_20 = arith.remsi %arg1, %select_n3A_19 : i32
    %ne3A_21 = arith.constant 0 : i32
    %ne3A_22 = arith.cmpi ne, %rem3A_20, %ne3A_21 : i32
    %lt3A = arith.constant 0 : i32
    %lt3A_23 = arith.cmpi slt, %rem3A_20, %lt3A : i32
    %lt3A_24 = arith.constant 0 : i32
    %lt3A_25 = arith.cmpi slt, %select_n3A_19, %lt3A_24 : i32
    %ne3A_26 = arith.xori %lt3A_23, %lt3A_25 : i1
    %and3A_27 = arith.andi %ne3A_26, %ne3A_22 : i1
    %add3A = arith.addi %rem3A_20, %select_n3A_19 : i32
    %select_n3A_28 = arith.select %and3A_27, %add3A, %rem3A_20 : i32
    %mul3A = arith.constant 2 : i32
    %mul3A_29 = arith.muli %mul3A, %arg0 : i32
    %add3A_30 = arith.addi %mul3A_29, %select_n3A : i32
    %mul3A_31 = arith.constant 16 : i32
    %mul3A_32 = arith.muli %mul3A_31, %arg0 : i32
    %add3A_33 = arith.addi %mul3A_32, %arg1 : i32
    "tpu.region"() ({
      %run_scoped3A_516 = tpu.sem_alloc : memref<!tpu.dma_semaphore, #tpu.memory_space<semaphore_mem>>
      %dma_start3A = arith.constant 0 : i32
      %dma_start3A_517 = tpu.memref_slice %arg2[%add3A_33, %dma_start3A] : memref<32x2560xf32, #tpu.memory_space<hbm>> -> memref<1x2560xf32, #tpu.memory_space<hbm>>
      %dma_start3A_518 = tpu.memref_squeeze %dma_start3A_517 : memref<1x2560xf32, #tpu.memory_space<hbm>> -> memref<2560xf32, #tpu.memory_space<hbm>>
      %dma_start3A_519 = arith.constant 0 : i32
      %dma_start3A_520 = tpu.memref_slice %arg2[%add3A_33, %dma_start3A_519] : memref<32x2560xf32, #tpu.memory_space<hbm>> -> memref<1x2560xf32, #tpu.memory_space<hbm>>
      %dma_start3A_521 = tpu.memref_squeeze %dma_start3A_520 : memref<1x2560xf32, #tpu.memory_space<hbm>> -> memref<2560xf32, #tpu.memory_space<hbm>>
      tpu.enqueue_dma source(%dma_start3A_521 : memref<2560xf32, #tpu.memory_space<hbm>>) target(%arg5 : memref<2560xf32, #tpu.memory_space<vmem>>) target_semaphore(%run_scoped3A_516 : memref<!tpu.dma_semaphore, #tpu.memory_space<semaphore_mem>>)
      %dma_wait3A = arith.constant 0 : i32
      %dma_wait3A_522 = tpu.memref_slice %arg2[%add3A_33, %dma_wait3A] : memref<32x2560xf32, #tpu.memory_space<hbm>> -> memref<1x2560xf32, #tpu.memory_space<hbm>>
      %dma_wait3A_523 = tpu.memref_squeeze %dma_wait3A_522 : memref<1x2560xf32, #tpu.memory_space<hbm>> -> memref<2560xf32, #tpu.memory_space<hbm>>
      %dma_wait3A_524 = arith.constant 0 : i32
      %dma_wait3A_525 = tpu.memref_slice %arg2[%add3A_33, %dma_wait3A_524] : memref<32x2560xf32, #tpu.memory_space<hbm>> -> memref<1x2560xf32, #tpu.memory_space<hbm>>
      %dma_wait3A_526 = tpu.memref_squeeze %dma_wait3A_525 : memref<1x2560xf32, #tpu.memory_space<hbm>> -> memref<2560xf32, #tpu.memory_space<hbm>>
      tpu.wait_dma2 semaphore(%run_scoped3A_516 : memref<!tpu.dma_semaphore, #tpu.memory_space<semaphore_mem>>) src(%dma_wait3A_526 : memref<2560xf32, #tpu.memory_space<hbm>>) dst(%arg5 : memref<2560xf32, #tpu.memory_space<vmem>>)
      tpu.yield
    }) : () -> ()
    %iota3A = tpu.iota {dimensions = array<i32: 0>} : vector<16xi32>
    %mul3A_34 = arith.constant 1.000000e+00 : f32
    %mul3A_35 = arith.constant 2.500000e-01 : f32
    %mul3A_36 = arith.mulf %mul3A_34, %mul3A_35 : f32
    %add3A_37 = arith.constant 0.000000e+00 : f32
    %add3A_38 = arith.addf %add3A_37, %mul3A_36 : f32
    %mul3A_39 = arith.constant 2.000000e+00 : f32
    %mul3A_40 = arith.mulf %mul3A_36, %mul3A_39 : f32
    %add3A_41 = arith.constant 0.000000e+00 : f32
    %add3A_42 = arith.addf %add3A_41, %mul3A_40 : f32
    %mul3A_43 = arith.constant 3.000000e+00 : f32
    %mul3A_44 = arith.mulf %mul3A_36, %mul3A_43 : f32
    %add3A_45 = arith.constant 0.000000e+00 : f32
    %add3A_46 = arith.addf %add3A_45, %mul3A_44 : f32
    %broadcast_in_dim3A = arith.constant 0 : i32
    %broadcast_in_dim3A_47 = vector.broadcast %broadcast_in_dim3A : i32 to vector<16xi32>
    %scan3A = arith.constant 0 : i32
    %scan3A_48 = arith.constant 40 : i32
    %scan3A_49 = arith.addi %scan3A, %scan3A_48 : i32
    %scan3A_50 = arith.constant 1 : i32
    %scan3A_51:3 = scf.for %scan3A_516 = %scan3A to %scan3A_49 step %scan3A_50 iter_args(%scan3A_517 = %broadcast_in_dim3A_47, %scan3A_518 = %broadcast_in_dim3A_47, %scan3A_519 = %broadcast_in_dim3A_47) -> (vector<16xi32>, vector<16xi32>, vector<16xi32>)  : i32 {
      %mul3A_520 = arith.constant 64 : i32
      %mul3A_521 = arith.muli %scan3A_516, %mul3A_520 : i32
      %add3A_522 = arith.constant 0 : i32
      %add3A_523 = arith.addi %mul3A_521, %add3A_522 : i32
      %get3A_524 = arith.index_cast %add3A_523 : i32 to index
      %get3A_525 = tpu.vector_load %arg5[%get3A_524] {strides = array<i32>} : memref<2560xf32, #tpu.memory_space<vmem>>, vector<16xf32>,
      %ge3A_526 = vector.broadcast %add3A_38 : f32 to vector<16xf32>
      %ge3A_527 = arith.cmpf oge, %get3A_525, %ge3A_526 : vector<16xf32>
      %convert_element_type3A_528 = arith.extui %ge3A_527 : vector<16xi1> to vector<16xi32>
      %add3A_529 = arith.addi %scan3A_517, %convert_element_type3A_528 : vector<16xi32>
      %ge3A_530 = vector.broadcast %add3A_42 : f32 to vector<16xf32>
      %ge3A_531 = arith.cmpf oge, %get3A_525, %ge3A_530 : vector<16xf32>
      %convert_element_type3A_532 = arith.extui %ge3A_531 : vector<16xi1> to vector<16xi32>
      %add3A_533 = arith.addi %scan3A_518, %convert_element_type3A_532 : vector<16xi32>
      %ge3A_534 = vector.broadcast %add3A_46 : f32 to vector<16xf32>
      %ge3A_535 = arith.cmpf oge, %get3A_525, %ge3A_534 : vector<16xf32>
      %convert_element_type3A_536 = arith.extui %ge3A_535 : vector<16xi1> to vector<16xi32>
      %add3A_537 = arith.addi %scan3A_519, %convert_element_type3A_536 : vector<16xi32>
      %mul3A_538 = arith.constant 64 : i32
      %mul3A_539 = arith.muli %scan3A_516, %mul3A_538 : i32
      %add3A_540 = arith.constant 16 : i32
      %add3A_541 = arith.addi %mul3A_539, %add3A_540 : i32
      %get3A_542 = arith.index_cast %add3A_541 : i32 to index
      %get3A_543 = tpu.vector_load %arg5[%get3A_542] {strides = array<i32>} : memref<2560xf32, #tpu.memory_space<vmem>>, vector<16xf32>,
      %ge3A_544 = vector.broadcast %add3A_38 : f32 to vector<16xf32>
      %ge3A_545 = arith.cmpf oge, %get3A_543, %ge3A_544 : vector<16xf32>
      %convert_element_type3A_546 = arith.extui %ge3A_545 : vector<16xi1> to vector<16xi32>
      %add3A_547 = arith.addi %add3A_529, %convert_element_type3A_546 : vector<16xi32>
      %ge3A_548 = vector.broadcast %add3A_42 : f32 to vector<16xf32>
      %ge3A_549 = arith.cmpf oge, %get3A_543, %ge3A_548 : vector<16xf32>
      %convert_element_type3A_550 = arith.extui %ge3A_549 : vector<16xi1> to vector<16xi32>
      %add3A_551 = arith.addi %add3A_533, %convert_element_type3A_550 : vector<16xi32>
      %ge3A_552 = vector.broadcast %add3A_46 : f32 to vector<16xf32>
      %ge3A_553 = arith.cmpf oge, %get3A_543, %ge3A_552 : vector<16xf32>
      %convert_element_type3A_554 = arith.extui %ge3A_553 : vector<16xi1> to vector<16xi32>
      %add3A_555 = arith.addi %add3A_537, %convert_element_type3A_554 : vector<16xi32>
      %mul3A_556 = arith.constant 64 : i32
      %mul3A_557 = arith.muli %scan3A_516, %mul3A_556 : i32
      %add3A_558 = arith.constant 32 : i32
      %add3A_559 = arith.addi %mul3A_557, %add3A_558 : i32
      %get3A_560 = arith.index_cast %add3A_559 : i32 to index
      %get3A_561 = tpu.vector_load %arg5[%get3A_560] {strides = array<i32>} : memref<2560xf32, #tpu.memory_space<vmem>>, vector<16xf32>,
      %ge3A_562 = vector.broadcast %add3A_38 : f32 to vector<16xf32>
      %ge3A_563 = arith.cmpf oge, %get3A_561, %ge3A_562 : vector<16xf32>
      %convert_element_type3A_564 = arith.extui %ge3A_563 : vector<16xi1> to vector<16xi32>
      %add3A_565 = arith.addi %add3A_547, %convert_element_type3A_564 : vector<16xi32>
      %ge3A_566 = vector.broadcast %add3A_42 : f32 to vector<16xf32>
      %ge3A_567 = arith.cmpf oge, %get3A_561, %ge3A_566 : vector<16xf32>
      %convert_element_type3A_568 = arith.extui %ge3A_567 : vector<16xi1> to vector<16xi32>
      %add3A_569 = arith.addi %add3A_551, %convert_element_type3A_568 : vector<16xi32>
      %ge3A_570 = vector.broadcast %add3A_46 : f32 to vector<16xf32>
      %ge3A_571 = arith.cmpf oge, %get3A_561, %ge3A_570 : vector<16xf32>
      %convert_element_type3A_572 = arith.extui %ge3A_571 : vector<16xi1> to vector<16xi32>
      %add3A_573 = arith.addi %add3A_555, %convert_element_type3A_572 : vector<16xi32>
      %mul3A_574 = arith.constant 64 : i32
      %mul3A_575 = arith.muli %scan3A_516, %mul3A_574 : i32
      %add3A_576 = arith.constant 48 : i32
      %add3A_577 = arith.addi %mul3A_575, %add3A_576 : i32
      %get3A_578 = arith.index_cast %add3A_577 : i32 to index
      %get3A_579 = tpu.vector_load %arg5[%get3A_578] {strides = array<i32>} : memref<2560xf32, #tpu.memory_space<vmem>>, vector<16xf32>,
      %ge3A_580 = vector.broadcast %add3A_38 : f32 to vector<16xf32>
      %ge3A_581 = arith.cmpf oge, %get3A_579, %ge3A_580 : vector<16xf32>
      %convert_element_type3A_582 = arith.extui %ge3A_581 : vector<16xi1> to vector<16xi32>
      %add3A_583 = arith.addi %add3A_565, %convert_element_type3A_582 : vector<16xi32>
      %ge3A_584 = vector.broadcast %add3A_42 : f32 to vector<16xf32>
      %ge3A_585 = arith.cmpf oge, %get3A_579, %ge3A_584 : vector<16xf32>
      %convert_element_type3A_586 = arith.extui %ge3A_585 : vector<16xi1> to vector<16xi32>
      %add3A_587 = arith.addi %add3A_569, %convert_element_type3A_586 : vector<16xi32>
      %ge3A_588 = vector.broadcast %add3A_46 : f32 to vector<16xf32>
      %ge3A_589 = arith.cmpf oge, %get3A_579, %ge3A_588 : vector<16xf32>
      %convert_element_type3A_590 = arith.extui %ge3A_589 : vector<16xi1> to vector<16xi32>
      %add3A_591 = arith.addi %add3A_573, %convert_element_type3A_590 : vector<16xi32>
      scf.yield %add3A_583, %add3A_587, %add3A_591 : vector<16xi32>, vector<16xi32>, vector<16xi32>
    }
    %scan3A_52 = arith.constant 40 : i32
    %reduce_sum3A = arith.constant true
    %reduce_sum3A_53 = vector.broadcast %reduce_sum3A : i1 to vector<16xi1>
    %reduce_sum3A_54 = tpu.scan <sum>, %scan3A_51#0 masked %reduce_sum3A_53 : vector<16xi32>, vector<16xi1> -> vector<16xi32>
    %reduce_sum3A_55 = vector.extract %reduce_sum3A_54[15] : i32 from vector<16xi32>
    %reduce_sum3A_56 = arith.constant true
    %reduce_sum3A_57 = vector.broadcast %reduce_sum3A_56 : i1 to vector<16xi1>
    %reduce_sum3A_58 = tpu.scan <sum>, %scan3A_51#1 masked %reduce_sum3A_57 : vector<16xi32>, vector<16xi1> -> vector<16xi32>
    %reduce_sum3A_59 = vector.extract %reduce_sum3A_58[15] : i32 from vector<16xi32>
    %reduce_sum3A_60 = arith.constant true
    %reduce_sum3A_61 = vector.broadcast %reduce_sum3A_60 : i1 to vector<16xi1>
    %reduce_sum3A_62 = tpu.scan <sum>, %scan3A_51#2 masked %reduce_sum3A_61 : vector<16xi32>, vector<16xi1> -> vector<16xi32>
    %reduce_sum3A_63 = vector.extract %reduce_sum3A_62[15] : i32 from vector<16xi32>
    %eq3A_64 = arith.constant 0 : i32
    %eq3A_65 = vector.broadcast %eq3A_64 : i32 to vector<16xi32>
    %eq3A_66 = arith.cmpi eq, %iota3A, %eq3A_65 : vector<16xi32>
    %eq3A_67 = arith.constant 1 : i32
    %eq3A_68 = vector.broadcast %eq3A_67 : i32 to vector<16xi32>
    %eq3A_69 = arith.cmpi eq, %iota3A, %eq3A_68 : vector<16xi32>
    %eq3A_70 = arith.constant 2 : i32
    %eq3A_71 = vector.broadcast %eq3A_70 : i32 to vector<16xi32>
    %eq3A_72 = arith.cmpi eq, %iota3A, %eq3A_71 : vector<16xi32>
    %jit3A_73 = arith.constant 0 : i32
    %broadcast_in_dim3A_74 = vector.broadcast %reduce_sum3A_63 : i32 to vector<16xi32>
    %broadcast_in_dim3A_75 = vector.broadcast %jit3A_73 : i32 to vector<16xi32>
    %select_n3A_76 = arith.select %eq3A_72, %broadcast_in_dim3A_74, %broadcast_in_dim3A_75 : vector<16xi1>, vector<16xi32>
    %broadcast_in_dim3A_77 = vector.broadcast %reduce_sum3A_59 : i32 to vector<16xi32>
    %select_n3A_78 = arith.select %eq3A_69, %broadcast_in_dim3A_77, %select_n3A_76 : vector<16xi1>, vector<16xi32>
    %broadcast_in_dim3A_79 = vector.broadcast %reduce_sum3A_55 : i32 to vector<16xi32>
    %select_n3A_80 = arith.select %eq3A_66, %broadcast_in_dim3A_79, %select_n3A_78 : vector<16xi1>, vector<16xi32>
    %swap3A = arith.constant 0 : index
    %swap3A_81 = tpu.vector_load %arg8[%swap3A] {strides = array<i32>} : memref<16xi32, #tpu.memory_space<vmem>>, vector<16xi32>,
    tpu.vector_store %arg8[%swap3A], %select_n3A_80 {strides = array<i32>} : memref<16xi32, #tpu.memory_space<vmem>>, vector<16xi32>,
    %run_scoped3A = arith.constant 0 : i32
    "tpu.region"() ({
      %run_scoped3A_516 = tpu.sem_alloc : memref<!tpu.dma_semaphore, #tpu.memory_space<semaphore_mem>>
      %dma_start3A = arith.constant 0 : i32
      %dma_start3A_517 = tpu.memref_slice %arg10[%run_scoped3A, %arg1, %dma_start3A] : memref<4x16x16xi32, #tpu.memory_space<vmem_shared>> -> memref<1x1x16xi32, #tpu.memory_space<vmem_shared>>
      %dma_start3A_518 = tpu.memref_squeeze %dma_start3A_517 : memref<1x1x16xi32, #tpu.memory_space<vmem_shared>> -> memref<16xi32, #tpu.memory_space<vmem_shared>>
      %dma_start3A_519 = arith.constant 0 : i32
      %dma_start3A_520 = tpu.memref_slice %arg10[%run_scoped3A, %arg1, %dma_start3A_519] : memref<4x16x16xi32, #tpu.memory_space<vmem_shared>> -> memref<1x1x16xi32, #tpu.memory_space<vmem_shared>>
      %dma_start3A_521 = tpu.memref_squeeze %dma_start3A_520 : memref<1x1x16xi32, #tpu.memory_space<vmem_shared>> -> memref<16xi32, #tpu.memory_space<vmem_shared>>
      tpu.enqueue_dma source(%arg8 : memref<16xi32, #tpu.memory_space<vmem>>) target(%dma_start3A_521 : memref<16xi32, #tpu.memory_space<vmem_shared>>) target_semaphore(%run_scoped3A_516 : memref<!tpu.dma_semaphore, #tpu.memory_space<semaphore_mem>>)
      %dma_wait3A = arith.constant 0 : i32
      %dma_wait3A_522 = tpu.memref_slice %arg10[%run_scoped3A, %arg1, %dma_wait3A] : memref<4x16x16xi32, #tpu.memory_space<vmem_shared>> -> memref<1x1x16xi32, #tpu.memory_space<vmem_shared>>
      %dma_wait3A_523 = tpu.memref_squeeze %dma_wait3A_522 : memref<1x1x16xi32, #tpu.memory_space<vmem_shared>> -> memref<16xi32, #tpu.memory_space<vmem_shared>>
      %dma_wait3A_524 = arith.constant 0 : i32
      %dma_wait3A_525 = tpu.memref_slice %arg10[%run_scoped3A, %arg1, %dma_wait3A_524] : memref<4x16x16xi32, #tpu.memory_space<vmem_shared>> -> memref<1x1x16xi32, #tpu.memory_space<vmem_shared>>
      %dma_wait3A_526 = tpu.memref_squeeze %dma_wait3A_525 : memref<1x1x16xi32, #tpu.memory_space<vmem_shared>> -> memref<16xi32, #tpu.memory_space<vmem_shared>>
      tpu.wait_dma2 semaphore(%run_scoped3A_516 : memref<!tpu.dma_semaphore, #tpu.memory_space<semaphore_mem>>) src(%arg8 : memref<16xi32, #tpu.memory_space<vmem>>) dst(%dma_wait3A_526 : memref<16xi32, #tpu.memory_space<vmem_shared>>)
      tpu.yield
    }) : () -> ()
    %barrier3A = arith.constant 0 : index
    tpu.barrier barrier_id(%barrier3A)
    %mul3A_82 = arith.constant 8 : i32
    %mul3A_83 = arith.muli %mul3A_82, %select_n3A : i32
    %run_scoped3A_84 = arith.constant 0 : i32
    "tpu.region"() ({
      %run_scoped3A_516 = tpu.sem_alloc : memref<!tpu.dma_semaphore, #tpu.memory_space<semaphore_mem>>
      %dma_start3A = arith.constant 0 : i32
      %dma_start3A_517 = tpu.memref_slice %arg10[%run_scoped3A_84, %mul3A_83, %dma_start3A] : memref<4x16x16xi32, #tpu.memory_space<vmem_shared>> -> memref<1x8x16xi32, #tpu.memory_space<vmem_shared>>
      %dma_start3A_518 = tpu.memref_squeeze %dma_start3A_517 : memref<1x8x16xi32, #tpu.memory_space<vmem_shared>> -> memref<8x16xi32, #tpu.memory_space<vmem_shared>>
      %dma_start3A_519 = arith.constant 0 : i32
      %dma_start3A_520 = tpu.memref_slice %arg10[%run_scoped3A_84, %mul3A_83, %dma_start3A_519] : memref<4x16x16xi32, #tpu.memory_space<vmem_shared>> -> memref<1x8x16xi32, #tpu.memory_space<vmem_shared>>
      %dma_start3A_521 = tpu.memref_squeeze %dma_start3A_520 : memref<1x8x16xi32, #tpu.memory_space<vmem_shared>> -> memref<8x16xi32, #tpu.memory_space<vmem_shared>>
      tpu.enqueue_dma source(%dma_start3A_521 : memref<8x16xi32, #tpu.memory_space<vmem_shared>>) target(%arg9 : memref<8x16xi32, #tpu.memory_space<vmem>>) target_semaphore(%run_scoped3A_516 : memref<!tpu.dma_semaphore, #tpu.memory_space<semaphore_mem>>)
      %dma_wait3A = arith.constant 0 : i32
      %dma_wait3A_522 = tpu.memref_slice %arg10[%run_scoped3A_84, %mul3A_83, %dma_wait3A] : memref<4x16x16xi32, #tpu.memory_space<vmem_shared>> -> memref<1x8x16xi32, #tpu.memory_space<vmem_shared>>
      %dma_wait3A_523 = tpu.memref_squeeze %dma_wait3A_522 : memref<1x8x16xi32, #tpu.memory_space<vmem_shared>> -> memref<8x16xi32, #tpu.memory_space<vmem_shared>>
      %dma_wait3A_524 = arith.constant 0 : i32
      %dma_wait3A_525 = tpu.memref_slice %arg10[%run_scoped3A_84, %mul3A_83, %dma_wait3A_524] : memref<4x16x16xi32, #tpu.memory_space<vmem_shared>> -> memref<1x8x16xi32, #tpu.memory_space<vmem_shared>>
      %dma_wait3A_526 = tpu.memref_squeeze %dma_wait3A_525 : memref<1x8x16xi32, #tpu.memory_space<vmem_shared>> -> memref<8x16xi32, #tpu.memory_space<vmem_shared>>
      tpu.wait_dma2 semaphore(%run_scoped3A_516 : memref<!tpu.dma_semaphore, #tpu.memory_space<semaphore_mem>>) src(%dma_wait3A_526 : memref<8x16xi32, #tpu.memory_space<vmem_shared>>) dst(%arg9 : memref<8x16xi32, #tpu.memory_space<vmem>>)
      tpu.yield
    }) : () -> ()
    %broadcast_in_dim3A_85 = arith.constant 0 : i32
    %broadcast_in_dim3A_86 = vector.broadcast %broadcast_in_dim3A_85 : i32 to vector<16xi32>
    %get3A = arith.constant 0 : i32
    %get3A_87 = arith.index_cast %get3A : i32 to index
    %get3A_88 = arith.constant 0 : index
    %get3A_89 = tpu.vector_load %arg9[%get3A_87, %get3A_88] {strides = array<i32>} : memref<8x16xi32, #tpu.memory_space<vmem>>, vector<16xi32>,
    %add3A_90 = arith.addi %broadcast_in_dim3A_86, %get3A_89 : vector<16xi32>
    %get3A_91 = arith.constant 1 : i32
    %get3A_92 = arith.index_cast %get3A_91 : i32 to index
    %get3A_93 = arith.constant 0 : index
    %get3A_94 = tpu.vector_load %arg9[%get3A_92, %get3A_93] {strides = array<i32>} : memref<8x16xi32, #tpu.memory_space<vmem>>, vector<16xi32>,
    %add3A_95 = arith.addi %add3A_90, %get3A_94 : vector<16xi32>
    %get3A_96 = arith.constant 2 : i32
    %get3A_97 = arith.index_cast %get3A_96 : i32 to index
    %get3A_98 = arith.constant 0 : index
    %get3A_99 = tpu.vector_load %arg9[%get3A_97, %get3A_98] {strides = array<i32>} : memref<8x16xi32, #tpu.memory_space<vmem>>, vector<16xi32>,
    %add3A_100 = arith.addi %add3A_95, %get3A_99 : vector<16xi32>
    %get3A_101 = arith.constant 3 : i32
    %get3A_102 = arith.index_cast %get3A_101 : i32 to index
    %get3A_103 = arith.constant 0 : index
    %get3A_104 = tpu.vector_load %arg9[%get3A_102, %get3A_103] {strides = array<i32>} : memref<8x16xi32, #tpu.memory_space<vmem>>, vector<16xi32>,
    %add3A_105 = arith.addi %add3A_100, %get3A_104 : vector<16xi32>
    %get3A_106 = arith.constant 4 : i32
    %get3A_107 = arith.index_cast %get3A_106 : i32 to index
    %get3A_108 = arith.constant 0 : index
    %get3A_109 = tpu.vector_load %arg9[%get3A_107, %get3A_108] {strides = array<i32>} : memref<8x16xi32, #tpu.memory_space<vmem>>, vector<16xi32>,
    %add3A_110 = arith.addi %add3A_105, %get3A_109 : vector<16xi32>
    %get3A_111 = arith.constant 5 : i32
    %get3A_112 = arith.index_cast %get3A_111 : i32 to index
    %get3A_113 = arith.constant 0 : index
    %get3A_114 = tpu.vector_load %arg9[%get3A_112, %get3A_113] {strides = array<i32>} : memref<8x16xi32, #tpu.memory_space<vmem>>, vector<16xi32>,
    %add3A_115 = arith.addi %add3A_110, %get3A_114 : vector<16xi32>
    %get3A_116 = arith.constant 6 : i32
    %get3A_117 = arith.index_cast %get3A_116 : i32 to index
    %get3A_118 = arith.constant 0 : index
    %get3A_119 = tpu.vector_load %arg9[%get3A_117, %get3A_118] {strides = array<i32>} : memref<8x16xi32, #tpu.memory_space<vmem>>, vector<16xi32>,
    %add3A_120 = arith.addi %add3A_115, %get3A_119 : vector<16xi32>
    %get3A_121 = arith.constant 7 : i32
    %get3A_122 = arith.index_cast %get3A_121 : i32 to index
    %get3A_123 = arith.constant 0 : index
    %get3A_124 = tpu.vector_load %arg9[%get3A_122, %get3A_123] {strides = array<i32>} : memref<8x16xi32, #tpu.memory_space<vmem>>, vector<16xi32>,
    %add3A_125 = arith.addi %add3A_120, %get3A_124 : vector<16xi32>
    %ge3A = arith.constant 128 : i32
    %ge3A_126 = vector.broadcast %ge3A : i32 to vector<16xi32>
    %ge3A_127 = arith.cmpi sge, %add3A_125, %ge3A_126 : vector<16xi32>
    %lt3A_128 = arith.constant 3 : i32
    %lt3A_129 = vector.broadcast %lt3A_128 : i32 to vector<16xi32>
    %lt3A_130 = arith.cmpi slt, %iota3A, %lt3A_129 : vector<16xi32>
    %and3A_131 = arith.andi %ge3A_127, %lt3A_130 : vector<16xi1>
    %convert_element_type3A = arith.extui %and3A_131 : vector<16xi1> to vector<16xi32>
    %reduce_sum3A_132 = arith.constant true
    %reduce_sum3A_133 = vector.broadcast %reduce_sum3A_132 : i1 to vector<16xi1>
    %reduce_sum3A_134 = tpu.scan <sum>, %convert_element_type3A masked %reduce_sum3A_133 : vector<16xi32>, vector<16xi1> -> vector<16xi32>
    %reduce_sum3A_135 = vector.extract %reduce_sum3A_134[15] : i32 from vector<16xi32>
    %convert_element_type3A_136 = arith.sitofp %reduce_sum3A_135 : i32 to f32
    %mul3A_137 = arith.mulf %mul3A_36, %convert_element_type3A_136 : f32
    %add3A_138 = arith.constant 0.000000e+00 : f32
    %add3A_139 = arith.addf %add3A_138, %mul3A_137 : f32
    %mul3A_140 = arith.constant 2.500000e-01 : f32
    %mul3A_141 = arith.mulf %mul3A_36, %mul3A_140 : f32
    %add3A_142 = arith.addf %add3A_139, %mul3A_141 : f32
    %mul3A_143 = arith.constant 2.000000e+00 : f32
    %mul3A_144 = arith.mulf %mul3A_141, %mul3A_143 : f32
    %add3A_145 = arith.addf %add3A_139, %mul3A_144 : f32
    %mul3A_146 = arith.constant 3.000000e+00 : f32
    %mul3A_147 = arith.mulf %mul3A_141, %mul3A_146 : f32
    %add3A_148 = arith.addf %add3A_139, %mul3A_147 : f32
    %broadcast_in_dim3A_149 = arith.constant 0 : i32
    %broadcast_in_dim3A_150 = vector.broadcast %broadcast_in_dim3A_149 : i32 to vector<16xi32>
    %scan3A_151 = arith.constant 0 : i32
    %scan3A_152 = arith.constant 40 : i32
    %scan3A_153 = arith.addi %scan3A_151, %scan3A_152 : i32
    %scan3A_154 = arith.constant 1 : i32
    %scan3A_155:3 = scf.for %scan3A_516 = %scan3A_151 to %scan3A_153 step %scan3A_154 iter_args(%scan3A_517 = %broadcast_in_dim3A_150, %scan3A_518 = %broadcast_in_dim3A_150, %scan3A_519 = %broadcast_in_dim3A_150) -> (vector<16xi32>, vector<16xi32>, vector<16xi32>)  : i32 {
      %mul3A_520 = arith.constant 64 : i32
      %mul3A_521 = arith.muli %scan3A_516, %mul3A_520 : i32
      %add3A_522 = arith.constant 0 : i32
      %add3A_523 = arith.addi %mul3A_521, %add3A_522 : i32
      %get3A_524 = arith.index_cast %add3A_523 : i32 to index
      %get3A_525 = tpu.vector_load %arg5[%get3A_524] {strides = array<i32>} : memref<2560xf32, #tpu.memory_space<vmem>>, vector<16xf32>,
      %ge3A_526 = vector.broadcast %add3A_142 : f32 to vector<16xf32>
      %ge3A_527 = arith.cmpf oge, %get3A_525, %ge3A_526 : vector<16xf32>
      %convert_element_type3A_528 = arith.extui %ge3A_527 : vector<16xi1> to vector<16xi32>
      %add3A_529 = arith.addi %scan3A_517, %convert_element_type3A_528 : vector<16xi32>
      %ge3A_530 = vector.broadcast %add3A_145 : f32 to vector<16xf32>
      %ge3A_531 = arith.cmpf oge, %get3A_525, %ge3A_530 : vector<16xf32>
      %convert_element_type3A_532 = arith.extui %ge3A_531 : vector<16xi1> to vector<16xi32>
      %add3A_533 = arith.addi %scan3A_518, %convert_element_type3A_532 : vector<16xi32>
      %ge3A_534 = vector.broadcast %add3A_148 : f32 to vector<16xf32>
      %ge3A_535 = arith.cmpf oge, %get3A_525, %ge3A_534 : vector<16xf32>
      %convert_element_type3A_536 = arith.extui %ge3A_535 : vector<16xi1> to vector<16xi32>
      %add3A_537 = arith.addi %scan3A_519, %convert_element_type3A_536 : vector<16xi32>
      %mul3A_538 = arith.constant 64 : i32
      %mul3A_539 = arith.muli %scan3A_516, %mul3A_538 : i32
      %add3A_540 = arith.constant 16 : i32
      %add3A_541 = arith.addi %mul3A_539, %add3A_540 : i32
      %get3A_542 = arith.index_cast %add3A_541 : i32 to index
      %get3A_543 = tpu.vector_load %arg5[%get3A_542] {strides = array<i32>} : memref<2560xf32, #tpu.memory_space<vmem>>, vector<16xf32>,
      %ge3A_544 = vector.broadcast %add3A_142 : f32 to vector<16xf32>
      %ge3A_545 = arith.cmpf oge, %get3A_543, %ge3A_544 : vector<16xf32>
      %convert_element_type3A_546 = arith.extui %ge3A_545 : vector<16xi1> to vector<16xi32>
      %add3A_547 = arith.addi %add3A_529, %convert_element_type3A_546 : vector<16xi32>
      %ge3A_548 = vector.broadcast %add3A_145 : f32 to vector<16xf32>
      %ge3A_549 = arith.cmpf oge, %get3A_543, %ge3A_548 : vector<16xf32>
      %convert_element_type3A_550 = arith.extui %ge3A_549 : vector<16xi1> to vector<16xi32>
      %add3A_551 = arith.addi %add3A_533, %convert_element_type3A_550 : vector<16xi32>
      %ge3A_552 = vector.broadcast %add3A_148 : f32 to vector<16xf32>
      %ge3A_553 = arith.cmpf oge, %get3A_543, %ge3A_552 : vector<16xf32>
      %convert_element_type3A_554 = arith.extui %ge3A_553 : vector<16xi1> to vector<16xi32>
      %add3A_555 = arith.addi %add3A_537, %convert_element_type3A_554 : vector<16xi32>
      %mul3A_556 = arith.constant 64 : i32
      %mul3A_557 = arith.muli %scan3A_516, %mul3A_556 : i32
      %add3A_558 = arith.constant 32 : i32
      %add3A_559 = arith.addi %mul3A_557, %add3A_558 : i32
      %get3A_560 = arith.index_cast %add3A_559 : i32 to index
      %get3A_561 = tpu.vector_load %arg5[%get3A_560] {strides = array<i32>} : memref<2560xf32, #tpu.memory_space<vmem>>, vector<16xf32>,
      %ge3A_562 = vector.broadcast %add3A_142 : f32 to vector<16xf32>
      %ge3A_563 = arith.cmpf oge, %get3A_561, %ge3A_562 : vector<16xf32>
      %convert_element_type3A_564 = arith.extui %ge3A_563 : vector<16xi1> to vector<16xi32>
      %add3A_565 = arith.addi %add3A_547, %convert_element_type3A_564 : vector<16xi32>
      %ge3A_566 = vector.broadcast %add3A_145 : f32 to vector<16xf32>
      %ge3A_567 = arith.cmpf oge, %get3A_561, %ge3A_566 : vector<16xf32>
      %convert_element_type3A_568 = arith.extui %ge3A_567 : vector<16xi1> to vector<16xi32>
      %add3A_569 = arith.addi %add3A_551, %convert_element_type3A_568 : vector<16xi32>
      %ge3A_570 = vector.broadcast %add3A_148 : f32 to vector<16xf32>
      %ge3A_571 = arith.cmpf oge, %get3A_561, %ge3A_570 : vector<16xf32>
      %convert_element_type3A_572 = arith.extui %ge3A_571 : vector<16xi1> to vector<16xi32>
      %add3A_573 = arith.addi %add3A_555, %convert_element_type3A_572 : vector<16xi32>
      %mul3A_574 = arith.constant 64 : i32
      %mul3A_575 = arith.muli %scan3A_516, %mul3A_574 : i32
      %add3A_576 = arith.constant 48 : i32
      %add3A_577 = arith.addi %mul3A_575, %add3A_576 : i32
      %get3A_578 = arith.index_cast %add3A_577 : i32 to index
      %get3A_579 = tpu.vector_load %arg5[%get3A_578] {strides = array<i32>} : memref<2560xf32, #tpu.memory_space<vmem>>, vector<16xf32>,
      %ge3A_580 = vector.broadcast %add3A_142 : f32 to vector<16xf32>
      %ge3A_581 = arith.cmpf oge, %get3A_579, %ge3A_580 : vector<16xf32>
      %convert_element_type3A_582 = arith.extui %ge3A_581 : vector<16xi1> to vector<16xi32>
      %add3A_583 = arith.addi %add3A_565, %convert_element_type3A_582 : vector<16xi32>
      %ge3A_584 = vector.broadcast %add3A_145 : f32 to vector<16xf32>
      %ge3A_585 = arith.cmpf oge, %get3A_579, %ge3A_584 : vector<16xf32>
      %convert_element_type3A_586 = arith.extui %ge3A_585 : vector<16xi1> to vector<16xi32>
      %add3A_587 = arith.addi %add3A_569, %convert_element_type3A_586 : vector<16xi32>
      %ge3A_588 = vector.broadcast %add3A_148 : f32 to vector<16xf32>
      %ge3A_589 = arith.cmpf oge, %get3A_579, %ge3A_588 : vector<16xf32>
      %convert_element_type3A_590 = arith.extui %ge3A_589 : vector<16xi1> to vector<16xi32>
      %add3A_591 = arith.addi %add3A_573, %convert_element_type3A_590 : vector<16xi32>
      scf.yield %add3A_583, %add3A_587, %add3A_591 : vector<16xi32>, vector<16xi32>, vector<16xi32>
    }
    %scan3A_156 = arith.constant 40 : i32
    %reduce_sum3A_157 = arith.constant true
    %reduce_sum3A_158 = vector.broadcast %reduce_sum3A_157 : i1 to vector<16xi1>
    %reduce_sum3A_159 = tpu.scan <sum>, %scan3A_155#0 masked %reduce_sum3A_158 : vector<16xi32>, vector<16xi1> -> vector<16xi32>
    %reduce_sum3A_160 = vector.extract %reduce_sum3A_159[15] : i32 from vector<16xi32>
    %reduce_sum3A_161 = arith.constant true
    %reduce_sum3A_162 = vector.broadcast %reduce_sum3A_161 : i1 to vector<16xi1>
    %reduce_sum3A_163 = tpu.scan <sum>, %scan3A_155#1 masked %reduce_sum3A_162 : vector<16xi32>, vector<16xi1> -> vector<16xi32>
    %reduce_sum3A_164 = vector.extract %reduce_sum3A_163[15] : i32 from vector<16xi32>
    %reduce_sum3A_165 = arith.constant true
    %reduce_sum3A_166 = vector.broadcast %reduce_sum3A_165 : i1 to vector<16xi1>
    %reduce_sum3A_167 = tpu.scan <sum>, %scan3A_155#2 masked %reduce_sum3A_166 : vector<16xi32>, vector<16xi1> -> vector<16xi32>
    %reduce_sum3A_168 = vector.extract %reduce_sum3A_167[15] : i32 from vector<16xi32>
    %eq3A_169 = arith.constant 0 : i32
    %eq3A_170 = vector.broadcast %eq3A_169 : i32 to vector<16xi32>
    %eq3A_171 = arith.cmpi eq, %iota3A, %eq3A_170 : vector<16xi32>
    %eq3A_172 = arith.constant 1 : i32
    %eq3A_173 = vector.broadcast %eq3A_172 : i32 to vector<16xi32>
    %eq3A_174 = arith.cmpi eq, %iota3A, %eq3A_173 : vector<16xi32>
    %eq3A_175 = arith.constant 2 : i32
    %eq3A_176 = vector.broadcast %eq3A_175 : i32 to vector<16xi32>
    %eq3A_177 = arith.cmpi eq, %iota3A, %eq3A_176 : vector<16xi32>
    %jit3A_178 = arith.constant 0 : i32
    %broadcast_in_dim3A_179 = vector.broadcast %reduce_sum3A_168 : i32 to vector<16xi32>
    %broadcast_in_dim3A_180 = vector.broadcast %jit3A_178 : i32 to vector<16xi32>
    %select_n3A_181 = arith.select %eq3A_177, %broadcast_in_dim3A_179, %broadcast_in_dim3A_180 : vector<16xi1>, vector<16xi32>
    %broadcast_in_dim3A_182 = vector.broadcast %reduce_sum3A_164 : i32 to vector<16xi32>
    %select_n3A_183 = arith.select %eq3A_174, %broadcast_in_dim3A_182, %select_n3A_181 : vector<16xi1>, vector<16xi32>
    %broadcast_in_dim3A_184 = vector.broadcast %reduce_sum3A_160 : i32 to vector<16xi32>
    %select_n3A_185 = arith.select %eq3A_171, %broadcast_in_dim3A_184, %select_n3A_183 : vector<16xi1>, vector<16xi32>
    %swap3A_186 = arith.constant 0 : index
    %swap3A_187 = tpu.vector_load %arg8[%swap3A_186] {strides = array<i32>} : memref<16xi32, #tpu.memory_space<vmem>>, vector<16xi32>,
    tpu.vector_store %arg8[%swap3A_186], %select_n3A_185 {strides = array<i32>} : memref<16xi32, #tpu.memory_space<vmem>>, vector<16xi32>,
    %run_scoped3A_188 = arith.constant 1 : i32
    "tpu.region"() ({
      %run_scoped3A_516 = tpu.sem_alloc : memref<!tpu.dma_semaphore, #tpu.memory_space<semaphore_mem>>
      %dma_start3A = arith.constant 0 : i32
      %dma_start3A_517 = tpu.memref_slice %arg10[%run_scoped3A_188, %arg1, %dma_start3A] : memref<4x16x16xi32, #tpu.memory_space<vmem_shared>> -> memref<1x1x16xi32, #tpu.memory_space<vmem_shared>>
      %dma_start3A_518 = tpu.memref_squeeze %dma_start3A_517 : memref<1x1x16xi32, #tpu.memory_space<vmem_shared>> -> memref<16xi32, #tpu.memory_space<vmem_shared>>
      %dma_start3A_519 = arith.constant 0 : i32
      %dma_start3A_520 = tpu.memref_slice %arg10[%run_scoped3A_188, %arg1, %dma_start3A_519] : memref<4x16x16xi32, #tpu.memory_space<vmem_shared>> -> memref<1x1x16xi32, #tpu.memory_space<vmem_shared>>
      %dma_start3A_521 = tpu.memref_squeeze %dma_start3A_520 : memref<1x1x16xi32, #tpu.memory_space<vmem_shared>> -> memref<16xi32, #tpu.memory_space<vmem_shared>>
      tpu.enqueue_dma source(%arg8 : memref<16xi32, #tpu.memory_space<vmem>>) target(%dma_start3A_521 : memref<16xi32, #tpu.memory_space<vmem_shared>>) target_semaphore(%run_scoped3A_516 : memref<!tpu.dma_semaphore, #tpu.memory_space<semaphore_mem>>)
      %dma_wait3A = arith.constant 0 : i32
      %dma_wait3A_522 = tpu.memref_slice %arg10[%run_scoped3A_188, %arg1, %dma_wait3A] : memref<4x16x16xi32, #tpu.memory_space<vmem_shared>> -> memref<1x1x16xi32, #tpu.memory_space<vmem_shared>>
      %dma_wait3A_523 = tpu.memref_squeeze %dma_wait3A_522 : memref<1x1x16xi32, #tpu.memory_space<vmem_shared>> -> memref<16xi32, #tpu.memory_space<vmem_shared>>
      %dma_wait3A_524 = arith.constant 0 : i32
      %dma_wait3A_525 = tpu.memref_slice %arg10[%run_scoped3A_188, %arg1, %dma_wait3A_524] : memref<4x16x16xi32, #tpu.memory_space<vmem_shared>> -> memref<1x1x16xi32, #tpu.memory_space<vmem_shared>>
      %dma_wait3A_526 = tpu.memref_squeeze %dma_wait3A_525 : memref<1x1x16xi32, #tpu.memory_space<vmem_shared>> -> memref<16xi32, #tpu.memory_space<vmem_shared>>
      tpu.wait_dma2 semaphore(%run_scoped3A_516 : memref<!tpu.dma_semaphore, #tpu.memory_space<semaphore_mem>>) src(%arg8 : memref<16xi32, #tpu.memory_space<vmem>>) dst(%dma_wait3A_526 : memref<16xi32, #tpu.memory_space<vmem_shared>>)
      tpu.yield
    }) : () -> ()
    %barrier3A_189 = arith.constant 0 : index
    tpu.barrier barrier_id(%barrier3A_189)
    %mul3A_190 = arith.constant 8 : i32
    %mul3A_191 = arith.muli %mul3A_190, %select_n3A : i32
    %run_scoped3A_192 = arith.constant 1 : i32
    "tpu.region"() ({
      %run_scoped3A_516 = tpu.sem_alloc : memref<!tpu.dma_semaphore, #tpu.memory_space<semaphore_mem>>
      %dma_start3A = arith.constant 0 : i32
      %dma_start3A_517 = tpu.memref_slice %arg10[%run_scoped3A_192, %mul3A_191, %dma_start3A] : memref<4x16x16xi32, #tpu.memory_space<vmem_shared>> -> memref<1x8x16xi32, #tpu.memory_space<vmem_shared>>
      %dma_start3A_518 = tpu.memref_squeeze %dma_start3A_517 : memref<1x8x16xi32, #tpu.memory_space<vmem_shared>> -> memref<8x16xi32, #tpu.memory_space<vmem_shared>>
      %dma_start3A_519 = arith.constant 0 : i32
      %dma_start3A_520 = tpu.memref_slice %arg10[%run_scoped3A_192, %mul3A_191, %dma_start3A_519] : memref<4x16x16xi32, #tpu.memory_space<vmem_shared>> -> memref<1x8x16xi32, #tpu.memory_space<vmem_shared>>
      %dma_start3A_521 = tpu.memref_squeeze %dma_start3A_520 : memref<1x8x16xi32, #tpu.memory_space<vmem_shared>> -> memref<8x16xi32, #tpu.memory_space<vmem_shared>>
      tpu.enqueue_dma source(%dma_start3A_521 : memref<8x16xi32, #tpu.memory_space<vmem_shared>>) target(%arg9 : memref<8x16xi32, #tpu.memory_space<vmem>>) target_semaphore(%run_scoped3A_516 : memref<!tpu.dma_semaphore, #tpu.memory_space<semaphore_mem>>)
      %dma_wait3A = arith.constant 0 : i32
      %dma_wait3A_522 = tpu.memref_slice %arg10[%run_scoped3A_192, %mul3A_191, %dma_wait3A] : memref<4x16x16xi32, #tpu.memory_space<vmem_shared>> -> memref<1x8x16xi32, #tpu.memory_space<vmem_shared>>
      %dma_wait3A_523 = tpu.memref_squeeze %dma_wait3A_522 : memref<1x8x16xi32, #tpu.memory_space<vmem_shared>> -> memref<8x16xi32, #tpu.memory_space<vmem_shared>>
      %dma_wait3A_524 = arith.constant 0 : i32
      %dma_wait3A_525 = tpu.memref_slice %arg10[%run_scoped3A_192, %mul3A_191, %dma_wait3A_524] : memref<4x16x16xi32, #tpu.memory_space<vmem_shared>> -> memref<1x8x16xi32, #tpu.memory_space<vmem_shared>>
      %dma_wait3A_526 = tpu.memref_squeeze %dma_wait3A_525 : memref<1x8x16xi32, #tpu.memory_space<vmem_shared>> -> memref<8x16xi32, #tpu.memory_space<vmem_shared>>
      tpu.wait_dma2 semaphore(%run_scoped3A_516 : memref<!tpu.dma_semaphore, #tpu.memory_space<semaphore_mem>>) src(%dma_wait3A_526 : memref<8x16xi32, #tpu.memory_space<vmem_shared>>) dst(%arg9 : memref<8x16xi32, #tpu.memory_space<vmem>>)
      tpu.yield
    }) : () -> ()
    %broadcast_in_dim3A_193 = arith.constant 0 : i32
    %broadcast_in_dim3A_194 = vector.broadcast %broadcast_in_dim3A_193 : i32 to vector<16xi32>
    %get3A_195 = arith.constant 0 : i32
    %get3A_196 = arith.index_cast %get3A_195 : i32 to index
    %get3A_197 = arith.constant 0 : index
    %get3A_198 = tpu.vector_load %arg9[%get3A_196, %get3A_197] {strides = array<i32>} : memref<8x16xi32, #tpu.memory_space<vmem>>, vector<16xi32>,
    %add3A_199 = arith.addi %broadcast_in_dim3A_194, %get3A_198 : vector<16xi32>
    %get3A_200 = arith.constant 1 : i32
    %get3A_201 = arith.index_cast %get3A_200 : i32 to index
    %get3A_202 = arith.constant 0 : index
    %get3A_203 = tpu.vector_load %arg9[%get3A_201, %get3A_202] {strides = array<i32>} : memref<8x16xi32, #tpu.memory_space<vmem>>, vector<16xi32>,
    %add3A_204 = arith.addi %add3A_199, %get3A_203 : vector<16xi32>
    %get3A_205 = arith.constant 2 : i32
    %get3A_206 = arith.index_cast %get3A_205 : i32 to index
    %get3A_207 = arith.constant 0 : index
    %get3A_208 = tpu.vector_load %arg9[%get3A_206, %get3A_207] {strides = array<i32>} : memref<8x16xi32, #tpu.memory_space<vmem>>, vector<16xi32>,
    %add3A_209 = arith.addi %add3A_204, %get3A_208 : vector<16xi32>
    %get3A_210 = arith.constant 3 : i32
    %get3A_211 = arith.index_cast %get3A_210 : i32 to index
    %get3A_212 = arith.constant 0 : index
    %get3A_213 = tpu.vector_load %arg9[%get3A_211, %get3A_212] {strides = array<i32>} : memref<8x16xi32, #tpu.memory_space<vmem>>, vector<16xi32>,
    %add3A_214 = arith.addi %add3A_209, %get3A_213 : vector<16xi32>
    %get3A_215 = arith.constant 4 : i32
    %get3A_216 = arith.index_cast %get3A_215 : i32 to index
    %get3A_217 = arith.constant 0 : index
    %get3A_218 = tpu.vector_load %arg9[%get3A_216, %get3A_217] {strides = array<i32>} : memref<8x16xi32, #tpu.memory_space<vmem>>, vector<16xi32>,
    %add3A_219 = arith.addi %add3A_214, %get3A_218 : vector<16xi32>
    %get3A_220 = arith.constant 5 : i32
    %get3A_221 = arith.index_cast %get3A_220 : i32 to index
    %get3A_222 = arith.constant 0 : index
    %get3A_223 = tpu.vector_load %arg9[%get3A_221, %get3A_222] {strides = array<i32>} : memref<8x16xi32, #tpu.memory_space<vmem>>, vector<16xi32>,
    %add3A_224 = arith.addi %add3A_219, %get3A_223 : vector<16xi32>
    %get3A_225 = arith.constant 6 : i32
    %get3A_226 = arith.index_cast %get3A_225 : i32 to index
    %get3A_227 = arith.constant 0 : index
    %get3A_228 = tpu.vector_load %arg9[%get3A_226, %get3A_227] {strides = array<i32>} : memref<8x16xi32, #tpu.memory_space<vmem>>, vector<16xi32>,
    %add3A_229 = arith.addi %add3A_224, %get3A_228 : vector<16xi32>
    %get3A_230 = arith.constant 7 : i32
    %get3A_231 = arith.index_cast %get3A_230 : i32 to index
    %get3A_232 = arith.constant 0 : index
    %get3A_233 = tpu.vector_load %arg9[%get3A_231, %get3A_232] {strides = array<i32>} : memref<8x16xi32, #tpu.memory_space<vmem>>, vector<16xi32>,
    %add3A_234 = arith.addi %add3A_229, %get3A_233 : vector<16xi32>
    %ge3A_235 = arith.constant 128 : i32
    %ge3A_236 = vector.broadcast %ge3A_235 : i32 to vector<16xi32>
    %ge3A_237 = arith.cmpi sge, %add3A_234, %ge3A_236 : vector<16xi32>
    %lt3A_238 = arith.constant 3 : i32
    %lt3A_239 = vector.broadcast %lt3A_238 : i32 to vector<16xi32>
    %lt3A_240 = arith.cmpi slt, %iota3A, %lt3A_239 : vector<16xi32>
    %and3A_241 = arith.andi %ge3A_237, %lt3A_240 : vector<16xi1>
    %convert_element_type3A_242 = arith.extui %and3A_241 : vector<16xi1> to vector<16xi32>
    %reduce_sum3A_243 = arith.constant true
    %reduce_sum3A_244 = vector.broadcast %reduce_sum3A_243 : i1 to vector<16xi1>
    %reduce_sum3A_245 = tpu.scan <sum>, %convert_element_type3A_242 masked %reduce_sum3A_244 : vector<16xi32>, vector<16xi1> -> vector<16xi32>
    %reduce_sum3A_246 = vector.extract %reduce_sum3A_245[15] : i32 from vector<16xi32>
    %convert_element_type3A_247 = arith.sitofp %reduce_sum3A_246 : i32 to f32
    %mul3A_248 = arith.mulf %mul3A_141, %convert_element_type3A_247 : f32
    %add3A_249 = arith.addf %add3A_139, %mul3A_248 : f32
    %mul3A_250 = arith.constant 2.500000e-01 : f32
    %mul3A_251 = arith.mulf %mul3A_141, %mul3A_250 : f32
    %add3A_252 = arith.addf %add3A_249, %mul3A_251 : f32
    %mul3A_253 = arith.constant 2.000000e+00 : f32
    %mul3A_254 = arith.mulf %mul3A_251, %mul3A_253 : f32
    %add3A_255 = arith.addf %add3A_249, %mul3A_254 : f32
    %mul3A_256 = arith.constant 3.000000e+00 : f32
    %mul3A_257 = arith.mulf %mul3A_251, %mul3A_256 : f32
    %add3A_258 = arith.addf %add3A_249, %mul3A_257 : f32
    %broadcast_in_dim3A_259 = arith.constant 0 : i32
    %broadcast_in_dim3A_260 = vector.broadcast %broadcast_in_dim3A_259 : i32 to vector<16xi32>
    %scan3A_261 = arith.constant 0 : i32
    %scan3A_262 = arith.constant 40 : i32
    %scan3A_263 = arith.addi %scan3A_261, %scan3A_262 : i32
    %scan3A_264 = arith.constant 1 : i32
    %scan3A_265:3 = scf.for %scan3A_516 = %scan3A_261 to %scan3A_263 step %scan3A_264 iter_args(%scan3A_517 = %broadcast_in_dim3A_260, %scan3A_518 = %broadcast_in_dim3A_260, %scan3A_519 = %broadcast_in_dim3A_260) -> (vector<16xi32>, vector<16xi32>, vector<16xi32>)  : i32 {
      %mul3A_520 = arith.constant 64 : i32
      %mul3A_521 = arith.muli %scan3A_516, %mul3A_520 : i32
      %add3A_522 = arith.constant 0 : i32
      %add3A_523 = arith.addi %mul3A_521, %add3A_522 : i32
      %get3A_524 = arith.index_cast %add3A_523 : i32 to index
      %get3A_525 = tpu.vector_load %arg5[%get3A_524] {strides = array<i32>} : memref<2560xf32, #tpu.memory_space<vmem>>, vector<16xf32>,
      %ge3A_526 = vector.broadcast %add3A_252 : f32 to vector<16xf32>
      %ge3A_527 = arith.cmpf oge, %get3A_525, %ge3A_526 : vector<16xf32>
      %convert_element_type3A_528 = arith.extui %ge3A_527 : vector<16xi1> to vector<16xi32>
      %add3A_529 = arith.addi %scan3A_517, %convert_element_type3A_528 : vector<16xi32>
      %ge3A_530 = vector.broadcast %add3A_255 : f32 to vector<16xf32>
      %ge3A_531 = arith.cmpf oge, %get3A_525, %ge3A_530 : vector<16xf32>
      %convert_element_type3A_532 = arith.extui %ge3A_531 : vector<16xi1> to vector<16xi32>
      %add3A_533 = arith.addi %scan3A_518, %convert_element_type3A_532 : vector<16xi32>
      %ge3A_534 = vector.broadcast %add3A_258 : f32 to vector<16xf32>
      %ge3A_535 = arith.cmpf oge, %get3A_525, %ge3A_534 : vector<16xf32>
      %convert_element_type3A_536 = arith.extui %ge3A_535 : vector<16xi1> to vector<16xi32>
      %add3A_537 = arith.addi %scan3A_519, %convert_element_type3A_536 : vector<16xi32>
      %mul3A_538 = arith.constant 64 : i32
      %mul3A_539 = arith.muli %scan3A_516, %mul3A_538 : i32
      %add3A_540 = arith.constant 16 : i32
      %add3A_541 = arith.addi %mul3A_539, %add3A_540 : i32
      %get3A_542 = arith.index_cast %add3A_541 : i32 to index
      %get3A_543 = tpu.vector_load %arg5[%get3A_542] {strides = array<i32>} : memref<2560xf32, #tpu.memory_space<vmem>>, vector<16xf32>,
      %ge3A_544 = vector.broadcast %add3A_252 : f32 to vector<16xf32>
      %ge3A_545 = arith.cmpf oge, %get3A_543, %ge3A_544 : vector<16xf32>
      %convert_element_type3A_546 = arith.extui %ge3A_545 : vector<16xi1> to vector<16xi32>
      %add3A_547 = arith.addi %add3A_529, %convert_element_type3A_546 : vector<16xi32>
      %ge3A_548 = vector.broadcast %add3A_255 : f32 to vector<16xf32>
      %ge3A_549 = arith.cmpf oge, %get3A_543, %ge3A_548 : vector<16xf32>
      %convert_element_type3A_550 = arith.extui %ge3A_549 : vector<16xi1> to vector<16xi32>
      %add3A_551 = arith.addi %add3A_533, %convert_element_type3A_550 : vector<16xi32>
      %ge3A_552 = vector.broadcast %add3A_258 : f32 to vector<16xf32>
      %ge3A_553 = arith.cmpf oge, %get3A_543, %ge3A_552 : vector<16xf32>
      %convert_element_type3A_554 = arith.extui %ge3A_553 : vector<16xi1> to vector<16xi32>
      %add3A_555 = arith.addi %add3A_537, %convert_element_type3A_554 : vector<16xi32>
      %mul3A_556 = arith.constant 64 : i32
      %mul3A_557 = arith.muli %scan3A_516, %mul3A_556 : i32
      %add3A_558 = arith.constant 32 : i32
      %add3A_559 = arith.addi %mul3A_557, %add3A_558 : i32
      %get3A_560 = arith.index_cast %add3A_559 : i32 to index
      %get3A_561 = tpu.vector_load %arg5[%get3A_560] {strides = array<i32>} : memref<2560xf32, #tpu.memory_space<vmem>>, vector<16xf32>,
      %ge3A_562 = vector.broadcast %add3A_252 : f32 to vector<16xf32>
      %ge3A_563 = arith.cmpf oge, %get3A_561, %ge3A_562 : vector<16xf32>
      %convert_element_type3A_564 = arith.extui %ge3A_563 : vector<16xi1> to vector<16xi32>
      %add3A_565 = arith.addi %add3A_547, %convert_element_type3A_564 : vector<16xi32>
      %ge3A_566 = vector.broadcast %add3A_255 : f32 to vector<16xf32>
      %ge3A_567 = arith.cmpf oge, %get3A_561, %ge3A_566 : vector<16xf32>
      %convert_element_type3A_568 = arith.extui %ge3A_567 : vector<16xi1> to vector<16xi32>
      %add3A_569 = arith.addi %add3A_551, %convert_element_type3A_568 : vector<16xi32>
      %ge3A_570 = vector.broadcast %add3A_258 : f32 to vector<16xf32>
      %ge3A_571 = arith.cmpf oge, %get3A_561, %ge3A_570 : vector<16xf32>
      %convert_element_type3A_572 = arith.extui %ge3A_571 : vector<16xi1> to vector<16xi32>
      %add3A_573 = arith.addi %add3A_555, %convert_element_type3A_572 : vector<16xi32>
      %mul3A_574 = arith.constant 64 : i32
      %mul3A_575 = arith.muli %scan3A_516, %mul3A_574 : i32
      %add3A_576 = arith.constant 48 : i32
      %add3A_577 = arith.addi %mul3A_575, %add3A_576 : i32
      %get3A_578 = arith.index_cast %add3A_577 : i32 to index
      %get3A_579 = tpu.vector_load %arg5[%get3A_578] {strides = array<i32>} : memref<2560xf32, #tpu.memory_space<vmem>>, vector<16xf32>,
      %ge3A_580 = vector.broadcast %add3A_252 : f32 to vector<16xf32>
      %ge3A_581 = arith.cmpf oge, %get3A_579, %ge3A_580 : vector<16xf32>
      %convert_element_type3A_582 = arith.extui %ge3A_581 : vector<16xi1> to vector<16xi32>
      %add3A_583 = arith.addi %add3A_565, %convert_element_type3A_582 : vector<16xi32>
      %ge3A_584 = vector.broadcast %add3A_255 : f32 to vector<16xf32>
      %ge3A_585 = arith.cmpf oge, %get3A_579, %ge3A_584 : vector<16xf32>
      %convert_element_type3A_586 = arith.extui %ge3A_585 : vector<16xi1> to vector<16xi32>
      %add3A_587 = arith.addi %add3A_569, %convert_element_type3A_586 : vector<16xi32>
      %ge3A_588 = vector.broadcast %add3A_258 : f32 to vector<16xf32>
      %ge3A_589 = arith.cmpf oge, %get3A_579, %ge3A_588 : vector<16xf32>
      %convert_element_type3A_590 = arith.extui %ge3A_589 : vector<16xi1> to vector<16xi32>
      %add3A_591 = arith.addi %add3A_573, %convert_element_type3A_590 : vector<16xi32>
      scf.yield %add3A_583, %add3A_587, %add3A_591 : vector<16xi32>, vector<16xi32>, vector<16xi32>
    }
    %scan3A_266 = arith.constant 40 : i32
    %reduce_sum3A_267 = arith.constant true
    %reduce_sum3A_268 = vector.broadcast %reduce_sum3A_267 : i1 to vector<16xi1>
    %reduce_sum3A_269 = tpu.scan <sum>, %scan3A_265#0 masked %reduce_sum3A_268 : vector<16xi32>, vector<16xi1> -> vector<16xi32>
    %reduce_sum3A_270 = vector.extract %reduce_sum3A_269[15] : i32 from vector<16xi32>
    %reduce_sum3A_271 = arith.constant true
    %reduce_sum3A_272 = vector.broadcast %reduce_sum3A_271 : i1 to vector<16xi1>
    %reduce_sum3A_273 = tpu.scan <sum>, %scan3A_265#1 masked %reduce_sum3A_272 : vector<16xi32>, vector<16xi1> -> vector<16xi32>
    %reduce_sum3A_274 = vector.extract %reduce_sum3A_273[15] : i32 from vector<16xi32>
    %reduce_sum3A_275 = arith.constant true
    %reduce_sum3A_276 = vector.broadcast %reduce_sum3A_275 : i1 to vector<16xi1>
    %reduce_sum3A_277 = tpu.scan <sum>, %scan3A_265#2 masked %reduce_sum3A_276 : vector<16xi32>, vector<16xi1> -> vector<16xi32>
    %reduce_sum3A_278 = vector.extract %reduce_sum3A_277[15] : i32 from vector<16xi32>
    %eq3A_279 = arith.constant 0 : i32
    %eq3A_280 = vector.broadcast %eq3A_279 : i32 to vector<16xi32>
    %eq3A_281 = arith.cmpi eq, %iota3A, %eq3A_280 : vector<16xi32>
    %eq3A_282 = arith.constant 1 : i32
    %eq3A_283 = vector.broadcast %eq3A_282 : i32 to vector<16xi32>
    %eq3A_284 = arith.cmpi eq, %iota3A, %eq3A_283 : vector<16xi32>
    %eq3A_285 = arith.constant 2 : i32
    %eq3A_286 = vector.broadcast %eq3A_285 : i32 to vector<16xi32>
    %eq3A_287 = arith.cmpi eq, %iota3A, %eq3A_286 : vector<16xi32>
    %jit3A_288 = arith.constant 0 : i32
    %broadcast_in_dim3A_289 = vector.broadcast %reduce_sum3A_278 : i32 to vector<16xi32>
    %broadcast_in_dim3A_290 = vector.broadcast %jit3A_288 : i32 to vector<16xi32>
    %select_n3A_291 = arith.select %eq3A_287, %broadcast_in_dim3A_289, %broadcast_in_dim3A_290 : vector<16xi1>, vector<16xi32>
    %broadcast_in_dim3A_292 = vector.broadcast %reduce_sum3A_274 : i32 to vector<16xi32>
    %select_n3A_293 = arith.select %eq3A_284, %broadcast_in_dim3A_292, %select_n3A_291 : vector<16xi1>, vector<16xi32>
    %broadcast_in_dim3A_294 = vector.broadcast %reduce_sum3A_270 : i32 to vector<16xi32>
    %select_n3A_295 = arith.select %eq3A_281, %broadcast_in_dim3A_294, %select_n3A_293 : vector<16xi1>, vector<16xi32>
    %swap3A_296 = arith.constant 0 : index
    %swap3A_297 = tpu.vector_load %arg8[%swap3A_296] {strides = array<i32>} : memref<16xi32, #tpu.memory_space<vmem>>, vector<16xi32>,
    tpu.vector_store %arg8[%swap3A_296], %select_n3A_295 {strides = array<i32>} : memref<16xi32, #tpu.memory_space<vmem>>, vector<16xi32>,
    %run_scoped3A_298 = arith.constant 2 : i32
    "tpu.region"() ({
      %run_scoped3A_516 = tpu.sem_alloc : memref<!tpu.dma_semaphore, #tpu.memory_space<semaphore_mem>>
      %dma_start3A = arith.constant 0 : i32
      %dma_start3A_517 = tpu.memref_slice %arg10[%run_scoped3A_298, %arg1, %dma_start3A] : memref<4x16x16xi32, #tpu.memory_space<vmem_shared>> -> memref<1x1x16xi32, #tpu.memory_space<vmem_shared>>
      %dma_start3A_518 = tpu.memref_squeeze %dma_start3A_517 : memref<1x1x16xi32, #tpu.memory_space<vmem_shared>> -> memref<16xi32, #tpu.memory_space<vmem_shared>>
      %dma_start3A_519 = arith.constant 0 : i32
      %dma_start3A_520 = tpu.memref_slice %arg10[%run_scoped3A_298, %arg1, %dma_start3A_519] : memref<4x16x16xi32, #tpu.memory_space<vmem_shared>> -> memref<1x1x16xi32, #tpu.memory_space<vmem_shared>>
      %dma_start3A_521 = tpu.memref_squeeze %dma_start3A_520 : memref<1x1x16xi32, #tpu.memory_space<vmem_shared>> -> memref<16xi32, #tpu.memory_space<vmem_shared>>
      tpu.enqueue_dma source(%arg8 : memref<16xi32, #tpu.memory_space<vmem>>) target(%dma_start3A_521 : memref<16xi32, #tpu.memory_space<vmem_shared>>) target_semaphore(%run_scoped3A_516 : memref<!tpu.dma_semaphore, #tpu.memory_space<semaphore_mem>>)
      %dma_wait3A = arith.constant 0 : i32
      %dma_wait3A_522 = tpu.memref_slice %arg10[%run_scoped3A_298, %arg1, %dma_wait3A] : memref<4x16x16xi32, #tpu.memory_space<vmem_shared>> -> memref<1x1x16xi32, #tpu.memory_space<vmem_shared>>
      %dma_wait3A_523 = tpu.memref_squeeze %dma_wait3A_522 : memref<1x1x16xi32, #tpu.memory_space<vmem_shared>> -> memref<16xi32, #tpu.memory_space<vmem_shared>>
      %dma_wait3A_524 = arith.constant 0 : i32
      %dma_wait3A_525 = tpu.memref_slice %arg10[%run_scoped3A_298, %arg1, %dma_wait3A_524] : memref<4x16x16xi32, #tpu.memory_space<vmem_shared>> -> memref<1x1x16xi32, #tpu.memory_space<vmem_shared>>
      %dma_wait3A_526 = tpu.memref_squeeze %dma_wait3A_525 : memref<1x1x16xi32, #tpu.memory_space<vmem_shared>> -> memref<16xi32, #tpu.memory_space<vmem_shared>>
      tpu.wait_dma2 semaphore(%run_scoped3A_516 : memref<!tpu.dma_semaphore, #tpu.memory_space<semaphore_mem>>) src(%arg8 : memref<16xi32, #tpu.memory_space<vmem>>) dst(%dma_wait3A_526 : memref<16xi32, #tpu.memory_space<vmem_shared>>)
      tpu.yield
    }) : () -> ()
    %barrier3A_299 = arith.constant 0 : index
    tpu.barrier barrier_id(%barrier3A_299)
    %mul3A_300 = arith.constant 8 : i32
    %mul3A_301 = arith.muli %mul3A_300, %select_n3A : i32
    %run_scoped3A_302 = arith.constant 2 : i32
    "tpu.region"() ({
      %run_scoped3A_516 = tpu.sem_alloc : memref<!tpu.dma_semaphore, #tpu.memory_space<semaphore_mem>>
      %dma_start3A = arith.constant 0 : i32
      %dma_start3A_517 = tpu.memref_slice %arg10[%run_scoped3A_302, %mul3A_301, %dma_start3A] : memref<4x16x16xi32, #tpu.memory_space<vmem_shared>> -> memref<1x8x16xi32, #tpu.memory_space<vmem_shared>>
      %dma_start3A_518 = tpu.memref_squeeze %dma_start3A_517 : memref<1x8x16xi32, #tpu.memory_space<vmem_shared>> -> memref<8x16xi32, #tpu.memory_space<vmem_shared>>
      %dma_start3A_519 = arith.constant 0 : i32
      %dma_start3A_520 = tpu.memref_slice %arg10[%run_scoped3A_302, %mul3A_301, %dma_start3A_519] : memref<4x16x16xi32, #tpu.memory_space<vmem_shared>> -> memref<1x8x16xi32, #tpu.memory_space<vmem_shared>>
      %dma_start3A_521 = tpu.memref_squeeze %dma_start3A_520 : memref<1x8x16xi32, #tpu.memory_space<vmem_shared>> -> memref<8x16xi32, #tpu.memory_space<vmem_shared>>
      tpu.enqueue_dma source(%dma_start3A_521 : memref<8x16xi32, #tpu.memory_space<vmem_shared>>) target(%arg9 : memref<8x16xi32, #tpu.memory_space<vmem>>) target_semaphore(%run_scoped3A_516 : memref<!tpu.dma_semaphore, #tpu.memory_space<semaphore_mem>>)
      %dma_wait3A = arith.constant 0 : i32
      %dma_wait3A_522 = tpu.memref_slice %arg10[%run_scoped3A_302, %mul3A_301, %dma_wait3A] : memref<4x16x16xi32, #tpu.memory_space<vmem_shared>> -> memref<1x8x16xi32, #tpu.memory_space<vmem_shared>>
      %dma_wait3A_523 = tpu.memref_squeeze %dma_wait3A_522 : memref<1x8x16xi32, #tpu.memory_space<vmem_shared>> -> memref<8x16xi32, #tpu.memory_space<vmem_shared>>
      %dma_wait3A_524 = arith.constant 0 : i32
      %dma_wait3A_525 = tpu.memref_slice %arg10[%run_scoped3A_302, %mul3A_301, %dma_wait3A_524] : memref<4x16x16xi32, #tpu.memory_space<vmem_shared>> -> memref<1x8x16xi32, #tpu.memory_space<vmem_shared>>
      %dma_wait3A_526 = tpu.memref_squeeze %dma_wait3A_525 : memref<1x8x16xi32, #tpu.memory_space<vmem_shared>> -> memref<8x16xi32, #tpu.memory_space<vmem_shared>>
      tpu.wait_dma2 semaphore(%run_scoped3A_516 : memref<!tpu.dma_semaphore, #tpu.memory_space<semaphore_mem>>) src(%dma_wait3A_526 : memref<8x16xi32, #tpu.memory_space<vmem_shared>>) dst(%arg9 : memref<8x16xi32, #tpu.memory_space<vmem>>)
      tpu.yield
    }) : () -> ()
    %broadcast_in_dim3A_303 = arith.constant 0 : i32
    %broadcast_in_dim3A_304 = vector.broadcast %broadcast_in_dim3A_303 : i32 to vector<16xi32>
    %get3A_305 = arith.constant 0 : i32
    %get3A_306 = arith.index_cast %get3A_305 : i32 to index
    %get3A_307 = arith.constant 0 : index
    %get3A_308 = tpu.vector_load %arg9[%get3A_306, %get3A_307] {strides = array<i32>} : memref<8x16xi32, #tpu.memory_space<vmem>>, vector<16xi32>,
    %add3A_309 = arith.addi %broadcast_in_dim3A_304, %get3A_308 : vector<16xi32>
    %get3A_310 = arith.constant 1 : i32
    %get3A_311 = arith.index_cast %get3A_310 : i32 to index
    %get3A_312 = arith.constant 0 : index
    %get3A_313 = tpu.vector_load %arg9[%get3A_311, %get3A_312] {strides = array<i32>} : memref<8x16xi32, #tpu.memory_space<vmem>>, vector<16xi32>,
    %add3A_314 = arith.addi %add3A_309, %get3A_313 : vector<16xi32>
    %get3A_315 = arith.constant 2 : i32
    %get3A_316 = arith.index_cast %get3A_315 : i32 to index
    %get3A_317 = arith.constant 0 : index
    %get3A_318 = tpu.vector_load %arg9[%get3A_316, %get3A_317] {strides = array<i32>} : memref<8x16xi32, #tpu.memory_space<vmem>>, vector<16xi32>,
    %add3A_319 = arith.addi %add3A_314, %get3A_318 : vector<16xi32>
    %get3A_320 = arith.constant 3 : i32
    %get3A_321 = arith.index_cast %get3A_320 : i32 to index
    %get3A_322 = arith.constant 0 : index
    %get3A_323 = tpu.vector_load %arg9[%get3A_321, %get3A_322] {strides = array<i32>} : memref<8x16xi32, #tpu.memory_space<vmem>>, vector<16xi32>,
    %add3A_324 = arith.addi %add3A_319, %get3A_323 : vector<16xi32>
    %get3A_325 = arith.constant 4 : i32
    %get3A_326 = arith.index_cast %get3A_325 : i32 to index
    %get3A_327 = arith.constant 0 : index
    %get3A_328 = tpu.vector_load %arg9[%get3A_326, %get3A_327] {strides = array<i32>} : memref<8x16xi32, #tpu.memory_space<vmem>>, vector<16xi32>,
    %add3A_329 = arith.addi %add3A_324, %get3A_328 : vector<16xi32>
    %get3A_330 = arith.constant 5 : i32
    %get3A_331 = arith.index_cast %get3A_330 : i32 to index
    %get3A_332 = arith.constant 0 : index
    %get3A_333 = tpu.vector_load %arg9[%get3A_331, %get3A_332] {strides = array<i32>} : memref<8x16xi32, #tpu.memory_space<vmem>>, vector<16xi32>,
    %add3A_334 = arith.addi %add3A_329, %get3A_333 : vector<16xi32>
    %get3A_335 = arith.constant 6 : i32
    %get3A_336 = arith.index_cast %get3A_335 : i32 to index
    %get3A_337 = arith.constant 0 : index
    %get3A_338 = tpu.vector_load %arg9[%get3A_336, %get3A_337] {strides = array<i32>} : memref<8x16xi32, #tpu.memory_space<vmem>>, vector<16xi32>,
    %add3A_339 = arith.addi %add3A_334, %get3A_338 : vector<16xi32>
    %get3A_340 = arith.constant 7 : i32
    %get3A_341 = arith.index_cast %get3A_340 : i32 to index
    %get3A_342 = arith.constant 0 : index
    %get3A_343 = tpu.vector_load %arg9[%get3A_341, %get3A_342] {strides = array<i32>} : memref<8x16xi32, #tpu.memory_space<vmem>>, vector<16xi32>,
    %add3A_344 = arith.addi %add3A_339, %get3A_343 : vector<16xi32>
    %ge3A_345 = arith.constant 128 : i32
    %ge3A_346 = vector.broadcast %ge3A_345 : i32 to vector<16xi32>
    %ge3A_347 = arith.cmpi sge, %add3A_344, %ge3A_346 : vector<16xi32>
    %lt3A_348 = arith.constant 3 : i32
    %lt3A_349 = vector.broadcast %lt3A_348 : i32 to vector<16xi32>
    %lt3A_350 = arith.cmpi slt, %iota3A, %lt3A_349 : vector<16xi32>
    %and3A_351 = arith.andi %ge3A_347, %lt3A_350 : vector<16xi1>
    %convert_element_type3A_352 = arith.extui %and3A_351 : vector<16xi1> to vector<16xi32>
    %reduce_sum3A_353 = arith.constant true
    %reduce_sum3A_354 = vector.broadcast %reduce_sum3A_353 : i1 to vector<16xi1>
    %reduce_sum3A_355 = tpu.scan <sum>, %convert_element_type3A_352 masked %reduce_sum3A_354 : vector<16xi32>, vector<16xi1> -> vector<16xi32>
    %reduce_sum3A_356 = vector.extract %reduce_sum3A_355[15] : i32 from vector<16xi32>
    %convert_element_type3A_357 = arith.sitofp %reduce_sum3A_356 : i32 to f32
    %mul3A_358 = arith.mulf %mul3A_251, %convert_element_type3A_357 : f32
    %add3A_359 = arith.addf %add3A_249, %mul3A_358 : f32
    %mul3A_360 = arith.constant 2.500000e-01 : f32
    %mul3A_361 = arith.mulf %mul3A_251, %mul3A_360 : f32
    %add3A_362 = arith.addf %add3A_359, %mul3A_361 : f32
    %mul3A_363 = arith.constant 2.000000e+00 : f32
    %mul3A_364 = arith.mulf %mul3A_361, %mul3A_363 : f32
    %add3A_365 = arith.addf %add3A_359, %mul3A_364 : f32
    %mul3A_366 = arith.constant 3.000000e+00 : f32
    %mul3A_367 = arith.mulf %mul3A_361, %mul3A_366 : f32
    %add3A_368 = arith.addf %add3A_359, %mul3A_367 : f32
    %broadcast_in_dim3A_369 = arith.constant 0 : i32
    %broadcast_in_dim3A_370 = vector.broadcast %broadcast_in_dim3A_369 : i32 to vector<16xi32>
    %scan3A_371 = arith.constant 0 : i32
    %scan3A_372 = arith.constant 40 : i32
    %scan3A_373 = arith.addi %scan3A_371, %scan3A_372 : i32
    %scan3A_374 = arith.constant 1 : i32
    %scan3A_375:3 = scf.for %scan3A_516 = %scan3A_371 to %scan3A_373 step %scan3A_374 iter_args(%scan3A_517 = %broadcast_in_dim3A_370, %scan3A_518 = %broadcast_in_dim3A_370, %scan3A_519 = %broadcast_in_dim3A_370) -> (vector<16xi32>, vector<16xi32>, vector<16xi32>)  : i32 {
      %mul3A_520 = arith.constant 64 : i32
      %mul3A_521 = arith.muli %scan3A_516, %mul3A_520 : i32
      %add3A_522 = arith.constant 0 : i32
      %add3A_523 = arith.addi %mul3A_521, %add3A_522 : i32
      %get3A_524 = arith.index_cast %add3A_523 : i32 to index
      %get3A_525 = tpu.vector_load %arg5[%get3A_524] {strides = array<i32>} : memref<2560xf32, #tpu.memory_space<vmem>>, vector<16xf32>,
      %ge3A_526 = vector.broadcast %add3A_362 : f32 to vector<16xf32>
      %ge3A_527 = arith.cmpf oge, %get3A_525, %ge3A_526 : vector<16xf32>
      %convert_element_type3A_528 = arith.extui %ge3A_527 : vector<16xi1> to vector<16xi32>
      %add3A_529 = arith.addi %scan3A_517, %convert_element_type3A_528 : vector<16xi32>
      %ge3A_530 = vector.broadcast %add3A_365 : f32 to vector<16xf32>
      %ge3A_531 = arith.cmpf oge, %get3A_525, %ge3A_530 : vector<16xf32>
      %convert_element_type3A_532 = arith.extui %ge3A_531 : vector<16xi1> to vector<16xi32>
      %add3A_533 = arith.addi %scan3A_518, %convert_element_type3A_532 : vector<16xi32>
      %ge3A_534 = vector.broadcast %add3A_368 : f32 to vector<16xf32>
      %ge3A_535 = arith.cmpf oge, %get3A_525, %ge3A_534 : vector<16xf32>
      %convert_element_type3A_536 = arith.extui %ge3A_535 : vector<16xi1> to vector<16xi32>
      %add3A_537 = arith.addi %scan3A_519, %convert_element_type3A_536 : vector<16xi32>
      %mul3A_538 = arith.constant 64 : i32
      %mul3A_539 = arith.muli %scan3A_516, %mul3A_538 : i32
      %add3A_540 = arith.constant 16 : i32
      %add3A_541 = arith.addi %mul3A_539, %add3A_540 : i32
      %get3A_542 = arith.index_cast %add3A_541 : i32 to index
      %get3A_543 = tpu.vector_load %arg5[%get3A_542] {strides = array<i32>} : memref<2560xf32, #tpu.memory_space<vmem>>, vector<16xf32>,
      %ge3A_544 = vector.broadcast %add3A_362 : f32 to vector<16xf32>
      %ge3A_545 = arith.cmpf oge, %get3A_543, %ge3A_544 : vector<16xf32>
      %convert_element_type3A_546 = arith.extui %ge3A_545 : vector<16xi1> to vector<16xi32>
      %add3A_547 = arith.addi %add3A_529, %convert_element_type3A_546 : vector<16xi32>
      %ge3A_548 = vector.broadcast %add3A_365 : f32 to vector<16xf32>
      %ge3A_549 = arith.cmpf oge, %get3A_543, %ge3A_548 : vector<16xf32>
      %convert_element_type3A_550 = arith.extui %ge3A_549 : vector<16xi1> to vector<16xi32>
      %add3A_551 = arith.addi %add3A_533, %convert_element_type3A_550 : vector<16xi32>
      %ge3A_552 = vector.broadcast %add3A_368 : f32 to vector<16xf32>
      %ge3A_553 = arith.cmpf oge, %get3A_543, %ge3A_552 : vector<16xf32>
      %convert_element_type3A_554 = arith.extui %ge3A_553 : vector<16xi1> to vector<16xi32>
      %add3A_555 = arith.addi %add3A_537, %convert_element_type3A_554 : vector<16xi32>
      %mul3A_556 = arith.constant 64 : i32
      %mul3A_557 = arith.muli %scan3A_516, %mul3A_556 : i32
      %add3A_558 = arith.constant 32 : i32
      %add3A_559 = arith.addi %mul3A_557, %add3A_558 : i32
      %get3A_560 = arith.index_cast %add3A_559 : i32 to index
      %get3A_561 = tpu.vector_load %arg5[%get3A_560] {strides = array<i32>} : memref<2560xf32, #tpu.memory_space<vmem>>, vector<16xf32>,
      %ge3A_562 = vector.broadcast %add3A_362 : f32 to vector<16xf32>
      %ge3A_563 = arith.cmpf oge, %get3A_561, %ge3A_562 : vector<16xf32>
      %convert_element_type3A_564 = arith.extui %ge3A_563 : vector<16xi1> to vector<16xi32>
      %add3A_565 = arith.addi %add3A_547, %convert_element_type3A_564 : vector<16xi32>
      %ge3A_566 = vector.broadcast %add3A_365 : f32 to vector<16xf32>
      %ge3A_567 = arith.cmpf oge, %get3A_561, %ge3A_566 : vector<16xf32>
      %convert_element_type3A_568 = arith.extui %ge3A_567 : vector<16xi1> to vector<16xi32>
      %add3A_569 = arith.addi %add3A_551, %convert_element_type3A_568 : vector<16xi32>
      %ge3A_570 = vector.broadcast %add3A_368 : f32 to vector<16xf32>
      %ge3A_571 = arith.cmpf oge, %get3A_561, %ge3A_570 : vector<16xf32>
      %convert_element_type3A_572 = arith.extui %ge3A_571 : vector<16xi1> to vector<16xi32>
      %add3A_573 = arith.addi %add3A_555, %convert_element_type3A_572 : vector<16xi32>
      %mul3A_574 = arith.constant 64 : i32
      %mul3A_575 = arith.muli %scan3A_516, %mul3A_574 : i32
      %add3A_576 = arith.constant 48 : i32
      %add3A_577 = arith.addi %mul3A_575, %add3A_576 : i32
      %get3A_578 = arith.index_cast %add3A_577 : i32 to index
      %get3A_579 = tpu.vector_load %arg5[%get3A_578] {strides = array<i32>} : memref<2560xf32, #tpu.memory_space<vmem>>, vector<16xf32>,
      %ge3A_580 = vector.broadcast %add3A_362 : f32 to vector<16xf32>
      %ge3A_581 = arith.cmpf oge, %get3A_579, %ge3A_580 : vector<16xf32>
      %convert_element_type3A_582 = arith.extui %ge3A_581 : vector<16xi1> to vector<16xi32>
      %add3A_583 = arith.addi %add3A_565, %convert_element_type3A_582 : vector<16xi32>
      %ge3A_584 = vector.broadcast %add3A_365 : f32 to vector<16xf32>
      %ge3A_585 = arith.cmpf oge, %get3A_579, %ge3A_584 : vector<16xf32>
      %convert_element_type3A_586 = arith.extui %ge3A_585 : vector<16xi1> to vector<16xi32>
      %add3A_587 = arith.addi %add3A_569, %convert_element_type3A_586 : vector<16xi32>
      %ge3A_588 = vector.broadcast %add3A_368 : f32 to vector<16xf32>
      %ge3A_589 = arith.cmpf oge, %get3A_579, %ge3A_588 : vector<16xf32>
      %convert_element_type3A_590 = arith.extui %ge3A_589 : vector<16xi1> to vector<16xi32>
      %add3A_591 = arith.addi %add3A_573, %convert_element_type3A_590 : vector<16xi32>
      scf.yield %add3A_583, %add3A_587, %add3A_591 : vector<16xi32>, vector<16xi32>, vector<16xi32>
    }
    %scan3A_376 = arith.constant 40 : i32
    %reduce_sum3A_377 = arith.constant true
    %reduce_sum3A_378 = vector.broadcast %reduce_sum3A_377 : i1 to vector<16xi1>
    %reduce_sum3A_379 = tpu.scan <sum>, %scan3A_375#0 masked %reduce_sum3A_378 : vector<16xi32>, vector<16xi1> -> vector<16xi32>
    %reduce_sum3A_380 = vector.extract %reduce_sum3A_379[15] : i32 from vector<16xi32>
    %reduce_sum3A_381 = arith.constant true
    %reduce_sum3A_382 = vector.broadcast %reduce_sum3A_381 : i1 to vector<16xi1>
    %reduce_sum3A_383 = tpu.scan <sum>, %scan3A_375#1 masked %reduce_sum3A_382 : vector<16xi32>, vector<16xi1> -> vector<16xi32>
    %reduce_sum3A_384 = vector.extract %reduce_sum3A_383[15] : i32 from vector<16xi32>
    %reduce_sum3A_385 = arith.constant true
    %reduce_sum3A_386 = vector.broadcast %reduce_sum3A_385 : i1 to vector<16xi1>
    %reduce_sum3A_387 = tpu.scan <sum>, %scan3A_375#2 masked %reduce_sum3A_386 : vector<16xi32>, vector<16xi1> -> vector<16xi32>
    %reduce_sum3A_388 = vector.extract %reduce_sum3A_387[15] : i32 from vector<16xi32>
    %eq3A_389 = arith.constant 0 : i32
    %eq3A_390 = vector.broadcast %eq3A_389 : i32 to vector<16xi32>
    %eq3A_391 = arith.cmpi eq, %iota3A, %eq3A_390 : vector<16xi32>
    %eq3A_392 = arith.constant 1 : i32
    %eq3A_393 = vector.broadcast %eq3A_392 : i32 to vector<16xi32>
    %eq3A_394 = arith.cmpi eq, %iota3A, %eq3A_393 : vector<16xi32>
    %eq3A_395 = arith.constant 2 : i32
    %eq3A_396 = vector.broadcast %eq3A_395 : i32 to vector<16xi32>
    %eq3A_397 = arith.cmpi eq, %iota3A, %eq3A_396 : vector<16xi32>
    %jit3A_398 = arith.constant 0 : i32
    %broadcast_in_dim3A_399 = vector.broadcast %reduce_sum3A_388 : i32 to vector<16xi32>
    %broadcast_in_dim3A_400 = vector.broadcast %jit3A_398 : i32 to vector<16xi32>
    %select_n3A_401 = arith.select %eq3A_397, %broadcast_in_dim3A_399, %broadcast_in_dim3A_400 : vector<16xi1>, vector<16xi32>
    %broadcast_in_dim3A_402 = vector.broadcast %reduce_sum3A_384 : i32 to vector<16xi32>
    %select_n3A_403 = arith.select %eq3A_394, %broadcast_in_dim3A_402, %select_n3A_401 : vector<16xi1>, vector<16xi32>
    %broadcast_in_dim3A_404 = vector.broadcast %reduce_sum3A_380 : i32 to vector<16xi32>
    %select_n3A_405 = arith.select %eq3A_391, %broadcast_in_dim3A_404, %select_n3A_403 : vector<16xi1>, vector<16xi32>
    %swap3A_406 = arith.constant 0 : index
    %swap3A_407 = tpu.vector_load %arg8[%swap3A_406] {strides = array<i32>} : memref<16xi32, #tpu.memory_space<vmem>>, vector<16xi32>,
    tpu.vector_store %arg8[%swap3A_406], %select_n3A_405 {strides = array<i32>} : memref<16xi32, #tpu.memory_space<vmem>>, vector<16xi32>,
    %run_scoped3A_408 = arith.constant 3 : i32
    "tpu.region"() ({
      %run_scoped3A_516 = tpu.sem_alloc : memref<!tpu.dma_semaphore, #tpu.memory_space<semaphore_mem>>
      %dma_start3A = arith.constant 0 : i32
      %dma_start3A_517 = tpu.memref_slice %arg10[%run_scoped3A_408, %arg1, %dma_start3A] : memref<4x16x16xi32, #tpu.memory_space<vmem_shared>> -> memref<1x1x16xi32, #tpu.memory_space<vmem_shared>>
      %dma_start3A_518 = tpu.memref_squeeze %dma_start3A_517 : memref<1x1x16xi32, #tpu.memory_space<vmem_shared>> -> memref<16xi32, #tpu.memory_space<vmem_shared>>
      %dma_start3A_519 = arith.constant 0 : i32
      %dma_start3A_520 = tpu.memref_slice %arg10[%run_scoped3A_408, %arg1, %dma_start3A_519] : memref<4x16x16xi32, #tpu.memory_space<vmem_shared>> -> memref<1x1x16xi32, #tpu.memory_space<vmem_shared>>
      %dma_start3A_521 = tpu.memref_squeeze %dma_start3A_520 : memref<1x1x16xi32, #tpu.memory_space<vmem_shared>> -> memref<16xi32, #tpu.memory_space<vmem_shared>>
      tpu.enqueue_dma source(%arg8 : memref<16xi32, #tpu.memory_space<vmem>>) target(%dma_start3A_521 : memref<16xi32, #tpu.memory_space<vmem_shared>>) target_semaphore(%run_scoped3A_516 : memref<!tpu.dma_semaphore, #tpu.memory_space<semaphore_mem>>)
      %dma_wait3A = arith.constant 0 : i32
      %dma_wait3A_522 = tpu.memref_slice %arg10[%run_scoped3A_408, %arg1, %dma_wait3A] : memref<4x16x16xi32, #tpu.memory_space<vmem_shared>> -> memref<1x1x16xi32, #tpu.memory_space<vmem_shared>>
      %dma_wait3A_523 = tpu.memref_squeeze %dma_wait3A_522 : memref<1x1x16xi32, #tpu.memory_space<vmem_shared>> -> memref<16xi32, #tpu.memory_space<vmem_shared>>
      %dma_wait3A_524 = arith.constant 0 : i32
      %dma_wait3A_525 = tpu.memref_slice %arg10[%run_scoped3A_408, %arg1, %dma_wait3A_524] : memref<4x16x16xi32, #tpu.memory_space<vmem_shared>> -> memref<1x1x16xi32, #tpu.memory_space<vmem_shared>>
      %dma_wait3A_526 = tpu.memref_squeeze %dma_wait3A_525 : memref<1x1x16xi32, #tpu.memory_space<vmem_shared>> -> memref<16xi32, #tpu.memory_space<vmem_shared>>
      tpu.wait_dma2 semaphore(%run_scoped3A_516 : memref<!tpu.dma_semaphore, #tpu.memory_space<semaphore_mem>>) src(%arg8 : memref<16xi32, #tpu.memory_space<vmem>>) dst(%dma_wait3A_526 : memref<16xi32, #tpu.memory_space<vmem_shared>>)
      tpu.yield
    }) : () -> ()
    %barrier3A_409 = arith.constant 0 : index
    tpu.barrier barrier_id(%barrier3A_409)
    %mul3A_410 = arith.constant 8 : i32
    %mul3A_411 = arith.muli %mul3A_410, %select_n3A : i32
    %run_scoped3A_412 = arith.constant 3 : i32
    "tpu.region"() ({
      %run_scoped3A_516 = tpu.sem_alloc : memref<!tpu.dma_semaphore, #tpu.memory_space<semaphore_mem>>
      %dma_start3A = arith.constant 0 : i32
      %dma_start3A_517 = tpu.memref_slice %arg10[%run_scoped3A_412, %mul3A_411, %dma_start3A] : memref<4x16x16xi32, #tpu.memory_space<vmem_shared>> -> memref<1x8x16xi32, #tpu.memory_space<vmem_shared>>
      %dma_start3A_518 = tpu.memref_squeeze %dma_start3A_517 : memref<1x8x16xi32, #tpu.memory_space<vmem_shared>> -> memref<8x16xi32, #tpu.memory_space<vmem_shared>>
      %dma_start3A_519 = arith.constant 0 : i32
      %dma_start3A_520 = tpu.memref_slice %arg10[%run_scoped3A_412, %mul3A_411, %dma_start3A_519] : memref<4x16x16xi32, #tpu.memory_space<vmem_shared>> -> memref<1x8x16xi32, #tpu.memory_space<vmem_shared>>
      %dma_start3A_521 = tpu.memref_squeeze %dma_start3A_520 : memref<1x8x16xi32, #tpu.memory_space<vmem_shared>> -> memref<8x16xi32, #tpu.memory_space<vmem_shared>>
      tpu.enqueue_dma source(%dma_start3A_521 : memref<8x16xi32, #tpu.memory_space<vmem_shared>>) target(%arg9 : memref<8x16xi32, #tpu.memory_space<vmem>>) target_semaphore(%run_scoped3A_516 : memref<!tpu.dma_semaphore, #tpu.memory_space<semaphore_mem>>)
      %dma_wait3A = arith.constant 0 : i32
      %dma_wait3A_522 = tpu.memref_slice %arg10[%run_scoped3A_412, %mul3A_411, %dma_wait3A] : memref<4x16x16xi32, #tpu.memory_space<vmem_shared>> -> memref<1x8x16xi32, #tpu.memory_space<vmem_shared>>
      %dma_wait3A_523 = tpu.memref_squeeze %dma_wait3A_522 : memref<1x8x16xi32, #tpu.memory_space<vmem_shared>> -> memref<8x16xi32, #tpu.memory_space<vmem_shared>>
      %dma_wait3A_524 = arith.constant 0 : i32
      %dma_wait3A_525 = tpu.memref_slice %arg10[%run_scoped3A_412, %mul3A_411, %dma_wait3A_524] : memref<4x16x16xi32, #tpu.memory_space<vmem_shared>> -> memref<1x8x16xi32, #tpu.memory_space<vmem_shared>>
      %dma_wait3A_526 = tpu.memref_squeeze %dma_wait3A_525 : memref<1x8x16xi32, #tpu.memory_space<vmem_shared>> -> memref<8x16xi32, #tpu.memory_space<vmem_shared>>
      tpu.wait_dma2 semaphore(%run_scoped3A_516 : memref<!tpu.dma_semaphore, #tpu.memory_space<semaphore_mem>>) src(%dma_wait3A_526 : memref<8x16xi32, #tpu.memory_space<vmem_shared>>) dst(%arg9 : memref<8x16xi32, #tpu.memory_space<vmem>>)
      tpu.yield
    }) : () -> ()
    %broadcast_in_dim3A_413 = arith.constant 0 : i32
    %broadcast_in_dim3A_414 = vector.broadcast %broadcast_in_dim3A_413 : i32 to vector<16xi32>
    %get3A_415 = arith.constant 0 : i32
    %get3A_416 = arith.index_cast %get3A_415 : i32 to index
    %get3A_417 = arith.constant 0 : index
    %get3A_418 = tpu.vector_load %arg9[%get3A_416, %get3A_417] {strides = array<i32>} : memref<8x16xi32, #tpu.memory_space<vmem>>, vector<16xi32>,
    %add3A_419 = arith.addi %broadcast_in_dim3A_414, %get3A_418 : vector<16xi32>
    %get3A_420 = arith.constant 1 : i32
    %get3A_421 = arith.index_cast %get3A_420 : i32 to index
    %get3A_422 = arith.constant 0 : index
    %get3A_423 = tpu.vector_load %arg9[%get3A_421, %get3A_422] {strides = array<i32>} : memref<8x16xi32, #tpu.memory_space<vmem>>, vector<16xi32>,
    %add3A_424 = arith.addi %add3A_419, %get3A_423 : vector<16xi32>
    %get3A_425 = arith.constant 2 : i32
    %get3A_426 = arith.index_cast %get3A_425 : i32 to index
    %get3A_427 = arith.constant 0 : index
    %get3A_428 = tpu.vector_load %arg9[%get3A_426, %get3A_427] {strides = array<i32>} : memref<8x16xi32, #tpu.memory_space<vmem>>, vector<16xi32>,
    %add3A_429 = arith.addi %add3A_424, %get3A_428 : vector<16xi32>
    %get3A_430 = arith.constant 3 : i32
    %get3A_431 = arith.index_cast %get3A_430 : i32 to index
    %get3A_432 = arith.constant 0 : index
    %get3A_433 = tpu.vector_load %arg9[%get3A_431, %get3A_432] {strides = array<i32>} : memref<8x16xi32, #tpu.memory_space<vmem>>, vector<16xi32>,
    %add3A_434 = arith.addi %add3A_429, %get3A_433 : vector<16xi32>
    %get3A_435 = arith.constant 4 : i32
    %get3A_436 = arith.index_cast %get3A_435 : i32 to index
    %get3A_437 = arith.constant 0 : index
    %get3A_438 = tpu.vector_load %arg9[%get3A_436, %get3A_437] {strides = array<i32>} : memref<8x16xi32, #tpu.memory_space<vmem>>, vector<16xi32>,
    %add3A_439 = arith.addi %add3A_434, %get3A_438 : vector<16xi32>
    %get3A_440 = arith.constant 5 : i32
    %get3A_441 = arith.index_cast %get3A_440 : i32 to index
    %get3A_442 = arith.constant 0 : index
    %get3A_443 = tpu.vector_load %arg9[%get3A_441, %get3A_442] {strides = array<i32>} : memref<8x16xi32, #tpu.memory_space<vmem>>, vector<16xi32>,
    %add3A_444 = arith.addi %add3A_439, %get3A_443 : vector<16xi32>
    %get3A_445 = arith.constant 6 : i32
    %get3A_446 = arith.index_cast %get3A_445 : i32 to index
    %get3A_447 = arith.constant 0 : index
    %get3A_448 = tpu.vector_load %arg9[%get3A_446, %get3A_447] {strides = array<i32>} : memref<8x16xi32, #tpu.memory_space<vmem>>, vector<16xi32>,
    %add3A_449 = arith.addi %add3A_444, %get3A_448 : vector<16xi32>
    %get3A_450 = arith.constant 7 : i32
    %get3A_451 = arith.index_cast %get3A_450 : i32 to index
    %get3A_452 = arith.constant 0 : index
    %get3A_453 = tpu.vector_load %arg9[%get3A_451, %get3A_452] {strides = array<i32>} : memref<8x16xi32, #tpu.memory_space<vmem>>, vector<16xi32>,
    %add3A_454 = arith.addi %add3A_449, %get3A_453 : vector<16xi32>
    %ge3A_455 = arith.constant 128 : i32
    %ge3A_456 = vector.broadcast %ge3A_455 : i32 to vector<16xi32>
    %ge3A_457 = arith.cmpi sge, %add3A_454, %ge3A_456 : vector<16xi32>
    %lt3A_458 = arith.constant 3 : i32
    %lt3A_459 = vector.broadcast %lt3A_458 : i32 to vector<16xi32>
    %lt3A_460 = arith.cmpi slt, %iota3A, %lt3A_459 : vector<16xi32>
    %and3A_461 = arith.andi %ge3A_457, %lt3A_460 : vector<16xi1>
    %convert_element_type3A_462 = arith.extui %and3A_461 : vector<16xi1> to vector<16xi32>
    %reduce_sum3A_463 = arith.constant true
    %reduce_sum3A_464 = vector.broadcast %reduce_sum3A_463 : i1 to vector<16xi1>
    %reduce_sum3A_465 = tpu.scan <sum>, %convert_element_type3A_462 masked %reduce_sum3A_464 : vector<16xi32>, vector<16xi1> -> vector<16xi32>
    %reduce_sum3A_466 = vector.extract %reduce_sum3A_465[15] : i32 from vector<16xi32>
    %convert_element_type3A_467 = arith.sitofp %reduce_sum3A_466 : i32 to f32
    %mul3A_468 = arith.mulf %mul3A_361, %convert_element_type3A_467 : f32
    %add3A_469 = arith.addf %add3A_359, %mul3A_468 : f32
    %broadcast_in_dim3A_470 = arith.constant -1.000000e+00 : f32
    %broadcast_in_dim3A_471 = vector.broadcast %broadcast_in_dim3A_470 : f32 to vector<16xf32>
    %swap3A_472 = arith.constant 0 : index
    %swap3A_473 = tpu.vector_load %arg6[%swap3A_472] {strides = array<i32>} : memref<64xf32, #tpu.memory_space<vmem>>, vector<16xf32>,
    tpu.vector_store %arg6[%swap3A_472], %broadcast_in_dim3A_471 {strides = array<i32>} : memref<64xf32, #tpu.memory_space<vmem>>, vector<16xf32>,
    %broadcast_in_dim3A_474 = arith.constant 0 : i32
    %broadcast_in_dim3A_475 = vector.broadcast %broadcast_in_dim3A_474 : i32 to vector<16xi32>
    %swap3A_476 = arith.constant 0 : index
    %swap3A_477 = tpu.vector_load %arg7[%swap3A_476] {strides = array<i32>} : memref<64xi32, #tpu.memory_space<vmem>>, vector<16xi32>,
    tpu.vector_store %arg7[%swap3A_476], %broadcast_in_dim3A_475 {strides = array<i32>} : memref<64xi32, #tpu.memory_space<vmem>>, vector<16xi32>,
    %broadcast_in_dim3A_478 = arith.constant -1.000000e+00 : f32
    %broadcast_in_dim3A_479 = vector.broadcast %broadcast_in_dim3A_478 : f32 to vector<16xf32>
    %swap3A_480 = arith.constant 16 : index
    %swap3A_481 = tpu.vector_load %arg6[%swap3A_480] {strides = array<i32>} : memref<64xf32, #tpu.memory_space<vmem>>, vector<16xf32>,
    tpu.vector_store %arg6[%swap3A_480], %broadcast_in_dim3A_479 {strides = array<i32>} : memref<64xf32, #tpu.memory_space<vmem>>, vector<16xf32>,
    %broadcast_in_dim3A_482 = arith.constant 0 : i32
    %broadcast_in_dim3A_483 = vector.broadcast %broadcast_in_dim3A_482 : i32 to vector<16xi32>
    %swap3A_484 = arith.constant 16 : index
    %swap3A_485 = tpu.vector_load %arg7[%swap3A_484] {strides = array<i32>} : memref<64xi32, #tpu.memory_space<vmem>>, vector<16xi32>,
    tpu.vector_store %arg7[%swap3A_484], %broadcast_in_dim3A_483 {strides = array<i32>} : memref<64xi32, #tpu.memory_space<vmem>>, vector<16xi32>,
    %broadcast_in_dim3A_486 = arith.constant -1.000000e+00 : f32
    %broadcast_in_dim3A_487 = vector.broadcast %broadcast_in_dim3A_486 : f32 to vector<16xf32>
    %swap3A_488 = arith.constant 32 : index
    %swap3A_489 = tpu.vector_load %arg6[%swap3A_488] {strides = array<i32>} : memref<64xf32, #tpu.memory_space<vmem>>, vector<16xf32>,
    tpu.vector_store %arg6[%swap3A_488], %broadcast_in_dim3A_487 {strides = array<i32>} : memref<64xf32, #tpu.memory_space<vmem>>, vector<16xf32>,
    %broadcast_in_dim3A_490 = arith.constant 0 : i32
    %broadcast_in_dim3A_491 = vector.broadcast %broadcast_in_dim3A_490 : i32 to vector<16xi32>
    %swap3A_492 = arith.constant 32 : index
    %swap3A_493 = tpu.vector_load %arg7[%swap3A_492] {strides = array<i32>} : memref<64xi32, #tpu.memory_space<vmem>>, vector<16xi32>,
    tpu.vector_store %arg7[%swap3A_492], %broadcast_in_dim3A_491 {strides = array<i32>} : memref<64xi32, #tpu.memory_space<vmem>>, vector<16xi32>,
    %broadcast_in_dim3A_494 = arith.constant -1.000000e+00 : f32
    %broadcast_in_dim3A_495 = vector.broadcast %broadcast_in_dim3A_494 : f32 to vector<16xf32>
    %swap3A_496 = arith.constant 48 : index
    %swap3A_497 = tpu.vector_load %arg6[%swap3A_496] {strides = array<i32>} : memref<64xf32, #tpu.memory_space<vmem>>, vector<16xf32>,
    tpu.vector_store %arg6[%swap3A_496], %broadcast_in_dim3A_495 {strides = array<i32>} : memref<64xf32, #tpu.memory_space<vmem>>, vector<16xf32>,
    %broadcast_in_dim3A_498 = arith.constant 0 : i32
    %broadcast_in_dim3A_499 = vector.broadcast %broadcast_in_dim3A_498 : i32 to vector<16xi32>
    %swap3A_500 = arith.constant 48 : index
    %swap3A_501 = tpu.vector_load %arg7[%swap3A_500] {strides = array<i32>} : memref<64xi32, #tpu.memory_space<vmem>>, vector<16xi32>,
    tpu.vector_store %arg7[%swap3A_500], %broadcast_in_dim3A_499 {strides = array<i32>} : memref<64xi32, #tpu.memory_space<vmem>>, vector<16xi32>,
    %mul3A_502 = arith.constant 2560 : i32
    %mul3A_503 = arith.muli %select_n3A_28, %mul3A_502 : i32
    %scan3A_504 = arith.constant 0 : i32
    %scan3A_505 = arith.constant 0 : i32
    %scan3A_506 = arith.constant 160 : i32
    %scan3A_507 = arith.addi %scan3A_505, %scan3A_506 : i32
    %scan3A_508 = arith.constant 1 : i32
    %scan3A_509 = scf.for %scan3A_516 = %scan3A_505 to %scan3A_507 step %scan3A_508 iter_args(%scan3A_517 = %scan3A_504) -> (i32)  : i32 {
      %mul3A_518 = arith.constant 16 : i32
      %mul3A_519 = arith.muli %scan3A_516, %mul3A_518 : i32
      %get3A_520 = arith.index_cast %mul3A_519 : i32 to index
      %get3A_521 = tpu.vector_load %arg5[%get3A_520] {strides = array<i32>} : memref<2560xf32, #tpu.memory_space<vmem>>, vector<16xf32>,
      %ge3A_522 = vector.broadcast %add3A_469 : f32 to vector<16xf32>
      %ge3A_523 = arith.cmpf oge, %get3A_521, %ge3A_522 : vector<16xf32>
      %convert_element_type3A_524 = arith.extui %ge3A_523 : vector<16xi1> to vector<16xi32>
      %broadcast_in_dim3A_525 = arith.constant true
      %broadcast_in_dim3A_526 = vector.broadcast %broadcast_in_dim3A_525 : i1 to vector<16xi1>
      %masked_cumsum3A = tpu.scan <sum>, %convert_element_type3A_524 masked %broadcast_in_dim3A_526 : vector<16xi32>, vector<16xi1> -> vector<16xi32>
      %add3A_527 = vector.broadcast %scan3A_517 : i32 to vector<16xi32>
      %add3A_528 = arith.addi %add3A_527, %masked_cumsum3A : vector<16xi32>
      %sub3A_529 = arith.subi %add3A_528, %convert_element_type3A_524 : vector<16xi32>
      %lt3A_530 = arith.constant 64 : i32
      %lt3A_531 = vector.broadcast %lt3A_530 : i32 to vector<16xi32>
      %lt3A_532 = arith.cmpi slt, %sub3A_529, %lt3A_531 : vector<16xi32>
      %and3A_533 = arith.andi %ge3A_523, %lt3A_532 : vector<16xi1>
      tpu.vector_store_idx %arg6[%sub3A_529], %get3A_521 masked %and3A_533 : memref<64xf32, #tpu.memory_space<vmem>>[vector<16xi32>], vector<16xf32>, vector<16xi1>
      %mul3A_534 = arith.constant 16 : i32
      %mul3A_535 = arith.muli %scan3A_516, %mul3A_534 : i32
      %add3A_536 = arith.addi %mul3A_503, %mul3A_535 : i32
      %add3A_537 = vector.broadcast %add3A_536 : i32 to vector<16xi32>
      %add3A_538 = arith.addi %add3A_537, %iota3A : vector<16xi32>
      tpu.vector_store_idx %arg7[%sub3A_529], %add3A_538 masked %and3A_533 : memref<64xi32, #tpu.memory_space<vmem>>[vector<16xi32>], vector<16xi32>, vector<16xi1>
      %reduce_sum3A_539 = arith.constant true
      %reduce_sum3A_540 = vector.broadcast %reduce_sum3A_539 : i1 to vector<16xi1>
      %reduce_sum3A_541 = tpu.scan <sum>, %convert_element_type3A_524 masked %reduce_sum3A_540 : vector<16xi32>, vector<16xi1> -> vector<16xi32>
      %reduce_sum3A_542 = vector.extract %reduce_sum3A_541[15] : i32 from vector<16xi32>
      %add3A_543 = arith.addi %scan3A_517, %reduce_sum3A_542 : i32
      scf.yield %add3A_543 : i32
    }
    %scan3A_510 = arith.constant 160 : i32
    %mul3A_511 = arith.constant 512 : i32
    %mul3A_512 = arith.muli %mul3A_511, %add3A_30 : i32
    %mul3A_513 = arith.constant 64 : i32
    %mul3A_514 = arith.muli %mul3A_513, %select_n3A_28 : i32
    %add3A_515 = arith.addi %mul3A_512, %mul3A_514 : i32
    "tpu.region"() ({
      %run_scoped3A_516 = tpu.sem_alloc : memref<!tpu.dma_semaphore, #tpu.memory_space<semaphore_mem>>
      %dma_start3A = tpu.memref_slice %arg3[%add3A_515] : memref<2048xf32, #tpu.memory_space<hbm>> -> memref<64xf32, #tpu.memory_space<hbm>>
      %dma_start3A_517 = tpu.memref_slice %arg3[%add3A_515] : memref<2048xf32, #tpu.memory_space<hbm>> -> memref<64xf32, #tpu.memory_space<hbm>>
      tpu.enqueue_dma source(%arg6 : memref<64xf32, #tpu.memory_space<vmem>>) target(%dma_start3A_517 : memref<64xf32, #tpu.memory_space<hbm>>) target_semaphore(%run_scoped3A_516 : memref<!tpu.dma_semaphore, #tpu.memory_space<semaphore_mem>>)
      %dma_wait3A = tpu.memref_slice %arg3[%add3A_515] : memref<2048xf32, #tpu.memory_space<hbm>> -> memref<64xf32, #tpu.memory_space<hbm>>
      %dma_wait3A_518 = tpu.memref_slice %arg3[%add3A_515] : memref<2048xf32, #tpu.memory_space<hbm>> -> memref<64xf32, #tpu.memory_space<hbm>>
      tpu.wait_dma2 semaphore(%run_scoped3A_516 : memref<!tpu.dma_semaphore, #tpu.memory_space<semaphore_mem>>) src(%arg6 : memref<64xf32, #tpu.memory_space<vmem>>) dst(%dma_wait3A_518 : memref<64xf32, #tpu.memory_space<hbm>>)
      tpu.yield
    }) : () -> ()
    "tpu.region"() ({
      %run_scoped3A_516 = tpu.sem_alloc : memref<!tpu.dma_semaphore, #tpu.memory_space<semaphore_mem>>
      %dma_start3A = tpu.memref_slice %arg4[%add3A_515] : memref<2048xi32, #tpu.memory_space<hbm>> -> memref<64xi32, #tpu.memory_space<hbm>>
      %dma_start3A_517 = tpu.memref_slice %arg4[%add3A_515] : memref<2048xi32, #tpu.memory_space<hbm>> -> memref<64xi32, #tpu.memory_space<hbm>>
      tpu.enqueue_dma source(%arg7 : memref<64xi32, #tpu.memory_space<vmem>>) target(%dma_start3A_517 : memref<64xi32, #tpu.memory_space<hbm>>) target_semaphore(%run_scoped3A_516 : memref<!tpu.dma_semaphore, #tpu.memory_space<semaphore_mem>>)
      %dma_wait3A = tpu.memref_slice %arg4[%add3A_515] : memref<2048xi32, #tpu.memory_space<hbm>> -> memref<64xi32, #tpu.memory_space<hbm>>
      %dma_wait3A_518 = tpu.memref_slice %arg4[%add3A_515] : memref<2048xi32, #tpu.memory_space<hbm>> -> memref<64xi32, #tpu.memory_space<hbm>>
      tpu.wait_dma2 semaphore(%run_scoped3A_516 : memref<!tpu.dma_semaphore, #tpu.memory_space<semaphore_mem>>) src(%arg7 : memref<64xi32, #tpu.memory_space<vmem>>) dst(%dma_wait3A_518 : memref<64xi32, #tpu.memory_space<hbm>>)
      tpu.yield
    }) : () -> ()
    return
  }
}

#map = affine_map<(d0, d1) -> (0, 0)>
#map1 = affine_map<(d0, d1) -> (0)>
module attributes {stable_mosaic.version = 14 : i64} {
  func.func @_sc_gather(%arg0: i32, %arg1: i32, %arg2: memref<80000x32xf32, #tpu.memory_space<hbm>>, %arg3: memref<20000x16xf32, #tpu.memory_space<hbm>>, %arg4: memref<512xi32, #tpu.memory_space<hbm>>, %arg5: memref<512x32xf32, #tpu.memory_space<hbm>>, %arg6: memref<2048xf32, #tpu.memory_space<hbm>>, %arg7: memref<16xi32, #tpu.memory_space<vmem>>, %arg8: memref<16xi32, #tpu.memory_space<vmem>>, %arg9: memref<16x32xf32, #tpu.memory_space<vmem>>, %arg10: memref<16x16xf32, #tpu.memory_space<vmem>>, %arg11: memref<64xf32, #tpu.memory_space<vmem>>, %arg12: memref<!tpu.dma_semaphore, #tpu.memory_space<semaphore_mem>>, %arg13: memref<!tpu.dma_semaphore, #tpu.memory_space<semaphore_mem>>) attributes {dimension_semantics = [#tpu.dimension_semantics<core_parallel>, #tpu.dimension_semantics<subcore_parallel>], iteration_bounds = array<i64: 2, 16>, scalar_prefetch = 0 : i64, scratch_operands = 7 : i64, tpu.core_type = #tpu.core_type<sc_vector_subcore>, window_params = [{transform_indices = #map}, {transform_indices = #map}, {transform_indices = #map1}, {transform_indices = #map}, {transform_indices = #map1}]} {
    %mul3A = arith.constant 16 : i32
    %mul3A_0 = arith.muli %mul3A, %arg0 : i32
    %add3A = arith.addi %mul3A_0, %arg1 : i32
    %mul3A_1 = arith.constant 16 : i32
    %mul3A_2 = arith.muli %add3A, %mul3A_1 : i32
    "tpu.region"() ({
      %run_scoped3A = tpu.sem_alloc : memref<!tpu.dma_semaphore, #tpu.memory_space<semaphore_mem>>
      %dma_start3A_347 = tpu.memref_slice %arg4[%mul3A_2] : memref<512xi32, #tpu.memory_space<hbm>> -> memref<16xi32, #tpu.memory_space<hbm>>
      %dma_start3A_348 = tpu.memref_slice %arg4[%mul3A_2] : memref<512xi32, #tpu.memory_space<hbm>> -> memref<16xi32, #tpu.memory_space<hbm>>
      tpu.enqueue_dma source(%dma_start3A_348 : memref<16xi32, #tpu.memory_space<hbm>>) target(%arg7 : memref<16xi32, #tpu.memory_space<vmem>>) target_semaphore(%run_scoped3A : memref<!tpu.dma_semaphore, #tpu.memory_space<semaphore_mem>>)
      %dma_wait3A_349 = tpu.memref_slice %arg4[%mul3A_2] : memref<512xi32, #tpu.memory_space<hbm>> -> memref<16xi32, #tpu.memory_space<hbm>>
      %dma_wait3A_350 = tpu.memref_slice %arg4[%mul3A_2] : memref<512xi32, #tpu.memory_space<hbm>> -> memref<16xi32, #tpu.memory_space<hbm>>
      tpu.wait_dma2 semaphore(%run_scoped3A : memref<!tpu.dma_semaphore, #tpu.memory_space<semaphore_mem>>) src(%dma_wait3A_350 : memref<16xi32, #tpu.memory_space<hbm>>) dst(%arg7 : memref<16xi32, #tpu.memory_space<vmem>>)
      tpu.yield
    }) : () -> ()
    %get3A = arith.constant 0 : index
    %get3A_3 = tpu.vector_load %arg7[%get3A] {strides = array<i32>} : memref<16xi32, #tpu.memory_space<vmem>>, vector<16xi32>,
    %jit3A = arith.constant 8 : i32
    %div3A = arith.divsi %add3A, %jit3A : i32
    %sign3A = arith.constant 0 : i32
    %sign3A_4 = arith.cmpi sgt, %add3A, %sign3A : i32
    %sign3A_5 = arith.extui %sign3A_4 : i1 to i32
    %sign3A_6 = arith.constant 0 : i32
    %sign3A_7 = arith.cmpi slt, %add3A, %sign3A_6 : i32
    %sign3A_8 = arith.extui %sign3A_7 : i1 to i32
    %sign3A_9 = arith.subi %sign3A_5, %sign3A_8 : i32
    %sign3A_10 = arith.constant 0 : i32
    %sign3A_11 = arith.cmpi sgt, %jit3A, %sign3A_10 : i32
    %sign3A_12 = arith.extui %sign3A_11 : i1 to i32
    %sign3A_13 = arith.constant 0 : i32
    %sign3A_14 = arith.cmpi slt, %jit3A, %sign3A_13 : i32
    %sign3A_15 = arith.extui %sign3A_14 : i1 to i32
    %sign3A_16 = arith.subi %sign3A_12, %sign3A_15 : i32
    %ne3A = arith.cmpi ne, %sign3A_9, %sign3A_16 : i32
    %rem3A = arith.remsi %add3A, %jit3A : i32
    %ne3A_17 = arith.constant 0 : i32
    %ne3A_18 = arith.cmpi ne, %rem3A, %ne3A_17 : i32
    %and3A = arith.andi %ne3A, %ne3A_18 : i1
    %sub3A = arith.constant 1 : i32
    %sub3A_19 = arith.subi %div3A, %sub3A : i32
    %select_n3A = arith.select %and3A, %sub3A_19, %div3A : i32
    %mul3A_20 = arith.constant 20000 : i32
    %mul3A_21 = arith.muli %select_n3A, %mul3A_20 : i32
    %add3A_22 = vector.broadcast %mul3A_21 : i32 to vector<16xi32>
    %add3A_23 = arith.addi %get3A_3, %add3A_22 : vector<16xi32>
    %swap3A = arith.constant 0 : index
    %swap3A_24 = tpu.vector_load %arg7[%swap3A] {strides = array<i32>} : memref<16xi32, #tpu.memory_space<vmem>>, vector<16xi32>,
    tpu.vector_store %arg7[%swap3A], %add3A_23 {strides = array<i32>} : memref<16xi32, #tpu.memory_space<vmem>>, vector<16xi32>,
    %dma_start3A = arith.constant 0 : i32
    %dma_start3A_25 = arith.constant 0 : i32
    %dma_start3A_26 = tpu.memref_slice %arg2[%dma_start3A, %dma_start3A_25] : memref<80000x32xf32, #tpu.memory_space<hbm>> -> memref<80000x32xf32, #tpu.memory_space<hbm>>
    tpu.enqueue_indirect_dma source(%dma_start3A_26 : memref<80000x32xf32, #tpu.memory_space<hbm>>) target(%arg9 : memref<16x32xf32, #tpu.memory_space<vmem>>) offsets(%arg7 : memref<16xi32, #tpu.memory_space<vmem>>) semaphore(%arg12 : memref<!tpu.dma_semaphore, #tpu.memory_space<semaphore_mem>>)
    %get3A_27 = arith.constant 0 : index
    %get3A_28 = tpu.vector_load %arg7[%get3A_27] {strides = array<i32>} : memref<16xi32, #tpu.memory_space<vmem>>, vector<16xi32>,
    %jit3A_29 = arith.constant 4 : i32
    %div3A_30 = vector.broadcast %jit3A_29 : i32 to vector<16xi32>
    %div3A_31 = arith.divsi %get3A_28, %div3A_30 : vector<16xi32>
    %sign3A_32 = arith.constant 0 : i32
    %sign3A_33 = vector.broadcast %sign3A_32 : i32 to vector<16xi32>
    %sign3A_34 = arith.cmpi sgt, %get3A_28, %sign3A_33 : vector<16xi32>
    %sign3A_35 = arith.extui %sign3A_34 : vector<16xi1> to vector<16xi32>
    %sign3A_36 = arith.constant 0 : i32
    %sign3A_37 = vector.broadcast %sign3A_36 : i32 to vector<16xi32>
    %sign3A_38 = arith.cmpi slt, %get3A_28, %sign3A_37 : vector<16xi32>
    %sign3A_39 = arith.extui %sign3A_38 : vector<16xi1> to vector<16xi32>
    %sign3A_40 = arith.subi %sign3A_35, %sign3A_39 : vector<16xi32>
    %sign3A_41 = arith.constant 0 : i32
    %sign3A_42 = arith.cmpi sgt, %jit3A_29, %sign3A_41 : i32
    %sign3A_43 = arith.extui %sign3A_42 : i1 to i32
    %sign3A_44 = arith.constant 0 : i32
    %sign3A_45 = arith.cmpi slt, %jit3A_29, %sign3A_44 : i32
    %sign3A_46 = arith.extui %sign3A_45 : i1 to i32
    %sign3A_47 = arith.subi %sign3A_43, %sign3A_46 : i32
    %ne3A_48 = vector.broadcast %sign3A_47 : i32 to vector<16xi32>
    %ne3A_49 = arith.cmpi ne, %sign3A_40, %ne3A_48 : vector<16xi32>
    %rem3A_50 = vector.broadcast %jit3A_29 : i32 to vector<16xi32>
    %rem3A_51 = arith.remsi %get3A_28, %rem3A_50 : vector<16xi32>
    %ne3A_52 = arith.constant 0 : i32
    %ne3A_53 = vector.broadcast %ne3A_52 : i32 to vector<16xi32>
    %ne3A_54 = arith.cmpi ne, %rem3A_51, %ne3A_53 : vector<16xi32>
    %and3A_55 = arith.andi %ne3A_49, %ne3A_54 : vector<16xi1>
    %sub3A_56 = arith.constant 1 : i32
    %sub3A_57 = vector.broadcast %sub3A_56 : i32 to vector<16xi32>
    %sub3A_58 = arith.subi %div3A_31, %sub3A_57 : vector<16xi32>
    %select_n3A_59 = arith.select %and3A_55, %sub3A_58, %div3A_31 : vector<16xi1>, vector<16xi32>
    %swap3A_60 = arith.constant 0 : index
    %swap3A_61 = tpu.vector_load %arg8[%swap3A_60] {strides = array<i32>} : memref<16xi32, #tpu.memory_space<vmem>>, vector<16xi32>,
    tpu.vector_store %arg8[%swap3A_60], %select_n3A_59 {strides = array<i32>} : memref<16xi32, #tpu.memory_space<vmem>>, vector<16xi32>,
    %dma_start3A_62 = arith.constant 0 : i32
    %dma_start3A_63 = arith.constant 0 : i32
    %dma_start3A_64 = tpu.memref_slice %arg3[%dma_start3A_62, %dma_start3A_63] : memref<20000x16xf32, #tpu.memory_space<hbm>> -> memref<20000x16xf32, #tpu.memory_space<hbm>>
    tpu.enqueue_indirect_dma source(%dma_start3A_64 : memref<20000x16xf32, #tpu.memory_space<hbm>>) target(%arg10 : memref<16x16xf32, #tpu.memory_space<vmem>>) offsets(%arg8 : memref<16xi32, #tpu.memory_space<vmem>>) semaphore(%arg13 : memref<!tpu.dma_semaphore, #tpu.memory_space<semaphore_mem>>)
    %dma_wait3A = arith.constant 0 : i32
    %dma_wait3A_65 = arith.constant 0 : i32
    %dma_wait3A_66 = tpu.memref_slice %arg2[%dma_wait3A, %dma_wait3A_65] : memref<80000x32xf32, #tpu.memory_space<hbm>> -> memref<80000x32xf32, #tpu.memory_space<hbm>>
    tpu.wait_indirect_dma semaphore(%arg12 : memref<!tpu.dma_semaphore, #tpu.memory_space<semaphore_mem>>) src(%dma_wait3A_66 : memref<80000x32xf32, #tpu.memory_space<hbm>>) dst(%arg9 : memref<16x32xf32, #tpu.memory_space<vmem>>)
    "tpu.region"() ({
      %run_scoped3A = tpu.sem_alloc : memref<!tpu.dma_semaphore, #tpu.memory_space<semaphore_mem>>
      %dma_start3A_347 = arith.constant 0 : i32
      %dma_start3A_348 = tpu.memref_slice %arg5[%mul3A_2, %dma_start3A_347] : memref<512x32xf32, #tpu.memory_space<hbm>> -> memref<16x32xf32, #tpu.memory_space<hbm>>
      %dma_start3A_349 = arith.constant 0 : i32
      %dma_start3A_350 = tpu.memref_slice %arg5[%mul3A_2, %dma_start3A_349] : memref<512x32xf32, #tpu.memory_space<hbm>> -> memref<16x32xf32, #tpu.memory_space<hbm>>
      tpu.enqueue_dma source(%arg9 : memref<16x32xf32, #tpu.memory_space<vmem>>) target(%dma_start3A_350 : memref<16x32xf32, #tpu.memory_space<hbm>>) target_semaphore(%run_scoped3A : memref<!tpu.dma_semaphore, #tpu.memory_space<semaphore_mem>>)
      %dma_wait3A_351 = arith.constant 0 : i32
      %dma_wait3A_352 = tpu.memref_slice %arg5[%mul3A_2, %dma_wait3A_351] : memref<512x32xf32, #tpu.memory_space<hbm>> -> memref<16x32xf32, #tpu.memory_space<hbm>>
      %dma_wait3A_353 = arith.constant 0 : i32
      %dma_wait3A_354 = tpu.memref_slice %arg5[%mul3A_2, %dma_wait3A_353] : memref<512x32xf32, #tpu.memory_space<hbm>> -> memref<16x32xf32, #tpu.memory_space<hbm>>
      tpu.wait_dma2 semaphore(%run_scoped3A : memref<!tpu.dma_semaphore, #tpu.memory_space<semaphore_mem>>) src(%arg9 : memref<16x32xf32, #tpu.memory_space<vmem>>) dst(%dma_wait3A_354 : memref<16x32xf32, #tpu.memory_space<hbm>>)
      tpu.yield
    }) : () -> ()
    %dma_wait3A_67 = arith.constant 0 : i32
    %dma_wait3A_68 = arith.constant 0 : i32
    %dma_wait3A_69 = tpu.memref_slice %arg3[%dma_wait3A_67, %dma_wait3A_68] : memref<20000x16xf32, #tpu.memory_space<hbm>> -> memref<20000x16xf32, #tpu.memory_space<hbm>>
    tpu.wait_indirect_dma semaphore(%arg13 : memref<!tpu.dma_semaphore, #tpu.memory_space<semaphore_mem>>) src(%dma_wait3A_69 : memref<20000x16xf32, #tpu.memory_space<hbm>>) dst(%arg10 : memref<16x16xf32, #tpu.memory_space<vmem>>)
    %iota3A = tpu.iota {dimensions = array<i32: 0>} : vector<16xi32>
    %jit3A_70 = arith.constant 4 : i32
    %eq3A = arith.constant 0 : i32
    %eq3A_71 = arith.cmpi eq, %jit3A_70, %eq3A : i32
    %jit3A_72 = arith.constant 1 : i32
    %select_n3A_73 = arith.select %eq3A_71, %jit3A_72, %jit3A_70 : i32
    %rem3A_74 = vector.broadcast %select_n3A_73 : i32 to vector<16xi32>
    %rem3A_75 = arith.remsi %iota3A, %rem3A_74 : vector<16xi32>
    %ne3A_76 = arith.constant 0 : i32
    %ne3A_77 = vector.broadcast %ne3A_76 : i32 to vector<16xi32>
    %ne3A_78 = arith.cmpi ne, %rem3A_75, %ne3A_77 : vector<16xi32>
    %lt3A = arith.constant 0 : i32
    %lt3A_79 = vector.broadcast %lt3A : i32 to vector<16xi32>
    %lt3A_80 = arith.cmpi slt, %rem3A_75, %lt3A_79 : vector<16xi32>
    %lt3A_81 = arith.constant 0 : i32
    %lt3A_82 = arith.cmpi slt, %select_n3A_73, %lt3A_81 : i32
    %ne3A_83 = vector.broadcast %lt3A_82 : i1 to vector<16xi1>
    %ne3A_84 = vector.broadcast %ne3A_83 : vector<16xi1> to vector<16xi1>
    %ne3A_85 = arith.xori %lt3A_80, %ne3A_84 : vector<16xi1>
    %and3A_86 = arith.andi %ne3A_85, %ne3A_78 : vector<16xi1>
    %add3A_87 = vector.broadcast %select_n3A_73 : i32 to vector<16xi32>
    %add3A_88 = arith.addi %rem3A_75, %add3A_87 : vector<16xi32>
    %select_n3A_89 = arith.select %and3A_86, %add3A_88, %rem3A_75 : vector<16xi1>, vector<16xi32>
    %jit3A_90 = arith.constant 4 : i32
    %div3A_91 = vector.broadcast %jit3A_90 : i32 to vector<16xi32>
    %div3A_92 = arith.divsi %iota3A, %div3A_91 : vector<16xi32>
    %sign3A_93 = arith.constant 0 : i32
    %sign3A_94 = vector.broadcast %sign3A_93 : i32 to vector<16xi32>
    %sign3A_95 = arith.cmpi sgt, %iota3A, %sign3A_94 : vector<16xi32>
    %sign3A_96 = arith.extui %sign3A_95 : vector<16xi1> to vector<16xi32>
    %sign3A_97 = arith.constant 0 : i32
    %sign3A_98 = vector.broadcast %sign3A_97 : i32 to vector<16xi32>
    %sign3A_99 = arith.cmpi slt, %iota3A, %sign3A_98 : vector<16xi32>
    %sign3A_100 = arith.extui %sign3A_99 : vector<16xi1> to vector<16xi32>
    %sign3A_101 = arith.subi %sign3A_96, %sign3A_100 : vector<16xi32>
    %sign3A_102 = arith.constant 0 : i32
    %sign3A_103 = arith.cmpi sgt, %jit3A_90, %sign3A_102 : i32
    %sign3A_104 = arith.extui %sign3A_103 : i1 to i32
    %sign3A_105 = arith.constant 0 : i32
    %sign3A_106 = arith.cmpi slt, %jit3A_90, %sign3A_105 : i32
    %sign3A_107 = arith.extui %sign3A_106 : i1 to i32
    %sign3A_108 = arith.subi %sign3A_104, %sign3A_107 : i32
    %ne3A_109 = vector.broadcast %sign3A_108 : i32 to vector<16xi32>
    %ne3A_110 = arith.cmpi ne, %sign3A_101, %ne3A_109 : vector<16xi32>
    %rem3A_111 = vector.broadcast %jit3A_90 : i32 to vector<16xi32>
    %rem3A_112 = arith.remsi %iota3A, %rem3A_111 : vector<16xi32>
    %ne3A_113 = arith.constant 0 : i32
    %ne3A_114 = vector.broadcast %ne3A_113 : i32 to vector<16xi32>
    %ne3A_115 = arith.cmpi ne, %rem3A_112, %ne3A_114 : vector<16xi32>
    %and3A_116 = arith.andi %ne3A_110, %ne3A_115 : vector<16xi1>
    %sub3A_117 = arith.constant 1 : i32
    %sub3A_118 = vector.broadcast %sub3A_117 : i32 to vector<16xi32>
    %sub3A_119 = arith.subi %div3A_92, %sub3A_118 : vector<16xi32>
    %select_n3A_120 = arith.select %and3A_116, %sub3A_119, %div3A_92 : vector<16xi1>, vector<16xi32>
    %add3A_121 = arith.constant 0 : i32
    %add3A_122 = vector.broadcast %add3A_121 : i32 to vector<16xi32>
    %add3A_123 = arith.addi %select_n3A_120, %add3A_122 : vector<16xi32>
    %gather3A = tpu.vector_load_idx %arg7[%add3A_123] : memref<16xi32, #tpu.memory_space<vmem>>[vector<16xi32>], vector<16xi32>,
    %jit3A_124 = arith.constant 4 : i32
    %eq3A_125 = arith.constant 0 : i32
    %eq3A_126 = arith.cmpi eq, %jit3A_124, %eq3A_125 : i32
    %jit3A_127 = arith.constant 1 : i32
    %select_n3A_128 = arith.select %eq3A_126, %jit3A_127, %jit3A_124 : i32
    %rem3A_129 = vector.broadcast %select_n3A_128 : i32 to vector<16xi32>
    %rem3A_130 = arith.remsi %gather3A, %rem3A_129 : vector<16xi32>
    %ne3A_131 = arith.constant 0 : i32
    %ne3A_132 = vector.broadcast %ne3A_131 : i32 to vector<16xi32>
    %ne3A_133 = arith.cmpi ne, %rem3A_130, %ne3A_132 : vector<16xi32>
    %lt3A_134 = arith.constant 0 : i32
    %lt3A_135 = vector.broadcast %lt3A_134 : i32 to vector<16xi32>
    %lt3A_136 = arith.cmpi slt, %rem3A_130, %lt3A_135 : vector<16xi32>
    %lt3A_137 = arith.constant 0 : i32
    %lt3A_138 = arith.cmpi slt, %select_n3A_128, %lt3A_137 : i32
    %ne3A_139 = vector.broadcast %lt3A_138 : i1 to vector<16xi1>
    %ne3A_140 = vector.broadcast %ne3A_139 : vector<16xi1> to vector<16xi1>
    %ne3A_141 = arith.xori %lt3A_136, %ne3A_140 : vector<16xi1>
    %and3A_142 = arith.andi %ne3A_141, %ne3A_133 : vector<16xi1>
    %add3A_143 = vector.broadcast %select_n3A_128 : i32 to vector<16xi32>
    %add3A_144 = arith.addi %rem3A_130, %add3A_143 : vector<16xi32>
    %select_n3A_145 = arith.select %and3A_142, %add3A_144, %rem3A_130 : vector<16xi1>, vector<16xi32>
    %mul3A_146 = arith.constant 4 : i32
    %mul3A_147 = vector.broadcast %mul3A_146 : i32 to vector<16xi32>
    %mul3A_148 = arith.muli %select_n3A_145, %mul3A_147 : vector<16xi32>
    %add3A_149 = arith.addi %mul3A_148, %select_n3A_89 : vector<16xi32>
    %gather3A_150 = tpu.vector_load_idx %arg10[%add3A_123, %add3A_149] : memref<16x16xf32, #tpu.memory_space<vmem>>[vector<16xi32>, vector<16xi32>], vector<16xf32>,
    %swap3A_151 = arith.constant 0 : index
    %swap3A_152 = tpu.vector_load %arg11[%swap3A_151] {strides = array<i32>} : memref<64xf32, #tpu.memory_space<vmem>>, vector<16xf32>,
    tpu.vector_store %arg11[%swap3A_151], %gather3A_150 {strides = array<i32>} : memref<64xf32, #tpu.memory_space<vmem>>, vector<16xf32>,
    %jit3A_153 = arith.constant 4 : i32
    %div3A_154 = vector.broadcast %jit3A_153 : i32 to vector<16xi32>
    %div3A_155 = arith.divsi %iota3A, %div3A_154 : vector<16xi32>
    %sign3A_156 = arith.constant 0 : i32
    %sign3A_157 = vector.broadcast %sign3A_156 : i32 to vector<16xi32>
    %sign3A_158 = arith.cmpi sgt, %iota3A, %sign3A_157 : vector<16xi32>
    %sign3A_159 = arith.extui %sign3A_158 : vector<16xi1> to vector<16xi32>
    %sign3A_160 = arith.constant 0 : i32
    %sign3A_161 = vector.broadcast %sign3A_160 : i32 to vector<16xi32>
    %sign3A_162 = arith.cmpi slt, %iota3A, %sign3A_161 : vector<16xi32>
    %sign3A_163 = arith.extui %sign3A_162 : vector<16xi1> to vector<16xi32>
    %sign3A_164 = arith.subi %sign3A_159, %sign3A_163 : vector<16xi32>
    %sign3A_165 = arith.constant 0 : i32
    %sign3A_166 = arith.cmpi sgt, %jit3A_153, %sign3A_165 : i32
    %sign3A_167 = arith.extui %sign3A_166 : i1 to i32
    %sign3A_168 = arith.constant 0 : i32
    %sign3A_169 = arith.cmpi slt, %jit3A_153, %sign3A_168 : i32
    %sign3A_170 = arith.extui %sign3A_169 : i1 to i32
    %sign3A_171 = arith.subi %sign3A_167, %sign3A_170 : i32
    %ne3A_172 = vector.broadcast %sign3A_171 : i32 to vector<16xi32>
    %ne3A_173 = arith.cmpi ne, %sign3A_164, %ne3A_172 : vector<16xi32>
    %rem3A_174 = vector.broadcast %jit3A_153 : i32 to vector<16xi32>
    %rem3A_175 = arith.remsi %iota3A, %rem3A_174 : vector<16xi32>
    %ne3A_176 = arith.constant 0 : i32
    %ne3A_177 = vector.broadcast %ne3A_176 : i32 to vector<16xi32>
    %ne3A_178 = arith.cmpi ne, %rem3A_175, %ne3A_177 : vector<16xi32>
    %and3A_179 = arith.andi %ne3A_173, %ne3A_178 : vector<16xi1>
    %sub3A_180 = arith.constant 1 : i32
    %sub3A_181 = vector.broadcast %sub3A_180 : i32 to vector<16xi32>
    %sub3A_182 = arith.subi %div3A_155, %sub3A_181 : vector<16xi32>
    %select_n3A_183 = arith.select %and3A_179, %sub3A_182, %div3A_155 : vector<16xi1>, vector<16xi32>
    %add3A_184 = arith.constant 4 : i32
    %add3A_185 = vector.broadcast %add3A_184 : i32 to vector<16xi32>
    %add3A_186 = arith.addi %select_n3A_183, %add3A_185 : vector<16xi32>
    %gather3A_187 = tpu.vector_load_idx %arg7[%add3A_186] : memref<16xi32, #tpu.memory_space<vmem>>[vector<16xi32>], vector<16xi32>,
    %jit3A_188 = arith.constant 4 : i32
    %eq3A_189 = arith.constant 0 : i32
    %eq3A_190 = arith.cmpi eq, %jit3A_188, %eq3A_189 : i32
    %jit3A_191 = arith.constant 1 : i32
    %select_n3A_192 = arith.select %eq3A_190, %jit3A_191, %jit3A_188 : i32
    %rem3A_193 = vector.broadcast %select_n3A_192 : i32 to vector<16xi32>
    %rem3A_194 = arith.remsi %gather3A_187, %rem3A_193 : vector<16xi32>
    %ne3A_195 = arith.constant 0 : i32
    %ne3A_196 = vector.broadcast %ne3A_195 : i32 to vector<16xi32>
    %ne3A_197 = arith.cmpi ne, %rem3A_194, %ne3A_196 : vector<16xi32>
    %lt3A_198 = arith.constant 0 : i32
    %lt3A_199 = vector.broadcast %lt3A_198 : i32 to vector<16xi32>
    %lt3A_200 = arith.cmpi slt, %rem3A_194, %lt3A_199 : vector<16xi32>
    %lt3A_201 = arith.constant 0 : i32
    %lt3A_202 = arith.cmpi slt, %select_n3A_192, %lt3A_201 : i32
    %ne3A_203 = vector.broadcast %lt3A_202 : i1 to vector<16xi1>
    %ne3A_204 = vector.broadcast %ne3A_203 : vector<16xi1> to vector<16xi1>
    %ne3A_205 = arith.xori %lt3A_200, %ne3A_204 : vector<16xi1>
    %and3A_206 = arith.andi %ne3A_205, %ne3A_197 : vector<16xi1>
    %add3A_207 = vector.broadcast %select_n3A_192 : i32 to vector<16xi32>
    %add3A_208 = arith.addi %rem3A_194, %add3A_207 : vector<16xi32>
    %select_n3A_209 = arith.select %and3A_206, %add3A_208, %rem3A_194 : vector<16xi1>, vector<16xi32>
    %mul3A_210 = arith.constant 4 : i32
    %mul3A_211 = vector.broadcast %mul3A_210 : i32 to vector<16xi32>
    %mul3A_212 = arith.muli %select_n3A_209, %mul3A_211 : vector<16xi32>
    %add3A_213 = arith.addi %mul3A_212, %select_n3A_89 : vector<16xi32>
    %gather3A_214 = tpu.vector_load_idx %arg10[%add3A_186, %add3A_213] : memref<16x16xf32, #tpu.memory_space<vmem>>[vector<16xi32>, vector<16xi32>], vector<16xf32>,
    %swap3A_215 = arith.constant 16 : index
    %swap3A_216 = tpu.vector_load %arg11[%swap3A_215] {strides = array<i32>} : memref<64xf32, #tpu.memory_space<vmem>>, vector<16xf32>,
    tpu.vector_store %arg11[%swap3A_215], %gather3A_214 {strides = array<i32>} : memref<64xf32, #tpu.memory_space<vmem>>, vector<16xf32>,
    %jit3A_217 = arith.constant 4 : i32
    %div3A_218 = vector.broadcast %jit3A_217 : i32 to vector<16xi32>
    %div3A_219 = arith.divsi %iota3A, %div3A_218 : vector<16xi32>
    %sign3A_220 = arith.constant 0 : i32
    %sign3A_221 = vector.broadcast %sign3A_220 : i32 to vector<16xi32>
    %sign3A_222 = arith.cmpi sgt, %iota3A, %sign3A_221 : vector<16xi32>
    %sign3A_223 = arith.extui %sign3A_222 : vector<16xi1> to vector<16xi32>
    %sign3A_224 = arith.constant 0 : i32
    %sign3A_225 = vector.broadcast %sign3A_224 : i32 to vector<16xi32>
    %sign3A_226 = arith.cmpi slt, %iota3A, %sign3A_225 : vector<16xi32>
    %sign3A_227 = arith.extui %sign3A_226 : vector<16xi1> to vector<16xi32>
    %sign3A_228 = arith.subi %sign3A_223, %sign3A_227 : vector<16xi32>
    %sign3A_229 = arith.constant 0 : i32
    %sign3A_230 = arith.cmpi sgt, %jit3A_217, %sign3A_229 : i32
    %sign3A_231 = arith.extui %sign3A_230 : i1 to i32
    %sign3A_232 = arith.constant 0 : i32
    %sign3A_233 = arith.cmpi slt, %jit3A_217, %sign3A_232 : i32
    %sign3A_234 = arith.extui %sign3A_233 : i1 to i32
    %sign3A_235 = arith.subi %sign3A_231, %sign3A_234 : i32
    %ne3A_236 = vector.broadcast %sign3A_235 : i32 to vector<16xi32>
    %ne3A_237 = arith.cmpi ne, %sign3A_228, %ne3A_236 : vector<16xi32>
    %rem3A_238 = vector.broadcast %jit3A_217 : i32 to vector<16xi32>
    %rem3A_239 = arith.remsi %iota3A, %rem3A_238 : vector<16xi32>
    %ne3A_240 = arith.constant 0 : i32
    %ne3A_241 = vector.broadcast %ne3A_240 : i32 to vector<16xi32>
    %ne3A_242 = arith.cmpi ne, %rem3A_239, %ne3A_241 : vector<16xi32>
    %and3A_243 = arith.andi %ne3A_237, %ne3A_242 : vector<16xi1>
    %sub3A_244 = arith.constant 1 : i32
    %sub3A_245 = vector.broadcast %sub3A_244 : i32 to vector<16xi32>
    %sub3A_246 = arith.subi %div3A_219, %sub3A_245 : vector<16xi32>
    %select_n3A_247 = arith.select %and3A_243, %sub3A_246, %div3A_219 : vector<16xi1>, vector<16xi32>
    %add3A_248 = arith.constant 8 : i32
    %add3A_249 = vector.broadcast %add3A_248 : i32 to vector<16xi32>
    %add3A_250 = arith.addi %select_n3A_247, %add3A_249 : vector<16xi32>
    %gather3A_251 = tpu.vector_load_idx %arg7[%add3A_250] : memref<16xi32, #tpu.memory_space<vmem>>[vector<16xi32>], vector<16xi32>,
    %jit3A_252 = arith.constant 4 : i32
    %eq3A_253 = arith.constant 0 : i32
    %eq3A_254 = arith.cmpi eq, %jit3A_252, %eq3A_253 : i32
    %jit3A_255 = arith.constant 1 : i32
    %select_n3A_256 = arith.select %eq3A_254, %jit3A_255, %jit3A_252 : i32
    %rem3A_257 = vector.broadcast %select_n3A_256 : i32 to vector<16xi32>
    %rem3A_258 = arith.remsi %gather3A_251, %rem3A_257 : vector<16xi32>
    %ne3A_259 = arith.constant 0 : i32
    %ne3A_260 = vector.broadcast %ne3A_259 : i32 to vector<16xi32>
    %ne3A_261 = arith.cmpi ne, %rem3A_258, %ne3A_260 : vector<16xi32>
    %lt3A_262 = arith.constant 0 : i32
    %lt3A_263 = vector.broadcast %lt3A_262 : i32 to vector<16xi32>
    %lt3A_264 = arith.cmpi slt, %rem3A_258, %lt3A_263 : vector<16xi32>
    %lt3A_265 = arith.constant 0 : i32
    %lt3A_266 = arith.cmpi slt, %select_n3A_256, %lt3A_265 : i32
    %ne3A_267 = vector.broadcast %lt3A_266 : i1 to vector<16xi1>
    %ne3A_268 = vector.broadcast %ne3A_267 : vector<16xi1> to vector<16xi1>
    %ne3A_269 = arith.xori %lt3A_264, %ne3A_268 : vector<16xi1>
    %and3A_270 = arith.andi %ne3A_269, %ne3A_261 : vector<16xi1>
    %add3A_271 = vector.broadcast %select_n3A_256 : i32 to vector<16xi32>
    %add3A_272 = arith.addi %rem3A_258, %add3A_271 : vector<16xi32>
    %select_n3A_273 = arith.select %and3A_270, %add3A_272, %rem3A_258 : vector<16xi1>, vector<16xi32>
    %mul3A_274 = arith.constant 4 : i32
    %mul3A_275 = vector.broadcast %mul3A_274 : i32 to vector<16xi32>
    %mul3A_276 = arith.muli %select_n3A_273, %mul3A_275 : vector<16xi32>
    %add3A_277 = arith.addi %mul3A_276, %select_n3A_89 : vector<16xi32>
    %gather3A_278 = tpu.vector_load_idx %arg10[%add3A_250, %add3A_277] : memref<16x16xf32, #tpu.memory_space<vmem>>[vector<16xi32>, vector<16xi32>], vector<16xf32>,
    %swap3A_279 = arith.constant 32 : index
    %swap3A_280 = tpu.vector_load %arg11[%swap3A_279] {strides = array<i32>} : memref<64xf32, #tpu.memory_space<vmem>>, vector<16xf32>,
    tpu.vector_store %arg11[%swap3A_279], %gather3A_278 {strides = array<i32>} : memref<64xf32, #tpu.memory_space<vmem>>, vector<16xf32>,
    %jit3A_281 = arith.constant 4 : i32
    %div3A_282 = vector.broadcast %jit3A_281 : i32 to vector<16xi32>
    %div3A_283 = arith.divsi %iota3A, %div3A_282 : vector<16xi32>
    %sign3A_284 = arith.constant 0 : i32
    %sign3A_285 = vector.broadcast %sign3A_284 : i32 to vector<16xi32>
    %sign3A_286 = arith.cmpi sgt, %iota3A, %sign3A_285 : vector<16xi32>
    %sign3A_287 = arith.extui %sign3A_286 : vector<16xi1> to vector<16xi32>
    %sign3A_288 = arith.constant 0 : i32
    %sign3A_289 = vector.broadcast %sign3A_288 : i32 to vector<16xi32>
    %sign3A_290 = arith.cmpi slt, %iota3A, %sign3A_289 : vector<16xi32>
    %sign3A_291 = arith.extui %sign3A_290 : vector<16xi1> to vector<16xi32>
    %sign3A_292 = arith.subi %sign3A_287, %sign3A_291 : vector<16xi32>
    %sign3A_293 = arith.constant 0 : i32
    %sign3A_294 = arith.cmpi sgt, %jit3A_281, %sign3A_293 : i32
    %sign3A_295 = arith.extui %sign3A_294 : i1 to i32
    %sign3A_296 = arith.constant 0 : i32
    %sign3A_297 = arith.cmpi slt, %jit3A_281, %sign3A_296 : i32
    %sign3A_298 = arith.extui %sign3A_297 : i1 to i32
    %sign3A_299 = arith.subi %sign3A_295, %sign3A_298 : i32
    %ne3A_300 = vector.broadcast %sign3A_299 : i32 to vector<16xi32>
    %ne3A_301 = arith.cmpi ne, %sign3A_292, %ne3A_300 : vector<16xi32>
    %rem3A_302 = vector.broadcast %jit3A_281 : i32 to vector<16xi32>
    %rem3A_303 = arith.remsi %iota3A, %rem3A_302 : vector<16xi32>
    %ne3A_304 = arith.constant 0 : i32
    %ne3A_305 = vector.broadcast %ne3A_304 : i32 to vector<16xi32>
    %ne3A_306 = arith.cmpi ne, %rem3A_303, %ne3A_305 : vector<16xi32>
    %and3A_307 = arith.andi %ne3A_301, %ne3A_306 : vector<16xi1>
    %sub3A_308 = arith.constant 1 : i32
    %sub3A_309 = vector.broadcast %sub3A_308 : i32 to vector<16xi32>
    %sub3A_310 = arith.subi %div3A_283, %sub3A_309 : vector<16xi32>
    %select_n3A_311 = arith.select %and3A_307, %sub3A_310, %div3A_283 : vector<16xi1>, vector<16xi32>
    %add3A_312 = arith.constant 12 : i32
    %add3A_313 = vector.broadcast %add3A_312 : i32 to vector<16xi32>
    %add3A_314 = arith.addi %select_n3A_311, %add3A_313 : vector<16xi32>
    %gather3A_315 = tpu.vector_load_idx %arg7[%add3A_314] : memref<16xi32, #tpu.memory_space<vmem>>[vector<16xi32>], vector<16xi32>,
    %jit3A_316 = arith.constant 4 : i32
    %eq3A_317 = arith.constant 0 : i32
    %eq3A_318 = arith.cmpi eq, %jit3A_316, %eq3A_317 : i32
    %jit3A_319 = arith.constant 1 : i32
    %select_n3A_320 = arith.select %eq3A_318, %jit3A_319, %jit3A_316 : i32
    %rem3A_321 = vector.broadcast %select_n3A_320 : i32 to vector<16xi32>
    %rem3A_322 = arith.remsi %gather3A_315, %rem3A_321 : vector<16xi32>
    %ne3A_323 = arith.constant 0 : i32
    %ne3A_324 = vector.broadcast %ne3A_323 : i32 to vector<16xi32>
    %ne3A_325 = arith.cmpi ne, %rem3A_322, %ne3A_324 : vector<16xi32>
    %lt3A_326 = arith.constant 0 : i32
    %lt3A_327 = vector.broadcast %lt3A_326 : i32 to vector<16xi32>
    %lt3A_328 = arith.cmpi slt, %rem3A_322, %lt3A_327 : vector<16xi32>
    %lt3A_329 = arith.constant 0 : i32
    %lt3A_330 = arith.cmpi slt, %select_n3A_320, %lt3A_329 : i32
    %ne3A_331 = vector.broadcast %lt3A_330 : i1 to vector<16xi1>
    %ne3A_332 = vector.broadcast %ne3A_331 : vector<16xi1> to vector<16xi1>
    %ne3A_333 = arith.xori %lt3A_328, %ne3A_332 : vector<16xi1>
    %and3A_334 = arith.andi %ne3A_333, %ne3A_325 : vector<16xi1>
    %add3A_335 = vector.broadcast %select_n3A_320 : i32 to vector<16xi32>
    %add3A_336 = arith.addi %rem3A_322, %add3A_335 : vector<16xi32>
    %select_n3A_337 = arith.select %and3A_334, %add3A_336, %rem3A_322 : vector<16xi1>, vector<16xi32>
    %mul3A_338 = arith.constant 4 : i32
    %mul3A_339 = vector.broadcast %mul3A_338 : i32 to vector<16xi32>
    %mul3A_340 = arith.muli %select_n3A_337, %mul3A_339 : vector<16xi32>
    %add3A_341 = arith.addi %mul3A_340, %select_n3A_89 : vector<16xi32>
    %gather3A_342 = tpu.vector_load_idx %arg10[%add3A_314, %add3A_341] : memref<16x16xf32, #tpu.memory_space<vmem>>[vector<16xi32>, vector<16xi32>], vector<16xf32>,
    %swap3A_343 = arith.constant 48 : index
    %swap3A_344 = tpu.vector_load %arg11[%swap3A_343] {strides = array<i32>} : memref<64xf32, #tpu.memory_space<vmem>>, vector<16xf32>,
    tpu.vector_store %arg11[%swap3A_343], %gather3A_342 {strides = array<i32>} : memref<64xf32, #tpu.memory_space<vmem>>, vector<16xf32>,
    %mul3A_345 = arith.constant 4 : i32
    %mul3A_346 = arith.muli %mul3A_2, %mul3A_345 : i32
    "tpu.region"() ({
      %run_scoped3A = tpu.sem_alloc : memref<!tpu.dma_semaphore, #tpu.memory_space<semaphore_mem>>
      %dma_start3A_347 = tpu.memref_slice %arg6[%mul3A_346] : memref<2048xf32, #tpu.memory_space<hbm>> -> memref<64xf32, #tpu.memory_space<hbm>>
      %dma_start3A_348 = tpu.memref_slice %arg6[%mul3A_346] : memref<2048xf32, #tpu.memory_space<hbm>> -> memref<64xf32, #tpu.memory_space<hbm>>
      tpu.enqueue_dma source(%arg11 : memref<64xf32, #tpu.memory_space<vmem>>) target(%dma_start3A_348 : memref<64xf32, #tpu.memory_space<hbm>>) target_semaphore(%run_scoped3A : memref<!tpu.dma_semaphore, #tpu.memory_space<semaphore_mem>>)
      %dma_wait3A_349 = tpu.memref_slice %arg6[%mul3A_346] : memref<2048xf32, #tpu.memory_space<hbm>> -> memref<64xf32, #tpu.memory_space<hbm>>
      %dma_wait3A_350 = tpu.memref_slice %arg6[%mul3A_346] : memref<2048xf32, #tpu.memory_space<hbm>> -> memref<64xf32, #tpu.memory_space<hbm>>
      tpu.wait_dma2 semaphore(%run_scoped3A : memref<!tpu.dma_semaphore, #tpu.memory_space<semaphore_mem>>) src(%arg11 : memref<64xf32, #tpu.memory_space<vmem>>) dst(%dma_wait3A_350 : memref<64xf32, #tpu.memory_space<hbm>>)
      tpu.yield
    }) : () -> ()
    return
  }
}

module attributes {stable_mosaic.version = 14 : i64} {
  func.func @_sel_body(%arg0: i32, %arg1: memref<1x1x512xf32, #tpu.memory_space<vmem>>, %arg2: memref<1x1x512xi32, #tpu.memory_space<vmem>>, %arg3: memref<1x1x128xf32, #tpu.memory_space<vmem>>, %arg4: memref<1x1x128xi32, #tpu.memory_space<vmem>>) attributes {dimension_semantics = [#tpu.dimension_semantics<arbitrary>], iteration_bounds = array<i64: 4>, scalar_prefetch = 0 : i64, scratch_operands = 0 : i64, tpu.core_type = #tpu.core_type<tc>, window_params = [{transform_indices = @transform_0, window_bounds = array<i64: 1, 1, 512>}, {transform_indices = @transform_1, window_bounds = array<i64: 1, 1, 512>}, {transform_indices = @transform_2, window_bounds = array<i64: 1, 1, 128>}, {transform_indices = @transform_3, window_bounds = array<i64: 1, 1, 128>}]} {
    %get3A = arith.constant 0 : index
    %get3A_0 = arith.constant 0 : index
    %get3A_1 = arith.constant 0 : index
    %get3A_2 = vector.load %arg1[%get3A, %get3A_0, %get3A_1] : memref<1x1x512xf32, #tpu.memory_space<vmem>>, vector<1x1x512xf32>
    %get3A_3 = vector.shape_cast %get3A_2 : vector<1x1x512xf32> to vector<512xf32>
    %get3A_4 = arith.constant 0 : index
    %get3A_5 = arith.constant 0 : index
    %get3A_6 = arith.constant 0 : index
    %get3A_7 = vector.load %arg2[%get3A_4, %get3A_5, %get3A_6] : memref<1x1x512xi32, #tpu.memory_space<vmem>>, vector<1x1x512xi32>
    %get3A_8 = vector.shape_cast %get3A_7 : vector<1x1x512xi32> to vector<512xi32>
    %broadcast_in_dim3A = vector.shape_cast %get3A_3 : vector<512xf32> to vector<512x1xf32>
    %broadcast_in_dim3A_9 = vector.shape_cast %get3A_3 : vector<512xf32> to vector<1x512xf32>
    %gt3A = vector.broadcast %broadcast_in_dim3A : vector<512x1xf32> to vector<512x512xf32>
    %gt3A_10 = vector.broadcast %broadcast_in_dim3A_9 : vector<1x512xf32> to vector<512x512xf32>
    %gt3A_11 = arith.cmpf ogt, %gt3A, %gt3A_10 : vector<512x512xf32>
    %convert_element_type3A = arith.extui %gt3A_11 : vector<512x512xi1> to vector<512x512xi32>
    %broadcast_in_dim3A_12 = vector.shape_cast %get3A_3 : vector<512xf32> to vector<512x1xf32>
    %broadcast_in_dim3A_13 = vector.shape_cast %get3A_3 : vector<512xf32> to vector<1x512xf32>
    %eq3A = vector.broadcast %broadcast_in_dim3A_12 : vector<512x1xf32> to vector<512x512xf32>
    %eq3A_14 = vector.broadcast %broadcast_in_dim3A_13 : vector<1x512xf32> to vector<512x512xf32>
    %eq3A_15 = arith.cmpf oeq, %eq3A, %eq3A_14 : vector<512x512xf32>
    %broadcast_in_dim3A_16 = vector.shape_cast %get3A_8 : vector<512xi32> to vector<512x1xi32>
    %broadcast_in_dim3A_17 = vector.shape_cast %get3A_8 : vector<512xi32> to vector<1x512xi32>
    %lt3A = vector.broadcast %broadcast_in_dim3A_16 : vector<512x1xi32> to vector<512x512xi32>
    %lt3A_18 = vector.broadcast %broadcast_in_dim3A_17 : vector<1x512xi32> to vector<512x512xi32>
    %lt3A_19 = arith.cmpi slt, %lt3A, %lt3A_18 : vector<512x512xi32>
    %and3A = arith.andi %eq3A_15, %lt3A_19 : vector<512x512xi1>
    %convert_element_type3A_20 = arith.extui %and3A : vector<512x512xi1> to vector<512x512xi32>
    %add3A = arith.addi %convert_element_type3A, %convert_element_type3A_20 : vector<512x512xi32>
    %reduce_sum3A = arith.constant dense<0> : vector<512xi32>
    %reduce_sum3A_21 = vector.multi_reduction <add>, %add3A, %reduce_sum3A [0] : vector<512x512xi32> to vector<512xi32>
    %iota3A = tpu.iota {dimensions = array<i32: 0>} : vector<128x512xi32>
    %broadcast_in_dim3A_22 = vector.shape_cast %reduce_sum3A_21 : vector<512xi32> to vector<1x512xi32>
    %eq3A_23 = vector.broadcast %broadcast_in_dim3A_22 : vector<1x512xi32> to vector<128x512xi32>
    %eq3A_24 = arith.cmpi eq, %eq3A_23, %iota3A : vector<128x512xi32>
    %broadcast_in_dim3A_25 = vector.shape_cast %get3A_3 : vector<512xf32> to vector<1x512xf32>
    %jit3A = arith.constant 0.000000e+00 : f32
    %broadcast_in_dim3A_26 = vector.shape_cast %broadcast_in_dim3A_25 : vector<1x512xf32> to vector<1x512xf32>
    %broadcast_in_dim3A_27 = vector.broadcast %broadcast_in_dim3A_26 : vector<1x512xf32> to vector<128x512xf32>
    %broadcast_in_dim3A_28 = vector.broadcast %jit3A : f32 to vector<128x512xf32>
    %select_n3A = arith.select %eq3A_24, %broadcast_in_dim3A_27, %broadcast_in_dim3A_28 : vector<128x512xi1>, vector<128x512xf32>
    %reduce_sum3A_29 = arith.constant dense<0.000000e+00> : vector<128xf32>
    %reduce_sum3A_30 = vector.multi_reduction <add>, %select_n3A, %reduce_sum3A_29 [1] : vector<128x512xf32> to vector<128xf32>
    %swap3A = arith.constant 0 : index
    %swap3A_31 = arith.constant 0 : index
    %swap3A_32 = arith.constant 0 : index
    %swap3A_33 = vector.load %arg3[%swap3A, %swap3A_31, %swap3A_32] : memref<1x1x128xf32, #tpu.memory_space<vmem>>, vector<1x1x128xf32>
    %swap3A_34 = vector.shape_cast %swap3A_33 : vector<1x1x128xf32> to vector<128xf32>
    %swap3A_35 = vector.shape_cast %reduce_sum3A_30 : vector<128xf32> to vector<1x1x128xf32>
    tpu.vector_store %arg3[%swap3A, %swap3A_31, %swap3A_32], %swap3A_35 {strides = array<i32>} : memref<1x1x128xf32, #tpu.memory_space<vmem>>, vector<1x1x128xf32>,
    %broadcast_in_dim3A_36 = vector.shape_cast %get3A_8 : vector<512xi32> to vector<1x512xi32>
    %jit3A_37 = arith.constant 0 : i32
    %broadcast_in_dim3A_38 = vector.shape_cast %broadcast_in_dim3A_36 : vector<1x512xi32> to vector<1x512xi32>
    %broadcast_in_dim3A_39 = vector.broadcast %broadcast_in_dim3A_38 : vector<1x512xi32> to vector<128x512xi32>
    %broadcast_in_dim3A_40 = vector.broadcast %jit3A_37 : i32 to vector<128x512xi32>
    %select_n3A_41 = arith.select %eq3A_24, %broadcast_in_dim3A_39, %broadcast_in_dim3A_40 : vector<128x512xi1>, vector<128x512xi32>
    %reduce_sum3A_42 = arith.constant dense<0> : vector<128xi32>
    %reduce_sum3A_43 = vector.multi_reduction <add>, %select_n3A_41, %reduce_sum3A_42 [1] : vector<128x512xi32> to vector<128xi32>
    %swap3A_44 = arith.constant 0 : index
    %swap3A_45 = arith.constant 0 : index
    %swap3A_46 = arith.constant 0 : index
    %swap3A_47 = vector.load %arg4[%swap3A_44, %swap3A_45, %swap3A_46] : memref<1x1x128xi32, #tpu.memory_space<vmem>>, vector<1x1x128xi32>
    %swap3A_48 = vector.shape_cast %swap3A_47 : vector<1x1x128xi32> to vector<128xi32>
    %swap3A_49 = vector.shape_cast %reduce_sum3A_43 : vector<128xi32> to vector<1x1x128xi32>
    tpu.vector_store %arg4[%swap3A_44, %swap3A_45, %swap3A_46], %swap3A_49 {strides = array<i32>} : memref<1x1x128xi32, #tpu.memory_space<vmem>>, vector<1x1x128xi32>,
    return
  }
  func.func @transform_0(%arg0: i32) -> (i32, i32, i32) {
    %c0_i32 = arith.constant 0 : i32
    %c0_i32_0 = arith.constant 0 : i32
    %c0_i32_1 = arith.constant 0 : i32
    return %arg0, %c0_i32, %c0_i32_0 : i32, i32, i32
  }
  func.func @transform_1(%arg0: i32) -> (i32, i32, i32) {
    %c0_i32 = arith.constant 0 : i32
    %c0_i32_0 = arith.constant 0 : i32
    %c0_i32_1 = arith.constant 0 : i32
    return %arg0, %c0_i32, %c0_i32_0 : i32, i32, i32
  }
  func.func @transform_2(%arg0: i32) -> (i32, i32, i32) {
    %c0_i32 = arith.constant 0 : i32
    %c0_i32_0 = arith.constant 0 : i32
    %c0_i32_1 = arith.constant 0 : i32
    return %arg0, %c0_i32, %c0_i32_0 : i32, i32, i32
  }
  func.func @transform_3(%arg0: i32) -> (i32, i32, i32) {
    %c0_i32 = arith.constant 0 : i32
    %c0_i32_0 = arith.constant 0 : i32
    %c0_i32_1 = arith.constant 0 : i32
    return %arg0, %c0_i32, %c0_i32_0 : i32, i32, i32
  }
}

module attributes {stable_mosaic.version = 14 : i64} {
  func.func @_iou_body(%arg0: i32, %arg1: memref<1x128x4xf32, #tpu.memory_space<vmem>>, %arg2: memref<1x256xf32, #tpu.memory_space<vmem>>, %arg3: memref<1x256xf32, #tpu.memory_space<vmem>>, %arg4: memref<1x128x128xf32, #tpu.memory_space<vmem>>, %arg5: memref<1x1x64xi32, #tpu.memory_space<vmem>>) attributes {dimension_semantics = [#tpu.dimension_semantics<arbitrary>], iteration_bounds = array<i64: 4>, scalar_prefetch = 0 : i64, scratch_operands = 0 : i64, tpu.core_type = #tpu.core_type<tc>, window_params = [{transform_indices = @transform_0, window_bounds = array<i64: 1, 128, 4>}, {pipeline_mode = #tpu.pipeline_mode<synchronous>, transform_indices = @transform_1, window_bounds = array<i64: 1, 256>}, {pipeline_mode = #tpu.pipeline_mode<synchronous>, transform_indices = @transform_2, window_bounds = array<i64: 1, 256>}, {transform_indices = @transform_3, window_bounds = array<i64: 1, 128, 128>}, {transform_indices = @transform_4, window_bounds = array<i64: 1, 1, 64>}]} {
    %get3A = arith.constant 0 : index
    %get3A_0 = arith.constant 0 : index
    %get3A_1 = arith.constant 0 : index
    %get3A_2 = vector.load %arg1[%get3A, %get3A_0, %get3A_1] : memref<1x128x4xf32, #tpu.memory_space<vmem>>, vector<1x128x4xf32>
    %get3A_3 = vector.shape_cast %get3A_2 : vector<1x128x4xf32> to vector<128x4xf32>
    %slice3A = vector.extract_strided_slice %get3A_3 {offsets = [0, 0], sizes = [128, 1], strides = [1, 1]} : vector<128x4xf32> to vector<128x1xf32>
    %slice3A_4 = vector.extract_strided_slice %get3A_3 {offsets = [0, 1], sizes = [128, 1], strides = [1, 1]} : vector<128x4xf32> to vector<128x1xf32>
    %slice3A_5 = vector.extract_strided_slice %get3A_3 {offsets = [0, 2], sizes = [128, 1], strides = [1, 1]} : vector<128x4xf32> to vector<128x1xf32>
    %abs3A = math.absf %slice3A_5 : vector<128x1xf32>
    %add3A = arith.constant 9.99999974E-5 : f32
    %add3A_6 = vector.broadcast %add3A : f32 to vector<128x1xf32>
    %add3A_7 = arith.addf %abs3A, %add3A_6 : vector<128x1xf32>
    %slice3A_8 = vector.extract_strided_slice %get3A_3 {offsets = [0, 3], sizes = [128, 1], strides = [1, 1]} : vector<128x4xf32> to vector<128x1xf32>
    %abs3A_9 = math.absf %slice3A_8 : vector<128x1xf32>
    %add3A_10 = arith.constant 9.99999974E-5 : f32
    %add3A_11 = vector.broadcast %add3A_10 : f32 to vector<128x1xf32>
    %add3A_12 = arith.addf %abs3A_9, %add3A_11 : vector<128x1xf32>
    %get3A_13 = arith.constant 0 : index
    %get3A_14 = arith.constant 0 : index
    %get3A_15 = vector.load %arg2[%get3A_13, %get3A_14] : memref<1x256xf32, #tpu.memory_space<vmem>>, vector<1x256xf32>
    %get3A_16 = arith.constant 0 : index
    %get3A_17 = arith.constant 0 : index
    %get3A_18 = vector.load %arg3[%get3A_16, %get3A_17] : memref<1x256xf32, #tpu.memory_space<vmem>>, vector<1x256xf32>
    %sub3A = vector.broadcast %get3A_15 : vector<1x256xf32> to vector<128x256xf32>
    %sub3A_19 = vector.broadcast %slice3A : vector<128x1xf32> to vector<128x256xf32>
    %sub3A_20 = arith.subf %sub3A, %sub3A_19 : vector<128x256xf32>
    %div3A = vector.broadcast %add3A_7 : vector<128x1xf32> to vector<128x256xf32>
    %div3A_21 = arith.divf %sub3A_20, %div3A : vector<128x256xf32>
    %integer_pow3A = arith.mulf %div3A_21, %div3A_21 : vector<128x256xf32>
    %sub3A_22 = vector.broadcast %get3A_18 : vector<1x256xf32> to vector<128x256xf32>
    %sub3A_23 = vector.broadcast %slice3A_4 : vector<128x1xf32> to vector<128x256xf32>
    %sub3A_24 = arith.subf %sub3A_22, %sub3A_23 : vector<128x256xf32>
    %div3A_25 = vector.broadcast %add3A_12 : vector<128x1xf32> to vector<128x256xf32>
    %div3A_26 = arith.divf %sub3A_24, %div3A_25 : vector<128x256xf32>
    %integer_pow3A_27 = arith.mulf %div3A_26, %div3A_26 : vector<128x256xf32>
    %add3A_28 = arith.addf %integer_pow3A, %integer_pow3A_27 : vector<128x256xf32>
    %mul3A = arith.constant -5.000000e-01 : f32
    %mul3A_29 = vector.broadcast %mul3A : f32 to vector<128x256xf32>
    %mul3A_30 = arith.mulf %mul3A_29, %add3A_28 : vector<128x256xf32>
    %exp3A = math.exp %mul3A_30 : vector<128x256xf32>
    %slice3A_31 = vector.extract_strided_slice %exp3A {offsets = [0, 0], sizes = [8, 256], strides = [1, 1]} : vector<128x256xf32> to vector<8x256xf32>
    %broadcast_in_dim3A = vector.shape_cast %slice3A_31 : vector<8x256xf32> to vector<8x1x256xf32>
    %broadcast_in_dim3A_32 = vector.shape_cast %exp3A : vector<128x256xf32> to vector<1x128x256xf32>
    %min3A = vector.broadcast %broadcast_in_dim3A : vector<8x1x256xf32> to vector<8x128x256xf32>
    %min3A_33 = vector.broadcast %broadcast_in_dim3A_32 : vector<1x128x256xf32> to vector<8x128x256xf32>
    %min3A_34 = arith.minimumf %min3A, %min3A_33 : vector<8x128x256xf32>
    %reduce_sum3A = arith.constant dense<0.000000e+00> : vector<8x128xf32>
    %reduce_sum3A_35 = vector.multi_reduction <add>, %min3A_34, %reduce_sum3A [2] : vector<8x128x256xf32> to vector<8x128xf32>
    %broadcast_in_dim3A_36 = vector.shape_cast %exp3A : vector<128x256xf32> to vector<1x128x256xf32>
    %max3A = vector.broadcast %broadcast_in_dim3A : vector<8x1x256xf32> to vector<8x128x256xf32>
    %max3A_37 = vector.broadcast %broadcast_in_dim3A_36 : vector<1x128x256xf32> to vector<8x128x256xf32>
    %max3A_38 = arith.maximumf %max3A, %max3A_37 : vector<8x128x256xf32>
    %reduce_sum3A_39 = arith.constant dense<0.000000e+00> : vector<8x128xf32>
    %reduce_sum3A_40 = vector.multi_reduction <add>, %max3A_38, %reduce_sum3A_39 [2] : vector<8x128x256xf32> to vector<8x128xf32>
    %add3A_41 = arith.constant 9.99999971E-10 : f32
    %add3A_42 = vector.broadcast %add3A_41 : f32 to vector<8x128xf32>
    %add3A_43 = arith.addf %reduce_sum3A_40, %add3A_42 : vector<8x128xf32>
    %div3A_44 = arith.divf %reduce_sum3A_35, %add3A_43 : vector<8x128xf32>
    %slice3A_45 = vector.extract_strided_slice %exp3A {offsets = [8, 0], sizes = [8, 256], strides = [1, 1]} : vector<128x256xf32> to vector<8x256xf32>
    %broadcast_in_dim3A_46 = vector.shape_cast %slice3A_45 : vector<8x256xf32> to vector<8x1x256xf32>
    %broadcast_in_dim3A_47 = vector.shape_cast %exp3A : vector<128x256xf32> to vector<1x128x256xf32>
    %min3A_48 = vector.broadcast %broadcast_in_dim3A_46 : vector<8x1x256xf32> to vector<8x128x256xf32>
    %min3A_49 = vector.broadcast %broadcast_in_dim3A_47 : vector<1x128x256xf32> to vector<8x128x256xf32>
    %min3A_50 = arith.minimumf %min3A_48, %min3A_49 : vector<8x128x256xf32>
    %reduce_sum3A_51 = arith.constant dense<0.000000e+00> : vector<8x128xf32>
    %reduce_sum3A_52 = vector.multi_reduction <add>, %min3A_50, %reduce_sum3A_51 [2] : vector<8x128x256xf32> to vector<8x128xf32>
    %broadcast_in_dim3A_53 = vector.shape_cast %exp3A : vector<128x256xf32> to vector<1x128x256xf32>
    %max3A_54 = vector.broadcast %broadcast_in_dim3A_46 : vector<8x1x256xf32> to vector<8x128x256xf32>
    %max3A_55 = vector.broadcast %broadcast_in_dim3A_53 : vector<1x128x256xf32> to vector<8x128x256xf32>
    %max3A_56 = arith.maximumf %max3A_54, %max3A_55 : vector<8x128x256xf32>
    %reduce_sum3A_57 = arith.constant dense<0.000000e+00> : vector<8x128xf32>
    %reduce_sum3A_58 = vector.multi_reduction <add>, %max3A_56, %reduce_sum3A_57 [2] : vector<8x128x256xf32> to vector<8x128xf32>
    %add3A_59 = arith.constant 9.99999971E-10 : f32
    %add3A_60 = vector.broadcast %add3A_59 : f32 to vector<8x128xf32>
    %add3A_61 = arith.addf %reduce_sum3A_58, %add3A_60 : vector<8x128xf32>
    %div3A_62 = arith.divf %reduce_sum3A_52, %add3A_61 : vector<8x128xf32>
    %slice3A_63 = vector.extract_strided_slice %exp3A {offsets = [16, 0], sizes = [8, 256], strides = [1, 1]} : vector<128x256xf32> to vector<8x256xf32>
    %broadcast_in_dim3A_64 = vector.shape_cast %slice3A_63 : vector<8x256xf32> to vector<8x1x256xf32>
    %broadcast_in_dim3A_65 = vector.shape_cast %exp3A : vector<128x256xf32> to vector<1x128x256xf32>
    %min3A_66 = vector.broadcast %broadcast_in_dim3A_64 : vector<8x1x256xf32> to vector<8x128x256xf32>
    %min3A_67 = vector.broadcast %broadcast_in_dim3A_65 : vector<1x128x256xf32> to vector<8x128x256xf32>
    %min3A_68 = arith.minimumf %min3A_66, %min3A_67 : vector<8x128x256xf32>
    %reduce_sum3A_69 = arith.constant dense<0.000000e+00> : vector<8x128xf32>
    %reduce_sum3A_70 = vector.multi_reduction <add>, %min3A_68, %reduce_sum3A_69 [2] : vector<8x128x256xf32> to vector<8x128xf32>
    %broadcast_in_dim3A_71 = vector.shape_cast %exp3A : vector<128x256xf32> to vector<1x128x256xf32>
    %max3A_72 = vector.broadcast %broadcast_in_dim3A_64 : vector<8x1x256xf32> to vector<8x128x256xf32>
    %max3A_73 = vector.broadcast %broadcast_in_dim3A_71 : vector<1x128x256xf32> to vector<8x128x256xf32>
    %max3A_74 = arith.maximumf %max3A_72, %max3A_73 : vector<8x128x256xf32>
    %reduce_sum3A_75 = arith.constant dense<0.000000e+00> : vector<8x128xf32>
    %reduce_sum3A_76 = vector.multi_reduction <add>, %max3A_74, %reduce_sum3A_75 [2] : vector<8x128x256xf32> to vector<8x128xf32>
    %add3A_77 = arith.constant 9.99999971E-10 : f32
    %add3A_78 = vector.broadcast %add3A_77 : f32 to vector<8x128xf32>
    %add3A_79 = arith.addf %reduce_sum3A_76, %add3A_78 : vector<8x128xf32>
    %div3A_80 = arith.divf %reduce_sum3A_70, %add3A_79 : vector<8x128xf32>
    %slice3A_81 = vector.extract_strided_slice %exp3A {offsets = [24, 0], sizes = [8, 256], strides = [1, 1]} : vector<128x256xf32> to vector<8x256xf32>
    %broadcast_in_dim3A_82 = vector.shape_cast %slice3A_81 : vector<8x256xf32> to vector<8x1x256xf32>
    %broadcast_in_dim3A_83 = vector.shape_cast %exp3A : vector<128x256xf32> to vector<1x128x256xf32>
    %min3A_84 = vector.broadcast %broadcast_in_dim3A_82 : vector<8x1x256xf32> to vector<8x128x256xf32>
    %min3A_85 = vector.broadcast %broadcast_in_dim3A_83 : vector<1x128x256xf32> to vector<8x128x256xf32>
    %min3A_86 = arith.minimumf %min3A_84, %min3A_85 : vector<8x128x256xf32>
    %reduce_sum3A_87 = arith.constant dense<0.000000e+00> : vector<8x128xf32>
    %reduce_sum3A_88 = vector.multi_reduction <add>, %min3A_86, %reduce_sum3A_87 [2] : vector<8x128x256xf32> to vector<8x128xf32>
    %broadcast_in_dim3A_89 = vector.shape_cast %exp3A : vector<128x256xf32> to vector<1x128x256xf32>
    %max3A_90 = vector.broadcast %broadcast_in_dim3A_82 : vector<8x1x256xf32> to vector<8x128x256xf32>
    %max3A_91 = vector.broadcast %broadcast_in_dim3A_89 : vector<1x128x256xf32> to vector<8x128x256xf32>
    %max3A_92 = arith.maximumf %max3A_90, %max3A_91 : vector<8x128x256xf32>
    %reduce_sum3A_93 = arith.constant dense<0.000000e+00> : vector<8x128xf32>
    %reduce_sum3A_94 = vector.multi_reduction <add>, %max3A_92, %reduce_sum3A_93 [2] : vector<8x128x256xf32> to vector<8x128xf32>
    %add3A_95 = arith.constant 9.99999971E-10 : f32
    %add3A_96 = vector.broadcast %add3A_95 : f32 to vector<8x128xf32>
    %add3A_97 = arith.addf %reduce_sum3A_94, %add3A_96 : vector<8x128xf32>
    %div3A_98 = arith.divf %reduce_sum3A_88, %add3A_97 : vector<8x128xf32>
    %slice3A_99 = vector.extract_strided_slice %exp3A {offsets = [32, 0], sizes = [8, 256], strides = [1, 1]} : vector<128x256xf32> to vector<8x256xf32>
    %broadcast_in_dim3A_100 = vector.shape_cast %slice3A_99 : vector<8x256xf32> to vector<8x1x256xf32>
    %broadcast_in_dim3A_101 = vector.shape_cast %exp3A : vector<128x256xf32> to vector<1x128x256xf32>
    %min3A_102 = vector.broadcast %broadcast_in_dim3A_100 : vector<8x1x256xf32> to vector<8x128x256xf32>
    %min3A_103 = vector.broadcast %broadcast_in_dim3A_101 : vector<1x128x256xf32> to vector<8x128x256xf32>
    %min3A_104 = arith.minimumf %min3A_102, %min3A_103 : vector<8x128x256xf32>
    %reduce_sum3A_105 = arith.constant dense<0.000000e+00> : vector<8x128xf32>
    %reduce_sum3A_106 = vector.multi_reduction <add>, %min3A_104, %reduce_sum3A_105 [2] : vector<8x128x256xf32> to vector<8x128xf32>
    %broadcast_in_dim3A_107 = vector.shape_cast %exp3A : vector<128x256xf32> to vector<1x128x256xf32>
    %max3A_108 = vector.broadcast %broadcast_in_dim3A_100 : vector<8x1x256xf32> to vector<8x128x256xf32>
    %max3A_109 = vector.broadcast %broadcast_in_dim3A_107 : vector<1x128x256xf32> to vector<8x128x256xf32>
    %max3A_110 = arith.maximumf %max3A_108, %max3A_109 : vector<8x128x256xf32>
    %reduce_sum3A_111 = arith.constant dense<0.000000e+00> : vector<8x128xf32>
    %reduce_sum3A_112 = vector.multi_reduction <add>, %max3A_110, %reduce_sum3A_111 [2] : vector<8x128x256xf32> to vector<8x128xf32>
    %add3A_113 = arith.constant 9.99999971E-10 : f32
    %add3A_114 = vector.broadcast %add3A_113 : f32 to vector<8x128xf32>
    %add3A_115 = arith.addf %reduce_sum3A_112, %add3A_114 : vector<8x128xf32>
    %div3A_116 = arith.divf %reduce_sum3A_106, %add3A_115 : vector<8x128xf32>
    %slice3A_117 = vector.extract_strided_slice %exp3A {offsets = [40, 0], sizes = [8, 256], strides = [1, 1]} : vector<128x256xf32> to vector<8x256xf32>
    %broadcast_in_dim3A_118 = vector.shape_cast %slice3A_117 : vector<8x256xf32> to vector<8x1x256xf32>
    %broadcast_in_dim3A_119 = vector.shape_cast %exp3A : vector<128x256xf32> to vector<1x128x256xf32>
    %min3A_120 = vector.broadcast %broadcast_in_dim3A_118 : vector<8x1x256xf32> to vector<8x128x256xf32>
    %min3A_121 = vector.broadcast %broadcast_in_dim3A_119 : vector<1x128x256xf32> to vector<8x128x256xf32>
    %min3A_122 = arith.minimumf %min3A_120, %min3A_121 : vector<8x128x256xf32>
    %reduce_sum3A_123 = arith.constant dense<0.000000e+00> : vector<8x128xf32>
    %reduce_sum3A_124 = vector.multi_reduction <add>, %min3A_122, %reduce_sum3A_123 [2] : vector<8x128x256xf32> to vector<8x128xf32>
    %broadcast_in_dim3A_125 = vector.shape_cast %exp3A : vector<128x256xf32> to vector<1x128x256xf32>
    %max3A_126 = vector.broadcast %broadcast_in_dim3A_118 : vector<8x1x256xf32> to vector<8x128x256xf32>
    %max3A_127 = vector.broadcast %broadcast_in_dim3A_125 : vector<1x128x256xf32> to vector<8x128x256xf32>
    %max3A_128 = arith.maximumf %max3A_126, %max3A_127 : vector<8x128x256xf32>
    %reduce_sum3A_129 = arith.constant dense<0.000000e+00> : vector<8x128xf32>
    %reduce_sum3A_130 = vector.multi_reduction <add>, %max3A_128, %reduce_sum3A_129 [2] : vector<8x128x256xf32> to vector<8x128xf32>
    %add3A_131 = arith.constant 9.99999971E-10 : f32
    %add3A_132 = vector.broadcast %add3A_131 : f32 to vector<8x128xf32>
    %add3A_133 = arith.addf %reduce_sum3A_130, %add3A_132 : vector<8x128xf32>
    %div3A_134 = arith.divf %reduce_sum3A_124, %add3A_133 : vector<8x128xf32>
    %slice3A_135 = vector.extract_strided_slice %exp3A {offsets = [48, 0], sizes = [8, 256], strides = [1, 1]} : vector<128x256xf32> to vector<8x256xf32>
    %broadcast_in_dim3A_136 = vector.shape_cast %slice3A_135 : vector<8x256xf32> to vector<8x1x256xf32>
    %broadcast_in_dim3A_137 = vector.shape_cast %exp3A : vector<128x256xf32> to vector<1x128x256xf32>
    %min3A_138 = vector.broadcast %broadcast_in_dim3A_136 : vector<8x1x256xf32> to vector<8x128x256xf32>
    %min3A_139 = vector.broadcast %broadcast_in_dim3A_137 : vector<1x128x256xf32> to vector<8x128x256xf32>
    %min3A_140 = arith.minimumf %min3A_138, %min3A_139 : vector<8x128x256xf32>
    %reduce_sum3A_141 = arith.constant dense<0.000000e+00> : vector<8x128xf32>
    %reduce_sum3A_142 = vector.multi_reduction <add>, %min3A_140, %reduce_sum3A_141 [2] : vector<8x128x256xf32> to vector<8x128xf32>
    %broadcast_in_dim3A_143 = vector.shape_cast %exp3A : vector<128x256xf32> to vector<1x128x256xf32>
    %max3A_144 = vector.broadcast %broadcast_in_dim3A_136 : vector<8x1x256xf32> to vector<8x128x256xf32>
    %max3A_145 = vector.broadcast %broadcast_in_dim3A_143 : vector<1x128x256xf32> to vector<8x128x256xf32>
    %max3A_146 = arith.maximumf %max3A_144, %max3A_145 : vector<8x128x256xf32>
    %reduce_sum3A_147 = arith.constant dense<0.000000e+00> : vector<8x128xf32>
    %reduce_sum3A_148 = vector.multi_reduction <add>, %max3A_146, %reduce_sum3A_147 [2] : vector<8x128x256xf32> to vector<8x128xf32>
    %add3A_149 = arith.constant 9.99999971E-10 : f32
    %add3A_150 = vector.broadcast %add3A_149 : f32 to vector<8x128xf32>
    %add3A_151 = arith.addf %reduce_sum3A_148, %add3A_150 : vector<8x128xf32>
    %div3A_152 = arith.divf %reduce_sum3A_142, %add3A_151 : vector<8x128xf32>
    %slice3A_153 = vector.extract_strided_slice %exp3A {offsets = [56, 0], sizes = [8, 256], strides = [1, 1]} : vector<128x256xf32> to vector<8x256xf32>
    %broadcast_in_dim3A_154 = vector.shape_cast %slice3A_153 : vector<8x256xf32> to vector<8x1x256xf32>
    %broadcast_in_dim3A_155 = vector.shape_cast %exp3A : vector<128x256xf32> to vector<1x128x256xf32>
    %min3A_156 = vector.broadcast %broadcast_in_dim3A_154 : vector<8x1x256xf32> to vector<8x128x256xf32>
    %min3A_157 = vector.broadcast %broadcast_in_dim3A_155 : vector<1x128x256xf32> to vector<8x128x256xf32>
    %min3A_158 = arith.minimumf %min3A_156, %min3A_157 : vector<8x128x256xf32>
    %reduce_sum3A_159 = arith.constant dense<0.000000e+00> : vector<8x128xf32>
    %reduce_sum3A_160 = vector.multi_reduction <add>, %min3A_158, %reduce_sum3A_159 [2] : vector<8x128x256xf32> to vector<8x128xf32>
    %broadcast_in_dim3A_161 = vector.shape_cast %exp3A : vector<128x256xf32> to vector<1x128x256xf32>
    %max3A_162 = vector.broadcast %broadcast_in_dim3A_154 : vector<8x1x256xf32> to vector<8x128x256xf32>
    %max3A_163 = vector.broadcast %broadcast_in_dim3A_161 : vector<1x128x256xf32> to vector<8x128x256xf32>
    %max3A_164 = arith.maximumf %max3A_162, %max3A_163 : vector<8x128x256xf32>
    %reduce_sum3A_165 = arith.constant dense<0.000000e+00> : vector<8x128xf32>
    %reduce_sum3A_166 = vector.multi_reduction <add>, %max3A_164, %reduce_sum3A_165 [2] : vector<8x128x256xf32> to vector<8x128xf32>
    %add3A_167 = arith.constant 9.99999971E-10 : f32
    %add3A_168 = vector.broadcast %add3A_167 : f32 to vector<8x128xf32>
    %add3A_169 = arith.addf %reduce_sum3A_166, %add3A_168 : vector<8x128xf32>
    %div3A_170 = arith.divf %reduce_sum3A_160, %add3A_169 : vector<8x128xf32>
    %slice3A_171 = vector.extract_strided_slice %exp3A {offsets = [64, 0], sizes = [8, 256], strides = [1, 1]} : vector<128x256xf32> to vector<8x256xf32>
    %broadcast_in_dim3A_172 = vector.shape_cast %slice3A_171 : vector<8x256xf32> to vector<8x1x256xf32>
    %broadcast_in_dim3A_173 = vector.shape_cast %exp3A : vector<128x256xf32> to vector<1x128x256xf32>
    %min3A_174 = vector.broadcast %broadcast_in_dim3A_172 : vector<8x1x256xf32> to vector<8x128x256xf32>
    %min3A_175 = vector.broadcast %broadcast_in_dim3A_173 : vector<1x128x256xf32> to vector<8x128x256xf32>
    %min3A_176 = arith.minimumf %min3A_174, %min3A_175 : vector<8x128x256xf32>
    %reduce_sum3A_177 = arith.constant dense<0.000000e+00> : vector<8x128xf32>
    %reduce_sum3A_178 = vector.multi_reduction <add>, %min3A_176, %reduce_sum3A_177 [2] : vector<8x128x256xf32> to vector<8x128xf32>
    %broadcast_in_dim3A_179 = vector.shape_cast %exp3A : vector<128x256xf32> to vector<1x128x256xf32>
    %max3A_180 = vector.broadcast %broadcast_in_dim3A_172 : vector<8x1x256xf32> to vector<8x128x256xf32>
    %max3A_181 = vector.broadcast %broadcast_in_dim3A_179 : vector<1x128x256xf32> to vector<8x128x256xf32>
    %max3A_182 = arith.maximumf %max3A_180, %max3A_181 : vector<8x128x256xf32>
    %reduce_sum3A_183 = arith.constant dense<0.000000e+00> : vector<8x128xf32>
    %reduce_sum3A_184 = vector.multi_reduction <add>, %max3A_182, %reduce_sum3A_183 [2] : vector<8x128x256xf32> to vector<8x128xf32>
    %add3A_185 = arith.constant 9.99999971E-10 : f32
    %add3A_186 = vector.broadcast %add3A_185 : f32 to vector<8x128xf32>
    %add3A_187 = arith.addf %reduce_sum3A_184, %add3A_186 : vector<8x128xf32>
    %div3A_188 = arith.divf %reduce_sum3A_178, %add3A_187 : vector<8x128xf32>
    %slice3A_189 = vector.extract_strided_slice %exp3A {offsets = [72, 0], sizes = [8, 256], strides = [1, 1]} : vector<128x256xf32> to vector<8x256xf32>
    %broadcast_in_dim3A_190 = vector.shape_cast %slice3A_189 : vector<8x256xf32> to vector<8x1x256xf32>
    %broadcast_in_dim3A_191 = vector.shape_cast %exp3A : vector<128x256xf32> to vector<1x128x256xf32>
    %min3A_192 = vector.broadcast %broadcast_in_dim3A_190 : vector<8x1x256xf32> to vector<8x128x256xf32>
    %min3A_193 = vector.broadcast %broadcast_in_dim3A_191 : vector<1x128x256xf32> to vector<8x128x256xf32>
    %min3A_194 = arith.minimumf %min3A_192, %min3A_193 : vector<8x128x256xf32>
    %reduce_sum3A_195 = arith.constant dense<0.000000e+00> : vector<8x128xf32>
    %reduce_sum3A_196 = vector.multi_reduction <add>, %min3A_194, %reduce_sum3A_195 [2] : vector<8x128x256xf32> to vector<8x128xf32>
    %broadcast_in_dim3A_197 = vector.shape_cast %exp3A : vector<128x256xf32> to vector<1x128x256xf32>
    %max3A_198 = vector.broadcast %broadcast_in_dim3A_190 : vector<8x1x256xf32> to vector<8x128x256xf32>
    %max3A_199 = vector.broadcast %broadcast_in_dim3A_197 : vector<1x128x256xf32> to vector<8x128x256xf32>
    %max3A_200 = arith.maximumf %max3A_198, %max3A_199 : vector<8x128x256xf32>
    %reduce_sum3A_201 = arith.constant dense<0.000000e+00> : vector<8x128xf32>
    %reduce_sum3A_202 = vector.multi_reduction <add>, %max3A_200, %reduce_sum3A_201 [2] : vector<8x128x256xf32> to vector<8x128xf32>
    %add3A_203 = arith.constant 9.99999971E-10 : f32
    %add3A_204 = vector.broadcast %add3A_203 : f32 to vector<8x128xf32>
    %add3A_205 = arith.addf %reduce_sum3A_202, %add3A_204 : vector<8x128xf32>
    %div3A_206 = arith.divf %reduce_sum3A_196, %add3A_205 : vector<8x128xf32>
    %slice3A_207 = vector.extract_strided_slice %exp3A {offsets = [80, 0], sizes = [8, 256], strides = [1, 1]} : vector<128x256xf32> to vector<8x256xf32>
    %broadcast_in_dim3A_208 = vector.shape_cast %slice3A_207 : vector<8x256xf32> to vector<8x1x256xf32>
    %broadcast_in_dim3A_209 = vector.shape_cast %exp3A : vector<128x256xf32> to vector<1x128x256xf32>
    %min3A_210 = vector.broadcast %broadcast_in_dim3A_208 : vector<8x1x256xf32> to vector<8x128x256xf32>
    %min3A_211 = vector.broadcast %broadcast_in_dim3A_209 : vector<1x128x256xf32> to vector<8x128x256xf32>
    %min3A_212 = arith.minimumf %min3A_210, %min3A_211 : vector<8x128x256xf32>
    %reduce_sum3A_213 = arith.constant dense<0.000000e+00> : vector<8x128xf32>
    %reduce_sum3A_214 = vector.multi_reduction <add>, %min3A_212, %reduce_sum3A_213 [2] : vector<8x128x256xf32> to vector<8x128xf32>
    %broadcast_in_dim3A_215 = vector.shape_cast %exp3A : vector<128x256xf32> to vector<1x128x256xf32>
    %max3A_216 = vector.broadcast %broadcast_in_dim3A_208 : vector<8x1x256xf32> to vector<8x128x256xf32>
    %max3A_217 = vector.broadcast %broadcast_in_dim3A_215 : vector<1x128x256xf32> to vector<8x128x256xf32>
    %max3A_218 = arith.maximumf %max3A_216, %max3A_217 : vector<8x128x256xf32>
    %reduce_sum3A_219 = arith.constant dense<0.000000e+00> : vector<8x128xf32>
    %reduce_sum3A_220 = vector.multi_reduction <add>, %max3A_218, %reduce_sum3A_219 [2] : vector<8x128x256xf32> to vector<8x128xf32>
    %add3A_221 = arith.constant 9.99999971E-10 : f32
    %add3A_222 = vector.broadcast %add3A_221 : f32 to vector<8x128xf32>
    %add3A_223 = arith.addf %reduce_sum3A_220, %add3A_222 : vector<8x128xf32>
    %div3A_224 = arith.divf %reduce_sum3A_214, %add3A_223 : vector<8x128xf32>
    %slice3A_225 = vector.extract_strided_slice %exp3A {offsets = [88, 0], sizes = [8, 256], strides = [1, 1]} : vector<128x256xf32> to vector<8x256xf32>
    %broadcast_in_dim3A_226 = vector.shape_cast %slice3A_225 : vector<8x256xf32> to vector<8x1x256xf32>
    %broadcast_in_dim3A_227 = vector.shape_cast %exp3A : vector<128x256xf32> to vector<1x128x256xf32>
    %min3A_228 = vector.broadcast %broadcast_in_dim3A_226 : vector<8x1x256xf32> to vector<8x128x256xf32>
    %min3A_229 = vector.broadcast %broadcast_in_dim3A_227 : vector<1x128x256xf32> to vector<8x128x256xf32>
    %min3A_230 = arith.minimumf %min3A_228, %min3A_229 : vector<8x128x256xf32>
    %reduce_sum3A_231 = arith.constant dense<0.000000e+00> : vector<8x128xf32>
    %reduce_sum3A_232 = vector.multi_reduction <add>, %min3A_230, %reduce_sum3A_231 [2] : vector<8x128x256xf32> to vector<8x128xf32>
    %broadcast_in_dim3A_233 = vector.shape_cast %exp3A : vector<128x256xf32> to vector<1x128x256xf32>
    %max3A_234 = vector.broadcast %broadcast_in_dim3A_226 : vector<8x1x256xf32> to vector<8x128x256xf32>
    %max3A_235 = vector.broadcast %broadcast_in_dim3A_233 : vector<1x128x256xf32> to vector<8x128x256xf32>
    %max3A_236 = arith.maximumf %max3A_234, %max3A_235 : vector<8x128x256xf32>
    %reduce_sum3A_237 = arith.constant dense<0.000000e+00> : vector<8x128xf32>
    %reduce_sum3A_238 = vector.multi_reduction <add>, %max3A_236, %reduce_sum3A_237 [2] : vector<8x128x256xf32> to vector<8x128xf32>
    %add3A_239 = arith.constant 9.99999971E-10 : f32
    %add3A_240 = vector.broadcast %add3A_239 : f32 to vector<8x128xf32>
    %add3A_241 = arith.addf %reduce_sum3A_238, %add3A_240 : vector<8x128xf32>
    %div3A_242 = arith.divf %reduce_sum3A_232, %add3A_241 : vector<8x128xf32>
    %slice3A_243 = vector.extract_strided_slice %exp3A {offsets = [96, 0], sizes = [8, 256], strides = [1, 1]} : vector<128x256xf32> to vector<8x256xf32>
    %broadcast_in_dim3A_244 = vector.shape_cast %slice3A_243 : vector<8x256xf32> to vector<8x1x256xf32>
    %broadcast_in_dim3A_245 = vector.shape_cast %exp3A : vector<128x256xf32> to vector<1x128x256xf32>
    %min3A_246 = vector.broadcast %broadcast_in_dim3A_244 : vector<8x1x256xf32> to vector<8x128x256xf32>
    %min3A_247 = vector.broadcast %broadcast_in_dim3A_245 : vector<1x128x256xf32> to vector<8x128x256xf32>
    %min3A_248 = arith.minimumf %min3A_246, %min3A_247 : vector<8x128x256xf32>
    %reduce_sum3A_249 = arith.constant dense<0.000000e+00> : vector<8x128xf32>
    %reduce_sum3A_250 = vector.multi_reduction <add>, %min3A_248, %reduce_sum3A_249 [2] : vector<8x128x256xf32> to vector<8x128xf32>
    %broadcast_in_dim3A_251 = vector.shape_cast %exp3A : vector<128x256xf32> to vector<1x128x256xf32>
    %max3A_252 = vector.broadcast %broadcast_in_dim3A_244 : vector<8x1x256xf32> to vector<8x128x256xf32>
    %max3A_253 = vector.broadcast %broadcast_in_dim3A_251 : vector<1x128x256xf32> to vector<8x128x256xf32>
    %max3A_254 = arith.maximumf %max3A_252, %max3A_253 : vector<8x128x256xf32>
    %reduce_sum3A_255 = arith.constant dense<0.000000e+00> : vector<8x128xf32>
    %reduce_sum3A_256 = vector.multi_reduction <add>, %max3A_254, %reduce_sum3A_255 [2] : vector<8x128x256xf32> to vector<8x128xf32>
    %add3A_257 = arith.constant 9.99999971E-10 : f32
    %add3A_258 = vector.broadcast %add3A_257 : f32 to vector<8x128xf32>
    %add3A_259 = arith.addf %reduce_sum3A_256, %add3A_258 : vector<8x128xf32>
    %div3A_260 = arith.divf %reduce_sum3A_250, %add3A_259 : vector<8x128xf32>
    %slice3A_261 = vector.extract_strided_slice %exp3A {offsets = [104, 0], sizes = [8, 256], strides = [1, 1]} : vector<128x256xf32> to vector<8x256xf32>
    %broadcast_in_dim3A_262 = vector.shape_cast %slice3A_261 : vector<8x256xf32> to vector<8x1x256xf32>
    %broadcast_in_dim3A_263 = vector.shape_cast %exp3A : vector<128x256xf32> to vector<1x128x256xf32>
    %min3A_264 = vector.broadcast %broadcast_in_dim3A_262 : vector<8x1x256xf32> to vector<8x128x256xf32>
    %min3A_265 = vector.broadcast %broadcast_in_dim3A_263 : vector<1x128x256xf32> to vector<8x128x256xf32>
    %min3A_266 = arith.minimumf %min3A_264, %min3A_265 : vector<8x128x256xf32>
    %reduce_sum3A_267 = arith.constant dense<0.000000e+00> : vector<8x128xf32>
    %reduce_sum3A_268 = vector.multi_reduction <add>, %min3A_266, %reduce_sum3A_267 [2] : vector<8x128x256xf32> to vector<8x128xf32>
    %broadcast_in_dim3A_269 = vector.shape_cast %exp3A : vector<128x256xf32> to vector<1x128x256xf32>
    %max3A_270 = vector.broadcast %broadcast_in_dim3A_262 : vector<8x1x256xf32> to vector<8x128x256xf32>
    %max3A_271 = vector.broadcast %broadcast_in_dim3A_269 : vector<1x128x256xf32> to vector<8x128x256xf32>
    %max3A_272 = arith.maximumf %max3A_270, %max3A_271 : vector<8x128x256xf32>
    %reduce_sum3A_273 = arith.constant dense<0.000000e+00> : vector<8x128xf32>
    %reduce_sum3A_274 = vector.multi_reduction <add>, %max3A_272, %reduce_sum3A_273 [2] : vector<8x128x256xf32> to vector<8x128xf32>
    %add3A_275 = arith.constant 9.99999971E-10 : f32
    %add3A_276 = vector.broadcast %add3A_275 : f32 to vector<8x128xf32>
    %add3A_277 = arith.addf %reduce_sum3A_274, %add3A_276 : vector<8x128xf32>
    %div3A_278 = arith.divf %reduce_sum3A_268, %add3A_277 : vector<8x128xf32>
    %slice3A_279 = vector.extract_strided_slice %exp3A {offsets = [112, 0], sizes = [8, 256], strides = [1, 1]} : vector<128x256xf32> to vector<8x256xf32>
    %broadcast_in_dim3A_280 = vector.shape_cast %slice3A_279 : vector<8x256xf32> to vector<8x1x256xf32>
    %broadcast_in_dim3A_281 = vector.shape_cast %exp3A : vector<128x256xf32> to vector<1x128x256xf32>
    %min3A_282 = vector.broadcast %broadcast_in_dim3A_280 : vector<8x1x256xf32> to vector<8x128x256xf32>
    %min3A_283 = vector.broadcast %broadcast_in_dim3A_281 : vector<1x128x256xf32> to vector<8x128x256xf32>
    %min3A_284 = arith.minimumf %min3A_282, %min3A_283 : vector<8x128x256xf32>
    %reduce_sum3A_285 = arith.constant dense<0.000000e+00> : vector<8x128xf32>
    %reduce_sum3A_286 = vector.multi_reduction <add>, %min3A_284, %reduce_sum3A_285 [2] : vector<8x128x256xf32> to vector<8x128xf32>
    %broadcast_in_dim3A_287 = vector.shape_cast %exp3A : vector<128x256xf32> to vector<1x128x256xf32>
    %max3A_288 = vector.broadcast %broadcast_in_dim3A_280 : vector<8x1x256xf32> to vector<8x128x256xf32>
    %max3A_289 = vector.broadcast %broadcast_in_dim3A_287 : vector<1x128x256xf32> to vector<8x128x256xf32>
    %max3A_290 = arith.maximumf %max3A_288, %max3A_289 : vector<8x128x256xf32>
    %reduce_sum3A_291 = arith.constant dense<0.000000e+00> : vector<8x128xf32>
    %reduce_sum3A_292 = vector.multi_reduction <add>, %max3A_290, %reduce_sum3A_291 [2] : vector<8x128x256xf32> to vector<8x128xf32>
    %add3A_293 = arith.constant 9.99999971E-10 : f32
    %add3A_294 = vector.broadcast %add3A_293 : f32 to vector<8x128xf32>
    %add3A_295 = arith.addf %reduce_sum3A_292, %add3A_294 : vector<8x128xf32>
    %div3A_296 = arith.divf %reduce_sum3A_286, %add3A_295 : vector<8x128xf32>
    %slice3A_297 = vector.extract_strided_slice %exp3A {offsets = [120, 0], sizes = [8, 256], strides = [1, 1]} : vector<128x256xf32> to vector<8x256xf32>
    %broadcast_in_dim3A_298 = vector.shape_cast %slice3A_297 : vector<8x256xf32> to vector<8x1x256xf32>
    %broadcast_in_dim3A_299 = vector.shape_cast %exp3A : vector<128x256xf32> to vector<1x128x256xf32>
    %min3A_300 = vector.broadcast %broadcast_in_dim3A_298 : vector<8x1x256xf32> to vector<8x128x256xf32>
    %min3A_301 = vector.broadcast %broadcast_in_dim3A_299 : vector<1x128x256xf32> to vector<8x128x256xf32>
    %min3A_302 = arith.minimumf %min3A_300, %min3A_301 : vector<8x128x256xf32>
    %reduce_sum3A_303 = arith.constant dense<0.000000e+00> : vector<8x128xf32>
    %reduce_sum3A_304 = vector.multi_reduction <add>, %min3A_302, %reduce_sum3A_303 [2] : vector<8x128x256xf32> to vector<8x128xf32>
    %broadcast_in_dim3A_305 = vector.shape_cast %exp3A : vector<128x256xf32> to vector<1x128x256xf32>
    %max3A_306 = vector.broadcast %broadcast_in_dim3A_298 : vector<8x1x256xf32> to vector<8x128x256xf32>
    %max3A_307 = vector.broadcast %broadcast_in_dim3A_305 : vector<1x128x256xf32> to vector<8x128x256xf32>
    %max3A_308 = arith.maximumf %max3A_306, %max3A_307 : vector<8x128x256xf32>
    %reduce_sum3A_309 = arith.constant dense<0.000000e+00> : vector<8x128xf32>
    %reduce_sum3A_310 = vector.multi_reduction <add>, %max3A_308, %reduce_sum3A_309 [2] : vector<8x128x256xf32> to vector<8x128xf32>
    %add3A_311 = arith.constant 9.99999971E-10 : f32
    %add3A_312 = vector.broadcast %add3A_311 : f32 to vector<8x128xf32>
    %add3A_313 = arith.addf %reduce_sum3A_310, %add3A_312 : vector<8x128xf32>
    %div3A_314 = arith.divf %reduce_sum3A_304, %add3A_313 : vector<8x128xf32>
    %concatenate3A = tpu.concatenate %div3A_44, %div3A_62, %div3A_80, %div3A_98, %div3A_116, %div3A_134, %div3A_152, %div3A_170, %div3A_188, %div3A_206, %div3A_224, %div3A_242, %div3A_260, %div3A_278, %div3A_296, %div3A_314 in 0 : vector<8x128xf32>, vector<8x128xf32>, vector<8x128xf32>, vector<8x128xf32>, vector<8x128xf32>, vector<8x128xf32>, vector<8x128xf32>, vector<8x128xf32>, vector<8x128xf32>, vector<8x128xf32>, vector<8x128xf32>, vector<8x128xf32>, vector<8x128xf32>, vector<8x128xf32>, vector<8x128xf32>, vector<8x128xf32> -> vector<128x128xf32>
    %swap3A = arith.constant 0 : index
    %swap3A_315 = arith.constant 0 : index
    %swap3A_316 = arith.constant 0 : index
    %swap3A_317 = vector.load %arg4[%swap3A, %swap3A_315, %swap3A_316] : memref<1x128x128xf32, #tpu.memory_space<vmem>>, vector<1x128x128xf32>
    %swap3A_318 = vector.shape_cast %swap3A_317 : vector<1x128x128xf32> to vector<128x128xf32>
    %swap3A_319 = vector.shape_cast %concatenate3A : vector<128x128xf32> to vector<1x128x128xf32>
    tpu.vector_store %arg4[%swap3A, %swap3A_315, %swap3A_316], %swap3A_319 {strides = array<i32>} : memref<1x128x128xf32, #tpu.memory_space<vmem>>, vector<1x128x128xf32>,
    %iota3A = tpu.iota {dimensions = array<i32: 0>} : vector<128x128xi32>
    %iota3A_320 = tpu.iota {dimensions = array<i32: 1>} : vector<128x128xi32>
    %lt3A = arith.cmpi slt, %iota3A, %iota3A_320 : vector<128x128xi32>
    %jit3A = arith.constant 0.000000e+00 : f32
    %broadcast_in_dim3A_321 = vector.broadcast %jit3A : f32 to vector<128x128xf32>
    %select_n3A = arith.select %lt3A, %concatenate3A, %broadcast_in_dim3A_321 : vector<128x128xi1>, vector<128x128xf32>
    %reduce_max3A = arith.constant dense<0xFF800000> : vector<128xf32>
    %reduce_max3A_322 = vector.multi_reduction <maximumf>, %select_n3A, %reduce_max3A [0] : vector<128x128xf32> to vector<128xf32>
    %broadcast_in_dim3A_323 = vector.shape_cast %reduce_max3A_322 : vector<128xf32> to vector<128x1xf32>
    %broadcast_in_dim3A_324 = vector.shape_cast %reduce_max3A_322 : vector<128xf32> to vector<1x128xf32>
    %lt3A_325 = vector.broadcast %broadcast_in_dim3A_323 : vector<128x1xf32> to vector<128x128xf32>
    %lt3A_326 = vector.broadcast %broadcast_in_dim3A_324 : vector<1x128xf32> to vector<128x128xf32>
    %lt3A_327 = arith.cmpf olt, %lt3A_325, %lt3A_326 : vector<128x128xf32>
    %convert_element_type3A = arith.extui %lt3A_327 : vector<128x128xi1> to vector<128x128xi32>
    %broadcast_in_dim3A_328 = vector.shape_cast %reduce_max3A_322 : vector<128xf32> to vector<128x1xf32>
    %broadcast_in_dim3A_329 = vector.shape_cast %reduce_max3A_322 : vector<128xf32> to vector<1x128xf32>
    %eq3A = vector.broadcast %broadcast_in_dim3A_328 : vector<128x1xf32> to vector<128x128xf32>
    %eq3A_330 = vector.broadcast %broadcast_in_dim3A_329 : vector<1x128xf32> to vector<128x128xf32>
    %eq3A_331 = arith.cmpf oeq, %eq3A, %eq3A_330 : vector<128x128xf32>
    %lt3A_332 = arith.cmpi slt, %iota3A, %iota3A_320 : vector<128x128xi32>
    %and3A = arith.andi %eq3A_331, %lt3A_332 : vector<128x128xi1>
    %convert_element_type3A_333 = arith.extui %and3A : vector<128x128xi1> to vector<128x128xi32>
    %add3A_334 = arith.addi %convert_element_type3A, %convert_element_type3A_333 : vector<128x128xi32>
    %reduce_sum3A_335 = arith.constant dense<0> : vector<128xi32>
    %reduce_sum3A_336 = vector.multi_reduction <add>, %add3A_334, %reduce_sum3A_335 [0] : vector<128x128xi32> to vector<128xi32>
    %iota3A_337 = tpu.iota {dimensions = array<i32: 0>} : vector<64x128xi32>
    %iota3A_338 = tpu.iota {dimensions = array<i32: 1>} : vector<64x128xi32>
    %broadcast_in_dim3A_339 = vector.shape_cast %reduce_sum3A_336 : vector<128xi32> to vector<1x128xi32>
    %eq3A_340 = vector.broadcast %broadcast_in_dim3A_339 : vector<1x128xi32> to vector<64x128xi32>
    %eq3A_341 = arith.cmpi eq, %eq3A_340, %iota3A_337 : vector<64x128xi32>
    %jit3A_342 = arith.constant 0 : i32
    %broadcast_in_dim3A_343 = vector.broadcast %jit3A_342 : i32 to vector<64x128xi32>
    %select_n3A_344 = arith.select %eq3A_341, %iota3A_338, %broadcast_in_dim3A_343 : vector<64x128xi1>, vector<64x128xi32>
    %reduce_sum3A_345 = arith.constant dense<0> : vector<64xi32>
    %reduce_sum3A_346 = vector.multi_reduction <add>, %select_n3A_344, %reduce_sum3A_345 [1] : vector<64x128xi32> to vector<64xi32>
    %swap3A_347 = arith.constant 0 : index
    %swap3A_348 = arith.constant 0 : index
    %swap3A_349 = arith.constant 0 : index
    %swap3A_350 = vector.load %arg5[%swap3A_347, %swap3A_348, %swap3A_349] : memref<1x1x64xi32, #tpu.memory_space<vmem>>, vector<1x1x64xi32>
    %swap3A_351 = vector.shape_cast %swap3A_350 : vector<1x1x64xi32> to vector<64xi32>
    %swap3A_352 = vector.shape_cast %reduce_sum3A_346 : vector<64xi32> to vector<1x1x64xi32>
    tpu.vector_store %arg5[%swap3A_347, %swap3A_348, %swap3A_349], %swap3A_352 {strides = array<i32>} : memref<1x1x64xi32, #tpu.memory_space<vmem>>, vector<1x1x64xi32>,
    return
  }
  func.func @transform_0(%arg0: i32) -> (i32, i32, i32) {
    %c0_i32 = arith.constant 0 : i32
    %c0_i32_0 = arith.constant 0 : i32
    %c0_i32_1 = arith.constant 0 : i32
    return %arg0, %c0_i32, %c0_i32_0 : i32, i32, i32
  }
  func.func @transform_1(%arg0: i32) -> (i32, i32) {
    %c0_i32 = arith.constant 0 : i32
    %c0_i32_0 = arith.constant 0 : i32
    %c0_i32_1 = arith.constant 0 : i32
    return %c0_i32, %c0_i32_0 : i32, i32
  }
  func.func @transform_2(%arg0: i32) -> (i32, i32) {
    %c0_i32 = arith.constant 0 : i32
    %c0_i32_0 = arith.constant 0 : i32
    %c0_i32_1 = arith.constant 0 : i32
    return %c0_i32, %c0_i32_0 : i32, i32
  }
  func.func @transform_3(%arg0: i32) -> (i32, i32, i32) {
    %c0_i32 = arith.constant 0 : i32
    %c0_i32_0 = arith.constant 0 : i32
    %c0_i32_1 = arith.constant 0 : i32
    return %arg0, %c0_i32, %c0_i32_0 : i32, i32, i32
  }
  func.func @transform_4(%arg0: i32) -> (i32, i32, i32) {
    %c0_i32 = arith.constant 0 : i32
    %c0_i32_0 = arith.constant 0 : i32
    %c0_i32_1 = arith.constant 0 : i32
    return %arg0, %c0_i32, %c0_i32_0 : i32, i32, i32
  }
}

</mosaic_0001>

<sc_bundles>
// kernel: kernel.6.cloned.1.call-start
scs
__scs_entry_jumppad:
0x0: {  	(pc) =	sbr.rel $0x88, $3  }
0x1: {  	(tag) =	ssettag $0x0;
	lr =	simm.s32 $0x1  }
0x2: {  	[smem:$0x3F9E] =	sst lr;
	_ =	strace $0xD0000000  }
0x3: {  	_ = 	snop  }
0x4: {  	_ = 	snop  }
0x5: {  	_ = 	snop  }
0x6: {  	_ = 	snop  }
0x7: {  	_ = 	snop  }
__scs_overlays_trampoline_lowered:
0x8: {  	[smem:$0x3FAD] =	sst s0  }
0x9: {  	[smem:$0x3FAE] =	sst s1  }
0xa: {  	[smem:$0x3FAF] =	sst s2  }
0xb: {  	[smem:$0x3FB0] =	sst s3  }
0xc: {  	[smem:$0x3FB1] =	sst s4  }
0xd: {  	[smem:$0x3FB2] =	sst s5  }
0xe: {  	[smem:$0x3FB3] =	sst s6  }
0xf: {  	[smem:$0x3FB4] =	sst s7  }
0x10: {  	[smem:$0x3FB5] =	sst s8  }
0x11: {  	[smem:$0x3FB6] =	sst s9;
	s0 =	simm.s32 @!p0 $0x0  }
0x12: {  	s1 =	sld [smem:$0x3F9C];
	s0 =	simm.s32 @p0 $0x1  }
0x13: {  	[smem:$0x3FB7] =	sst s0;
	s0 =	simm.s32 @!p1 $0x0  }
0x14: {  	s2 =	sld [smem:$0x3F9B];
	s0 =	simm.s32 @p1 $0x1  }
0x15: {  	[smem:$0x3FB8] =	sst s0;
	s0 =	simm.s32 @!p2 $0x0  }
0x16: {  	s3 =	sld [smem:$0x3FDB];
	s0 =	simm.s32 @p2 $0x1  }
0x17: {  	s4 =	simm.s32 $0x1BF5;
	[smem:$0x3FBA] =	sst s0  }
0x18: {  	s0 =	sld [smem:$0x3F9D];
	_ =	swait.ge [sflag:s4], $0x0  }
0x19: {  	s7 =	sld [smem:$0x3F9E]  }
0x1a: {  	s8 =	sadd.s32 $0xFFFFE003, lr  }
0x1b: {  	s9 =	sadd.s32 $0xFFFFFEF7, lr;
	s5 =	simm.s32 $0xFFFFFFFF;
	p2 =	slt.u32 s8, $0xFFFFF086  }
0x1c: {  	p1 =	slt.u32 s9, $0xF7A;
	s5 =	simm.s32 @!p2 $0x0  }
0x1d: {  	s5 =	simm.s32 @p1 $0x1;
	p0 =	seq.s32 s7, s2  }
0x1e: {  	s7 =	smul.u32 @!p0 $0xF7A, s2;
	p2 =	seq.s32 @!p0 s5, $0x0  }
0x1f: {  	s9 =	smul.u32 $0xF7A, s1;
	s8 =	simm.s32 @!p0 $0x1BF5;
	p2 =	por !p2, p0  }
0x20: {  	[sflag:s8] =	ssyncset.s32 @!p0 $0xFFFFF086;
	s6 =	sadd.s32 @!p0 s3, s7;
	s7 =	simm.s32 @!p0 $0x108  }
0x21: {  	s3 =	sadd.s32 s3, s9;
	s6 =	sadd.s32 @!p0 $0x88, s6;
	s7 =	simm.s32 @p2 $0x1082  }
0x22: {  	[simem:s7], [sflag:s8] =	dma.local @!p0 [hbm:s6], $0xF7A  }
0x23: {  	s9 =	sor.u32 $0xD0000000, s2;
	s6 =	simm.s32 $0x108;
	_ =	swait.ge @!p0 [sflag:s8], $0x0  }
0x24: {  	s3 =	sadd.s32 $0x88, s3;
	s6 =	simm.s32 @!p1 $0x1082;
	[sflag:s4] =	ssyncset.s32 $0xFFFFF086  }
0x25: {  	[simem:s6], [sflag:s4] =	dma.local [hbm:s3], $0xF7A  }
0x26: {  	[smem:$0x3F9E] =	sst s1;
	(tag) =	ssettag s2;
	_ =	strace s9  }
0x27: {  	s1 =	sld [smem:$0x3FAE]  }
0x28: {  	s2 =	sld [smem:$0x3FAF]  }
0x29: {  	s4 =	sld [smem:$0x3FB1]  }
0x2a: {  	p0 =	seq.s32 s5, $0x0;
	s5 =	sld [smem:$0x3FB2]  }
0x2b: {  	s6 =	sld [smem:$0x3FB3]  }
0x2c: {  	s7 =	sld [smem:$0x3FB4]  }
0x2d: {  	s3 =	simm.s32 $0x108;
	s8 =	sld [smem:$0x3FB5]  }
0x2e: {  	s3 =	simm.s32 @!p0 $0x1082;
	s9 =	sld [smem:$0x3FB6]  }
0x2f: {  	lr =	sadd.s32 s0, s3;
	s0 =	sld [smem:$0x3FAD]  }
0x30: {  	s3 =	sld [smem:$0x3FB0]  }
0x31: {  	[smem:$0x3FB9] =	sst s10  }
0x32: {  	s10 =	sld [smem:$0x3FB7];
	_ =	sdelay $0x3  }
0x33: {  	p0 =	seq.s32 s10, $0x1;
	s10 =	sld [smem:$0x3FB9];
	_ =	sdelay $0x3  }
0x34: {  	[smem:$0x3FB9] =	sst s10  }
0x35: {  	s10 =	sld [smem:$0x3FB8];
	_ =	sdelay $0x3  }
0x36: {  	p1 =	seq.s32 s10, $0x1;
	s10 =	sld [smem:$0x3FB9];
	_ =	sdelay $0x3  }
0x37: {  	[smem:$0x3FB9] =	sst s10  }
0x38: {  	s10 =	sld [smem:$0x3FBA]  }
0x39: {  	_ = 	snop;
	(pc) =	sbr.ind lr, $3  }
0x3a: {  	_ = 	snop  }
0x3b: {  	_ = 	snop  }
0x3c: {  	p2 =	seq.s32 s10, $0x1;
	s10 =	sld [smem:$0x3FB9]  }
0x3d: {  	_ =	shalt  }
0x3e: {  	_ =	shalt  }
0x3f: {  	_ =	shalt  }
0x40: {  	_ =	shalt  }
0x41: {  	_ =	shalt  }
0x42: {  	_ =	shalt  }
0x43: {  	_ =	shalt  }
0x44: {  	_ =	shalt  }
0x45: {  	_ =	shalt  }
0x46: {  	_ =	shalt  }
0x47: {  	_ =	shalt  }
0x48: {  	_ =	shalt  }
0x49: {  	_ =	shalt  }
0x4a: {  	_ =	shalt  }
0x4b: {  	_ =	shalt  }
0x4c: {  	_ =	shalt  }
0x4d: {  	_ =	shalt  }
0x4e: {  	_ =	shalt  }
0x4f: {  	_ =	shalt  }
0x50: {  	_ =	shalt  }
0x51: {  	_ =	shalt  }
0x52: {  	_ =	shalt  }
0x53: {  	_ =	shalt  }
0x54: {  	_ =	shalt  }
0x55: {  	_ =	shalt  }
0x56: {  	_ =	shalt  }
0x57: {  	_ =	shalt  }
0x58: {  	_ =	shalt  }
0x59: {  	_ =	shalt  }
0x5a: {  	_ =	shalt  }
0x5b: {  	_ =	shalt  }
0x5c: {  	_ =	shalt  }
0x5d: {  	_ =	shalt  }
0x5e: {  	_ =	shalt  }
0x5f: {  	_ =	shalt  }
0x60: {  	_ =	shalt  }
0x61: {  	_ =	shalt  }
0x62: {  	_ =	shalt  }
0x63: {  	_ =	shalt  }
0x64: {  	_ =	shalt  }
0x65: {  	_ =	shalt  }
0x66: {  	_ =	shalt  }
0x67: {  	_ =	shalt  }
0x68: {  	_ =	shalt  }
0x69: {  	_ =	shalt  }
0x6a: {  	_ =	shalt  }
0x6b: {  	_ =	shalt  }
0x6c: {  	_ =	shalt  }
0x6d: {  	_ =	shalt  }
0x6e: {  	_ =	shalt  }
0x6f: {  	_ =	shalt  }
0x70: {  	_ =	shalt  }
0x71: {  	_ =	shalt  }
0x72: {  	_ =	shalt  }
0x73: {  	_ =	shalt  }
0x74: {  	_ =	shalt  }
0x75: {  	_ =	shalt  }
0x76: {  	_ =	shalt  }
0x77: {  	_ =	shalt  }
0x78: {  	_ =	shalt  }
0x79: {  	_ =	shalt  }
0x7a: {  	_ =	shalt  }
0x7b: {  	_ =	shalt  }
0x7c: {  	_ =	shalt  }
0x7d: {  	_ =	shalt  }
0x7e: {  	_ =	shalt  }
0x7f: {  	_ =	shalt  }
0x80: {  	_ =	shalt  }
0x81: {  	_ =	shalt  }
0x82: {  	_ =	shalt  }
0x83: {  	_ =	shalt  }
0x84: {  	_ =	shalt  }
0x85: {  	_ =	shalt  }
0x86: {  	_ =	shalt  }
0x87: {  	_ =	shalt  }
.Lfunc_end0:
.L_simem_size_0:
called_computation_lowered:
.L_overlay_start_0:
0x88: {  	s2 =	sld [smem:$0x3FD9]  }
0x89: {  	s3 =	sld [smem:$0x3FFE];
	_ =	sdelay $0x1  }
0x8a: {  	s1 =	srdreg.scid  }
0x8b: {  	s0 =	sand.u32 $0x1, s1  }
0x8c: {  	s14 =	sshll.u32 s0, $0xA;
	s2 =	sadd.s32 s3, s2  }
0x8d: {  	s2 =	sadd.s32 s2, s14  }
0x8e: {  	[smem:$0x3FC5] =	sst s2  }
0x8f: {  	_ = 	snop  }
0x90: {  	s2 =	sld [smem:$0x3FD0];
	_ =	sdelay $0x2  }
0x91: {  	s15 =	simm.s32 $0xA;
	s4 =	simm.s32 $0x10  }
0x92: {  	[smem:s4], [sflag:s15] =	dma.local [hbm:s2], $0x1  }
0x93: {  	_ =	swait.eq [sflag:s15], $0x1  }
0x94: {  	[sflag:s15] =	ssyncset.done $0x0  }
0x95: {  	s16 =	sld [smem:$0x11];
	[sflag:s15] =	ssyncadd.s32 $0xFFFFFFFF  }
0x96: {  	s17 =	sld [smem:$0x12];
	(tm) =	ssettm $0x1  }
0x97: {  	s18 =	sld [smem:$0x3FFB];
	_ =	sdelay $0x3  }
0x98: {  	_ =	strace s18  }
0x99: {  	s4 =	sld [smem:$0x3FFC];
	_ =	sdelay $0x3  }
0x9a: {  	_ =	strace s4  }
0x9b: {  	s4 =	sld [smem:$0x3FFD];
	_ =	sdelay $0x3  }
0x9c: {  	_ =	strace s4  }
0x9d: {  	_ =	strace $0x8FFFFFFF  }
0x9e: {  	s19 =	sld [smem:$0x3FDB];
	_ =	sdelay $0x1  }
0x9f: {  	s5 =	simm.s32 $_scs_section_size  }
0xa0: {  	s6 =	simm.s32 $_size__tile_overlayer_lowered;
	s7 =	simm.s32 $_tile_overlayer_lowered  }
0xa1: {  	s22 =	simm.s32 $0x1BFF;
	s21 =	sshll.u32 s7, $0x1;
	s4 =	sadd.s32 s5, s19  }
0xa2: {  	s8 =	simm.s32 $0x0;
	s20 =	sshll.u32 s6, $0x1;
	s6 =	sadd.s32 s21, s4  }
0xa3: {  	[timem:s8], [sflag:s22] =	dma.local [hbm:s6], s20  }
0xa4: {  	_ =	swait.ge [sflag:s22], s20  }
0xa5: {  	s5 =	ssub.s32 $0x0, s20;
	[sflag:s22] =	ssyncset.done $0x0  }
0xa6: {  	[sflag:s22] =	ssyncadd.s32 s5;
	_ =	sdelay $0x1  }
0xa7: {  	s23 =	simm.s32 $0x1B8B  }
0xa8: {  	_ =	swait.ge [sflag:s23], $0x1  }
0xa9: {  	[sflag:s23] =	ssyncset.done $0x0  }
0xaa: {  	s25 =	simm.s32 $0x1B8E;
	s24 =	sld [smem:$0x3FFE];
	[sflag:s23] =	ssyncadd.s32 $0xFFFFFFFF  }
0xab: {  	s26 =	simm.s32 $execute0_lowered;
	[smem:$0x3FD2] =	sst s25  }
0xac: {  	s6 =	sshll.u32 s26, $0x1;
	_ =	strace $0x80000046;
	[dreg:$0x1] =	wrdreg $0xFFFFFFFF  }
0xad: {  	s28 =	simm.s32 $_size_execute0_lowered;
	s4 =	sadd.s32 s4, s6;
	[dreg:$0x0] =	wrdreg $0x0  }
0xae: {  	s6 =	sshll.u32 s28, $0x1;
	[dreg:$0x2] =	wrdreg s4  }
0xaf: {  	[dreg:$0x3] =	wrdreg s6  }
0xb0: {  	[dreg:$0x4] =	wrdreg $0xC0  }
0xb1: {  	_ =	task [dreg:s8], $0x5FFFF  }
0xb2: {  	[dreg:$0x1] =	wrdreg $0xFFFFFFFF  }
0xb3: {  	[dreg:$0x0] =	wrdreg $0x60  }
0xb4: {  	[dreg:$0x2] =	wrdreg s24  }
0xb5: {  	[dreg:$0x3] =	wrdreg s16  }
0xb6: {  	[dreg:$0x4] =	wrdreg s17  }
0xb7: {  	[dreg:$0x5] =	wrdreg $0xB100  }
0xb8: {  	[dreg:$0x6] =	wrdreg $0x9  }
0xb9: {  	_ =	task.clear_ibuf [dreg:s8], $0x7FFFF;
	_ =	strace $0x90000046  }
0xba: {  	s29 =	simm.s32 $0x9;
	_ =	strace $0x80000048  }
0xbb: {  	_ =	swait.ge [sflag:s29], $0x1  }
0xbc: {  	[sflag:s29] =	ssyncadd.s32 $0xFFFFFFFF  }
0xbd: {  	_ =	strace $0x90000048  }
0xbe: {  	_ =	sfence  }
0xbf: {  	s30 =	sld [smem:$0x0];
	_ =	sdelay $0x2  }
0xc0: {  	s31 =	sshll.u32 s1, $0xD;
	s1 =	sshrl.u32 s1, $0x2  }
0xc1: {  	s3 =	sand.u32 $0x4000, s31;
	s1 =	sadd.s32 s1, s30  }
0xc2: {  	s0 =	sor.u32 s3, s0;
	s1 =	sshll.u32 s1, $0x11  }
0xc3: {  	s0 =	sor.u32 s1, s0  }
0xc4: {  	s0 =	sadd.s32 $0x8F2B, s0  }
0xc5: {  	[sflag:s0] =	ssyncadd.remote.s32 $0x1  }
0xc6: {  	_ =	sfence.sel $0xFFFF  }
0xc7: {  	[dreg:$0x0] =	wrdreg $0xFFFFFFFF;
	(pc) =	sbr.abs _section_cstart, $3  }
0xc8: {  	[dreg:$0x1] =	wrdreg $0xFFFFFFFF  }
0xc9: {  	_ =	task.clear_ibuf [dreg:s8], $0x2FFFF;
	_ =	strace $0x9FFFFFFF  }
0xca: {  	(tm) =	ssettm $0x7FFFFFFF  }
0xcb: {  	_ =	shalt  }
tec
execute0_lowered:
.L_overlay_start_1:
0x0: {  	(tag) =	ssettag $0x1  }
0x1: {  	s3 =	rddreg [dreg:$0x0]  }
0x2: {  	s13 =	rddreg [dreg:$0x1]  }
0x3: {  	s0 =	srdreg.scid;
	s14 =	rddreg [dreg:$0x2]  }
0x4: {  	s5 =	rddreg [dreg:$0x3];
	s1 =	stileid.u32;
	s2 =	simm.s32 $0x0  }
0x5: {  	s18 =	simm.s32 $0xA90;
	s19 =	simm.s32 $0xA00;
	s20 =	simm.s32 $0xA40  }
0x6: {  	s21 =	simm.s32 $0x0;
	s10 =	sand.u32 $0x1, s0;
	s0 =	rddreg [dreg:$0x4]  }
0x7: {  	[smem:$0x7FF] =	sst s2;
	s11 =	sshrl.u32 s1, $0x3;
	s12 =	sand.u32 $0x7, s1  }
0x8: {  	s30 =	sshll.u32 s1, $0x4;
	s4 =	sshll.u32 s10, $0x4;
	s6 =	ssub.s32 $0x2, s10  }
0x9: {  	_ =	strace $0x80000047;
	s31 =	sshll.u32 s11, $0x7;
	s16 =	sshll.u32 s10, $0x7  }
0xa: {  	s11 =	sshll.u32 s11, $0x6;
	s17 =	sshll.u32 s12, $0x3;
	s12 =	smul.u32 $0xA00, s12  }
0xb: {  	s4 =	sor.u32 s1, s4;
	s7 =	sshrl.u32 s6, $0x1;
	s16 =	sor.u32 s16, s11  }
0xc: {  	s4 =	smul.u32 $0x140, s4;
	s15 =	ssub.s32 s6, s7;
	s16 =	sor.u32 s17, s16  }
0xd: {  	s17 =	simm.s32 $0xA80;
	s13 =	sadd.s32 s13, s16;
	s14 =	sadd.s32 s14, s16  }
0xe: {  	s15 =	smax.u32 s15, $0x1;
	s16 =	simm.s32 $0x1;
	s3 =	sadd.s32 s4, s3  }
0xf: {  	v0 =	vimm.s32 $0x0;
	s4 =	sadd.s32 s30, s5;
	s5 =	sadd.s32 s31, s5;
	s3 =	sadd.s32 $0x1C00, s3  }
0x10: {  	vm0 =	vcmask $0xB08;
	vm1 =	vcmask $0x3F08;
	vm2 =	vcmask $0x3F04;
	s6 =	sadd.s32 $0x100, s4;
	s7 =	sadd.s32 $0x100, s5;
	s8 =	sadd.s32 $0x200, s4  }
0x11: {  	vm3 =	vmmov $0x7;
	v1 =	vimm.f32 $-1.000000000e+00;
	v2 =	vlaneseq.u32;
	s9 =	sadd.s32 $0x200, s5;
	s10 =	sadd.s32 $0x300, s4;
	s11 =	sadd.s32 $0x300, s5  }
.LBB2_1:
0x12: {  	[tilespmem:s2], [sflag:$0x1] =	stream.linear.gather [hbm4b:s3+s2], $0xA00, $0x38;
	[tilespmem:$0xB50] =	vst v63  }
0x13: {  	_ =	swait.ge [sflag:s16], $0xA00  }
0x14: {  	[sflag:s16] =	ssyncset.done $0x0  }
0x15: {  	s22 =	simm.s32 $0x0;
	[sflag:s16] =	ssyncadd.s32 $0xFFFFF600  }
0x16: {  	v3 =	vld [tilespmem:s22+$0x30];
	_ =	sdelay $0x1  }
0x17: {  	v7 =	vld [tilespmem:s22+$0x20]  }
0x18: {  	v6 =	vld [tilespmem:s22+$0x10]  }
0x19: {  	v8 =	vld [tilespmem:s22+$0x0]  }
0x1a: {  	v5 =	vimm.s32 $0x0;
	v4 =	vimm.s32 $0x0;
	vm5 =	vge.f32 v3, $2.500000000e-01  }
0x1b: {  	s22 =	simm.s32 $0x100;
	vm6 =	vge.f32 v3, $5.000000000e-01;
	vm4 =	vge.f32 v3, $7.500000000e-01;
	v3 =	vimm.s32 $0x0  }
.LBB2_2:
0x1c: {  	p0 =	sne.s32 s22, $0x2700;
	vm7 =	vge.f32 v7, $2.500000000e-01;
	vm8 =	vge.f32 v7, $5.000000000e-01;
	vm9 =	vge.f32 v7, $7.500000000e-01  }
0x1d: {  	vm10 =	vge.f32 v6, $2.500000000e-01;
	vm11 =	vge.f32 v6, $5.000000000e-01;
	vm12 =	vge.f32 v6, $7.500000000e-01  }
0x1e: {  	vm13 =	vge.f32 v8, $2.500000000e-01;
	vm14 =	vge.f32 v8, $5.000000000e-01;
	vm15 =	vge.f32 v8, $7.500000000e-01  }
0x1f: {  	v9 =	vsel vm5, $0x1, v0;
	v10 =	vsel vm6, $0x1, v0;
	v11 =	vsel vm4, $0x1, v0  }
0x20: {  	v12 =	vsel vm7, $0x1, v0;
	v13 =	vsel vm8, $0x1, v0;
	v14 =	vsel vm9, $0x1, v0  }
0x21: {  	s23 =	sshra.s32 s22, $0x2;
	v8 =	vsel vm10, $0x1, v0;
	v15 =	vsel vm11, $0x1, v0;
	v16 =	vsel vm12, $0x1, v0  }
0x22: {  	v6 =	vsel vm13, $0x1, v0;
	v18 =	vsel vm14, $0x1, v0;
	v19 =	vsel vm15, $0x1, v0;
	v17 =	vld [tilespmem:s23+$0x30]  }
.Ltmp0:
0x23: {  	v5 =	vadd.s32 v6, v5;
	v4 =	vadd.s32 v18, v4;
	v3 =	vadd.s32 v19, v3;
	v7 =	vld [tilespmem:s23+$0x20];
	(pc) =	sbr.rel @p0 .LBB2_2-.Ltmp0, $4  }
0x24: {  	v5 =	vadd.s32 v8, v5;
	v4 =	vadd.s32 v15, v4;
	v3 =	vadd.s32 v16, v3;
	v6 =	vld [tilespmem:s23+$0x10]  }
0x25: {  	v5 =	vadd.s32 v12, v5;
	v4 =	vadd.s32 v13, v4;
	v3 =	vadd.s32 v14, v3;
	v8 =	vld [tilespmem:s23+$0x0]  }
0x26: {  	v5 =	vadd.s32 v9, v5;
	v4 =	vadd.s32 v10, v4;
	v3 =	vadd.s32 v11, v3  }
0x27: {  	s22 =	sadd.s32 $0x100, s22;
	vm5 =	vge.f32 v17, $2.500000000e-01;
	vm6 =	vge.f32 v17, $5.000000000e-01;
	vm4 =	vge.f32 v17, $7.500000000e-01  }
0x28: {  	vm7 =	vge.f32 v7, $2.500000000e-01;
	vm8 =	vge.f32 v7, $5.000000000e-01  }
0x29: {  	vm9 =	vge.f32 v7, $7.500000000e-01;
	v7 =	vsel vm6, $0x1, v0;
	vm10 =	vge.f32 v6, $2.500000000e-01  }
0x2a: {  	vm11 =	vge.f32 v6, $5.000000000e-01;
	vm12 =	vge.f32 v6, $7.500000000e-01;
	v6 =	vsel vm5, $0x1, v0  }
0x2b: {  	v9 =	vsel vm8, $0x1, v0;
	v10 =	vsel vm9, $0x1, v0;
	vm13 =	vge.f32 v8, $2.500000000e-01  }
0x2c: {  	vm14 =	vge.f32 v8, $5.000000000e-01;
	vm15 =	vge.f32 v8, $7.500000000e-01;
	v8 =	vsel vm7, $0x1, v0  }
0x2d: {  	v11 =	vsel vm10, $0x1, v0;
	v12 =	vsel vm11, $0x1, v0;
	v13 =	vsel vm13, $0x1, v0  }
0x2e: {  	v14 =	vsel vm12, $0x1, v0;
	v15 =	vsel vm14, $0x1, v0;
	v5 =	vadd.s32 v13, v5  }
0x2f: {  	v63 =	vsel vm15, $0x1, v0;
	v4 =	vadd.s32 v15, v4;
	v5 =	vadd.s32 v11, v5  }
0x30: {  	v3 =	vadd.s32 v63, v3;
	v4 =	vadd.s32 v12, v4;
	v5 =	vadd.s32 v8, v5  }
0x31: {  	v3 =	vadd.s32 v14, v3;
	v4 =	vadd.s32 v9, v4;
	v5 =	vadd.s32 v6, v5  }
0x32: {  	v3 =	vadd.s32 v10, v3;
	v6 =	vsel vm4, $0x1, v0;
	v4 =	vadd.s32 v7, v4;
	(xrf0) =	vadd.scan.msk.s32 $0xffff, v5  }
0x33: {  	v3 =	vadd.s32 v6, v3;
	(xrf0) =	vadd.scan.msk.s32 $0xffff, v4  }
0x34: {  	(xrf0) =	vadd.scan.msk.s32 $0xffff, v3;
	_ =	sdelay $0x3  }
0x35: {  	v3, _, _ =	vpop (xrf0)  }
0x36: {  	v4, _, _ =	vpop (xrf0)  }
0x37: {  	v5, _, _ =	vpop (xrf0)  }
0x38: {  	v5 =	vbroadcast v5, $0xF  }
0x39: {  	v4 =	vbroadcast v4, $0xF  }
0x3a: {  	v3 =	vbroadcast v3, $0xF;
	v5 =	vnsel vm0, $0x0, v5  }
0x3b: {  	v4 =	vsel vm1, v5, v4  }
0x3c: {  	v3 =	vsel vm2, v4, v3  }
0x3d: {  	[tilespmem:$0xA80] =	vst v3  }
0x3e: {  	[spmem:s4] =	stream.linear.scatter [tilespmem:s17], [sflag:$0x1], $0x10, $0x38;
	[tilespmem:$0xB50] =	vst v63  }
0x3f: {  	_ =	swait.ge [sflag:s16], $0x10  }
0x40: {  	[sflag:s16] =	ssyncset.done $0x0  }
0x41: {  	[sflag:s16] =	ssyncadd.s32 $0xFFFFFFF0  }
0x42: {  	[bflag:$0x0] =	sbarrier.arrive $0xFFFF  }
0x43: {  	[tilespmem:s18], [sflag:$0x1] =	stream.linear.gather [spmem:s5], $0x80, $0x38;
	[tilespmem:$0xB50] =	vst v63  }
0x44: {  	_ =	swait.ge [sflag:s16], $0x80  }
0x45: {  	[sflag:s16] =	ssyncset.done $0x0  }
0x46: {  	[sflag:s16] =	ssyncadd.s32 $0xFFFFFF80  }
0x47: {  	v3 =	vld [tilespmem:$0xA90]  }
0x48: {  	v4 =	vld [tilespmem:$0xAA0]  }
0x49: {  	v5 =	vld [tilespmem:$0xAB0]  }
0x4a: {  	v6 =	vld [tilespmem:$0xAC0]  }
0x4b: {  	v7 =	vld [tilespmem:$0xAD0]  }
0x4c: {  	v8 =	vld [tilespmem:$0xAE0]  }
0x4d: {  	v3 =	vadd.s32 v3, v4;
	v4 =	vld [tilespmem:$0xAF0]  }
0x4e: {  	v3 =	vadd.s32 v5, v3;
	v5 =	vld [tilespmem:$0xB00]  }
0x4f: {  	v3 =	vadd.s32 v6, v3  }
0x50: {  	v3 =	vadd.s32 v7, v3  }
0x51: {  	v3 =	vadd.s32 v8, v3  }
0x52: {  	v3 =	vadd.s32 v4, v3  }
0x53: {  	v3 =	vadd.s32 v5, v3  }
0x54: {  	vm4 =	vgt.s32 v3, $0x7F  }
0x55: {  	vm4 =	vmand vm4, vm3  }
0x56: {  	v3 =	vsel vm4, $0x1, v0  }
0x57: {  	(xrf0) =	vadd.scan.msk.s32 $0xffff, v3;
	_ =	sdelay $0x5  }
0x58: {  	v3, _, _ =	vpop (xrf0)  }
0x59: {  	(v2sf) =	vpush v3, $0xF;
	_ =	sdelay $0xe  }
0x5a: {  	s22 =	spop (v2sf)  }
0x5b: {  	s22 =	scvt.s32.f32 s22;
	_ =	sdelay $0x1  }
0x5c: {  	s22 =	smul.f32 $2.500000000e-01, s22;
	_ =	sdelay $0x1  }
0x5d: {  	s23 =	simm.s32 $0x0;
	s22 =	sadd.f32 $0.0e+00, s22  }
0x5e: {  	v7 =	vld [tilespmem:s23+$0x30]  }
0x5f: {  	s24 =	sadd.f32 $6.250000000e-02, s22  }
0x60: {  	v9 =	vld [tilespmem:s23+$0x20];
	s25 =	sadd.f32 $1.250000000e-01, s22  }
0x61: {  	v10 =	vld [tilespmem:s23+$0x10];
	s26 =	sadd.f32 $1.875000000e-01, s22  }
0x62: {  	v11 =	vld [tilespmem:s23+$0x0];
	v6 =	vimm.s32 $0x0;
	v8 =	vimm.s32 $0x0;
	v3 =	vmov s24  }
0x63: {  	v4 =	vmov s25;
	v5 =	vmov s26;
	vm5 =	vge.f32 v7, v3  }
0x64: {  	s23 =	simm.s32 $0x100;
	vm6 =	vge.f32 v7, v4;
	vm4 =	vge.f32 v7, v5;
	v7 =	vimm.s32 $0x0  }
.LBB2_4:
0x65: {  	p0 =	sne.s32 s23, $0x2700;
	vm7 =	vge.f32 v9, v3;
	vm8 =	vge.f32 v9, v4;
	vm9 =	vge.f32 v9, v5  }
0x66: {  	vm10 =	vge.f32 v10, v3;
	vm11 =	vge.f32 v10, v4;
	vm12 =	vge.f32 v10, v5  }
0x67: {  	vm13 =	vge.f32 v11, v3;
	vm14 =	vge.f32 v11, v4;
	vm15 =	vge.f32 v11, v5  }
0x68: {  	v12 =	vsel vm5, $0x1, v0;
	v13 =	vsel vm6, $0x1, v0;
	v14 =	vsel vm4, $0x1, v0  }
0x69: {  	v15 =	vsel vm7, $0x1, v0;
	v16 =	vsel vm8, $0x1, v0;
	v17 =	vsel vm9, $0x1, v0  }
0x6a: {  	s24 =	sshra.s32 s23, $0x2;
	v11 =	vsel vm10, $0x1, v0;
	v18 =	vsel vm11, $0x1, v0;
	v19 =	vsel vm12, $0x1, v0  }
0x6b: {  	v10 =	vsel vm13, $0x1, v0;
	v21 =	vsel vm14, $0x1, v0;
	v22 =	vsel vm15, $0x1, v0;
	v20 =	vld [tilespmem:s24+$0x30]  }
.Ltmp1:
0x6c: {  	v6 =	vadd.s32 v10, v6;
	v8 =	vadd.s32 v21, v8;
	v7 =	vadd.s32 v22, v7;
	v9 =	vld [tilespmem:s24+$0x20];
	(pc) =	sbr.rel @p0 .LBB2_4-.Ltmp1, $4  }
0x6d: {  	v6 =	vadd.s32 v11, v6;
	v8 =	vadd.s32 v18, v8;
	v7 =	vadd.s32 v19, v7;
	v10 =	vld [tilespmem:s24+$0x10]  }
0x6e: {  	v6 =	vadd.s32 v15, v6;
	v8 =	vadd.s32 v16, v8;
	v7 =	vadd.s32 v17, v7;
	v11 =	vld [tilespmem:s24+$0x0]  }
0x6f: {  	v6 =	vadd.s32 v12, v6;
	v8 =	vadd.s32 v13, v8;
	v7 =	vadd.s32 v14, v7  }
0x70: {  	s23 =	sadd.s32 $0x100, s23;
	vm5 =	vge.f32 v20, v3;
	vm6 =	vge.f32 v20, v4;
	vm4 =	vge.f32 v20, v5  }
0x71: {  	vm7 =	vge.f32 v9, v3;
	vm8 =	vge.f32 v9, v4  }
0x72: {  	vm9 =	vge.f32 v9, v5;
	vm10 =	vge.f32 v10, v3;
	vm11 =	vge.f32 v10, v4  }
0x73: {  	vm12 =	vge.f32 v10, v5;
	v9 =	vsel vm8, $0x1, v0;
	v10 =	vsel vm9, $0x1, v0  }
0x74: {  	vm13 =	vge.f32 v11, v3;
	vm14 =	vge.f32 v11, v4;
	vm15 =	vge.f32 v11, v5  }
0x75: {  	v3 =	vsel vm5, $0x1, v0;
	v4 =	vsel vm6, $0x1, v0;
	v5 =	vsel vm7, $0x1, v0  }
0x76: {  	v11 =	vsel vm10, $0x1, v0;
	v12 =	vsel vm11, $0x1, v0;
	v13 =	vsel vm13, $0x1, v0  }
0x77: {  	v14 =	vsel vm12, $0x1, v0;
	v15 =	vsel vm14, $0x1, v0;
	v6 =	vadd.s32 v13, v6  }
0x78: {  	v63 =	vsel vm15, $0x1, v0;
	v8 =	vadd.s32 v15, v8;
	v6 =	vadd.s32 v11, v6  }
0x79: {  	v7 =	vadd.s32 v63, v7;
	v8 =	vadd.s32 v12, v8;
	v5 =	vadd.s32 v5, v6  }
0x7a: {  	v6 =	vadd.s32 v14, v7;
	v7 =	vadd.s32 v9, v8;
	v3 =	vadd.s32 v3, v5  }
0x7b: {  	v5 =	vsel vm4, $0x1, v0;
	v6 =	vadd.s32 v10, v6;
	v4 =	vadd.s32 v4, v7;
	(xrf0) =	vadd.scan.msk.s32 $0xffff, v3  }
0x7c: {  	v3 =	vadd.s32 v5, v6;
	(xrf0) =	vadd.scan.msk.s32 $0xffff, v4  }
0x7d: {  	(xrf0) =	vadd.scan.msk.s32 $0xffff, v3;
	_ =	sdelay $0x3  }
0x7e: {  	v3, _, _ =	vpop (xrf0)  }
0x7f: {  	v4, _, _ =	vpop (xrf0)  }
0x80: {  	v5, _, _ =	vpop (xrf0)  }
0x81: {  	v5 =	vbroadcast v5, $0xF  }
0x82: {  	v4 =	vbroadcast v4, $0xF  }
0x83: {  	v3 =	vbroadcast v3, $0xF;
	v5 =	vnsel vm0, $0x0, v5  }
0x84: {  	v4 =	vsel vm1, v5, v4  }
0x85: {  	v3 =	vsel vm2, v4, v3  }
0x86: {  	[tilespmem:$0xA80] =	vst v3  }
0x87: {  	[spmem:s6] =	stream.linear.scatter [tilespmem:s17], [sflag:$0x1], $0x10, $0x38;
	[tilespmem:$0xB50] =	vst v63  }
0x88: {  	_ =	swait.ge [sflag:s16], $0x10  }
0x89: {  	[sflag:s16] =	ssyncset.done $0x0  }
0x8a: {  	[sflag:s16] =	ssyncadd.s32 $0xFFFFFFF0  }
0x8b: {  	[bflag:$0x0] =	sbarrier.arrive $0xFFFF  }
0x8c: {  	[tilespmem:s18], [sflag:$0x1] =	stream.linear.gather [spmem:s7], $0x80, $0x38;
	[tilespmem:$0xB50] =	vst v63  }
0x8d: {  	_ =	swait.ge [sflag:s16], $0x80  }
0x8e: {  	[sflag:s16] =	ssyncset.done $0x0  }
0x8f: {  	[sflag:s16] =	ssyncadd.s32 $0xFFFFFF80  }
0x90: {  	v3 =	vld [tilespmem:$0xA90]  }
0x91: {  	v4 =	vld [tilespmem:$0xAA0]  }
0x92: {  	v5 =	vld [tilespmem:$0xAB0]  }
0x93: {  	v6 =	vld [tilespmem:$0xAC0]  }
0x94: {  	v7 =	vld [tilespmem:$0xAD0]  }
0x95: {  	v8 =	vld [tilespmem:$0xAE0]  }
0x96: {  	v3 =	vadd.s32 v3, v4;
	v4 =	vld [tilespmem:$0xAF0]  }
0x97: {  	v3 =	vadd.s32 v5, v3;
	v5 =	vld [tilespmem:$0xB00]  }
0x98: {  	v3 =	vadd.s32 v6, v3  }
0x99: {  	v3 =	vadd.s32 v7, v3  }
0x9a: {  	v3 =	vadd.s32 v8, v3  }
0x9b: {  	v3 =	vadd.s32 v4, v3  }
0x9c: {  	v3 =	vadd.s32 v5, v3  }
0x9d: {  	vm4 =	vgt.s32 v3, $0x7F  }
0x9e: {  	vm4 =	vmand vm4, vm3  }
0x9f: {  	v3 =	vsel vm4, $0x1, v0  }
0xa0: {  	(xrf0) =	vadd.scan.msk.s32 $0xffff, v3;
	_ =	sdelay $0x5  }
0xa1: {  	v3, _, _ =	vpop (xrf0)  }
0xa2: {  	(v2sf) =	vpush v3, $0xF;
	_ =	sdelay $0xe  }
0xa3: {  	s23 =	spop (v2sf)  }
0xa4: {  	s23 =	scvt.s32.f32 s23;
	_ =	sdelay $0x1  }
0xa5: {  	s23 =	smul.f32 $6.250000000e-02, s23;
	_ =	sdelay $0x1  }
0xa6: {  	s31 =	simm.s32 $0x0;
	s22 =	sadd.f32 s23, s22  }
0xa7: {  	v7 =	vld [tilespmem:s31+$0x30]  }
0xa8: {  	s24 =	sadd.f32 $1.562500000e-02, s22  }
0xa9: {  	v9 =	vld [tilespmem:s31+$0x20];
	s25 =	sadd.f32 $3.125000000e-02, s22  }
0xaa: {  	v10 =	vld [tilespmem:s31+$0x10];
	s26 =	sadd.f32 $4.687500000e-02, s22  }
0xab: {  	v11 =	vld [tilespmem:s31+$0x0];
	v6 =	vimm.s32 $0x0;
	v8 =	vimm.s32 $0x0;
	v3 =	vmov s24  }
0xac: {  	v4 =	vmov s25;
	v5 =	vmov s26;
	vm5 =	vge.f32 v7, v3  }
0xad: {  	s23 =	simm.s32 $0x100;
	vm6 =	vge.f32 v7, v4;
	vm4 =	vge.f32 v7, v5;
	v7 =	vimm.s32 $0x0  }
.LBB2_6:
0xae: {  	p0 =	sne.s32 s23, $0x2700;
	vm7 =	vge.f32 v9, v3;
	vm8 =	vge.f32 v9, v4;
	vm9 =	vge.f32 v9, v5  }
0xaf: {  	vm10 =	vge.f32 v10, v3;
	vm11 =	vge.f32 v10, v4;
	vm12 =	vge.f32 v10, v5  }
0xb0: {  	vm13 =	vge.f32 v11, v3;
	vm14 =	vge.f32 v11, v4;
	vm15 =	vge.f32 v11, v5  }
0xb1: {  	v12 =	vsel vm5, $0x1, v0;
	v13 =	vsel vm6, $0x1, v0;
	v14 =	vsel vm4, $0x1, v0  }
0xb2: {  	v15 =	vsel vm7, $0x1, v0;
	v16 =	vsel vm8, $0x1, v0;
	v17 =	vsel vm9, $0x1, v0  }
0xb3: {  	s24 =	sshra.s32 s23, $0x2;
	v11 =	vsel vm10, $0x1, v0;
	v18 =	vsel vm11, $0x1, v0;
	v19 =	vsel vm12, $0x1, v0  }
0xb4: {  	v10 =	vsel vm13, $0x1, v0;
	v21 =	vsel vm14, $0x1, v0;
	v22 =	vsel vm15, $0x1, v0;
	v20 =	vld [tilespmem:s24+$0x30]  }
.Ltmp2:
0xb5: {  	v6 =	vadd.s32 v10, v6;
	v8 =	vadd.s32 v21, v8;
	v7 =	vadd.s32 v22, v7;
	v9 =	vld [tilespmem:s24+$0x20];
	(pc) =	sbr.rel @p0 .LBB2_6-.Ltmp2, $4  }
0xb6: {  	v6 =	vadd.s32 v11, v6;
	v8 =	vadd.s32 v18, v8;
	v7 =	vadd.s32 v19, v7;
	v10 =	vld [tilespmem:s24+$0x10]  }
0xb7: {  	v6 =	vadd.s32 v15, v6;
	v8 =	vadd.s32 v16, v8;
	v7 =	vadd.s32 v17, v7;
	v11 =	vld [tilespmem:s24+$0x0]  }
0xb8: {  	v6 =	vadd.s32 v12, v6;
	v8 =	vadd.s32 v13, v8;
	v7 =	vadd.s32 v14, v7  }
0xb9: {  	s23 =	sadd.s32 $0x100, s23;
	vm5 =	vge.f32 v20, v3;
	vm6 =	vge.f32 v20, v4;
	vm4 =	vge.f32 v20, v5  }
0xba: {  	vm7 =	vge.f32 v9, v3;
	vm8 =	vge.f32 v9, v4  }
0xbb: {  	vm9 =	vge.f32 v9, v5;
	vm10 =	vge.f32 v10, v3;
	vm11 =	vge.f32 v10, v4  }
0xbc: {  	vm12 =	vge.f32 v10, v5;
	v9 =	vsel vm8, $0x1, v0;
	v10 =	vsel vm9, $0x1, v0  }
0xbd: {  	vm13 =	vge.f32 v11, v3;
	vm14 =	vge.f32 v11, v4;
	vm15 =	vge.f32 v11, v5  }
0xbe: {  	v3 =	vsel vm5, $0x1, v0;
	v4 =	vsel vm6, $0x1, v0;
	v5 =	vsel vm7, $0x1, v0  }
0xbf: {  	v11 =	vsel vm10, $0x1, v0;
	v12 =	vsel vm11, $0x1, v0;
	v13 =	vsel vm13, $0x1, v0  }
0xc0: {  	v14 =	vsel vm12, $0x1, v0;
	v15 =	vsel vm14, $0x1, v0;
	v6 =	vadd.s32 v13, v6  }
0xc1: {  	v63 =	vsel vm15, $0x1, v0;
	v8 =	vadd.s32 v15, v8;
	v6 =	vadd.s32 v11, v6  }
0xc2: {  	v7 =	vadd.s32 v63, v7;
	v8 =	vadd.s32 v12, v8;
	v5 =	vadd.s32 v5, v6  }
0xc3: {  	v6 =	vadd.s32 v14, v7;
	v7 =	vadd.s32 v9, v8;
	v3 =	vadd.s32 v3, v5  }
0xc4: {  	v5 =	vsel vm4, $0x1, v0;
	v6 =	vadd.s32 v10, v6;
	v4 =	vadd.s32 v4, v7;
	(xrf0) =	vadd.scan.msk.s32 $0xffff, v3  }
0xc5: {  	v3 =	vadd.s32 v5, v6;
	(xrf0) =	vadd.scan.msk.s32 $0xffff, v4  }
0xc6: {  	(xrf0) =	vadd.scan.msk.s32 $0xffff, v3;
	_ =	sdelay $0x3  }
0xc7: {  	v3, _, _ =	vpop (xrf0)  }
0xc8: {  	v4, _, _ =	vpop (xrf0)  }
0xc9: {  	v5, _, _ =	vpop (xrf0)  }
0xca: {  	v5 =	vbroadcast v5, $0xF  }
0xcb: {  	v4 =	vbroadcast v4, $0xF  }
0xcc: {  	v3 =	vbroadcast v3, $0xF;
	v5 =	vnsel vm0, $0x0, v5  }
0xcd: {  	v4 =	vsel vm1, v5, v4  }
0xce: {  	v3 =	vsel vm2, v4, v3  }
0xcf: {  	[tilespmem:$0xA80] =	vst v3  }
0xd0: {  	[spmem:s8] =	stream.linear.scatter [tilespmem:s17], [sflag:$0x1], $0x10, $0x38;
	[tilespmem:$0xB50] =	vst v63  }
0xd1: {  	_ =	swait.ge [sflag:s16], $0x10  }
0xd2: {  	[sflag:s16] =	ssyncset.done $0x0  }
0xd3: {  	[sflag:s16] =	ssyncadd.s32 $0xFFFFFFF0  }
0xd4: {  	[bflag:$0x0] =	sbarrier.arrive $0xFFFF  }
0xd5: {  	[tilespmem:s18], [sflag:$0x1] =	stream.linear.gather [spmem:s9], $0x80, $0x38;
	[tilespmem:$0xB50] =	vst v63  }
0xd6: {  	_ =	swait.ge [sflag:s16], $0x80  }
0xd7: {  	[sflag:s16] =	ssyncset.done $0x0  }
0xd8: {  	[sflag:s16] =	ssyncadd.s32 $0xFFFFFF80  }
0xd9: {  	v3 =	vld [tilespmem:$0xA90]  }
0xda: {  	v4 =	vld [tilespmem:$0xAA0]  }
0xdb: {  	v5 =	vld [tilespmem:$0xAB0]  }
0xdc: {  	v6 =	vld [tilespmem:$0xAC0]  }
0xdd: {  	v7 =	vld [tilespmem:$0xAD0]  }
0xde: {  	v8 =	vld [tilespmem:$0xAE0]  }
0xdf: {  	v3 =	vadd.s32 v3, v4;
	v4 =	vld [tilespmem:$0xAF0]  }
0xe0: {  	v3 =	vadd.s32 v5, v3;
	v5 =	vld [tilespmem:$0xB00]  }
0xe1: {  	v3 =	vadd.s32 v6, v3  }
0xe2: {  	v3 =	vadd.s32 v7, v3  }
0xe3: {  	v3 =	vadd.s32 v8, v3  }
0xe4: {  	v3 =	vadd.s32 v4, v3  }
0xe5: {  	v3 =	vadd.s32 v5, v3  }
0xe6: {  	vm4 =	vgt.s32 v3, $0x7F  }
0xe7: {  	vm4 =	vmand vm4, vm3  }
0xe8: {  	v3 =	vsel vm4, $0x1, v0  }
0xe9: {  	(xrf0) =	vadd.scan.msk.s32 $0xffff, v3;
	_ =	sdelay $0x5  }
0xea: {  	v3, _, _ =	vpop (xrf0)  }
0xeb: {  	(v2sf) =	vpush v3, $0xF;
	_ =	sdelay $0xe  }
0xec: {  	s23 =	spop (v2sf)  }
0xed: {  	s23 =	scvt.s32.f32 s23;
	_ =	sdelay $0x1  }
0xee: {  	s23 =	smul.f32 $1.562500000e-02, s23;
	_ =	sdelay $0x1  }
0xef: {  	s31 =	simm.s32 $0x0;
	s22 =	sadd.f32 s23, s22  }
0xf0: {  	v7 =	vld [tilespmem:s31+$0x30]  }
0xf1: {  	s24 =	sadd.f32 $3.906250000e-03, s22  }
0xf2: {  	v9 =	vld [tilespmem:s31+$0x20];
	s25 =	sadd.f32 $7.812500000e-03, s22  }
0xf3: {  	v10 =	vld [tilespmem:s31+$0x10];
	s26 =	sadd.f32 $1.171875000e-02, s22  }
0xf4: {  	v11 =	vld [tilespmem:s31+$0x0];
	v6 =	vimm.s32 $0x0;
	v8 =	vimm.s32 $0x0;
	v3 =	vmov s24  }
0xf5: {  	v4 =	vmov s25;
	v5 =	vmov s26;
	vm5 =	vge.f32 v7, v3  }
0xf6: {  	s23 =	simm.s32 $0x100;
	vm6 =	vge.f32 v7, v4;
	vm4 =	vge.f32 v7, v5;
	v7 =	vimm.s32 $0x0  }
.LBB2_8:
0xf7: {  	p0 =	sne.s32 s23, $0x2700;
	vm7 =	vge.f32 v9, v3;
	vm8 =	vge.f32 v9, v4;
	vm9 =	vge.f32 v9, v5  }
0xf8: {  	vm10 =	vge.f32 v10, v3;
	vm11 =	vge.f32 v10, v4;
	vm12 =	vge.f32 v10, v5  }
0xf9: {  	vm13 =	vge.f32 v11, v3;
	vm14 =	vge.f32 v11, v4;
	vm15 =	vge.f32 v11, v5  }
0xfa: {  	v12 =	vsel vm5, $0x1, v0;
	v13 =	vsel vm6, $0x1, v0;
	v14 =	vsel vm4, $0x1, v0  }
0xfb: {  	v15 =	vsel vm7, $0x1, v0;
	v16 =	vsel vm8, $0x1, v0;
	v17 =	vsel vm9, $0x1, v0  }
0xfc: {  	s24 =	sshra.s32 s23, $0x2;
	v11 =	vsel vm10, $0x1, v0;
	v18 =	vsel vm11, $0x1, v0;
	v19 =	vsel vm12, $0x1, v0  }
0xfd: {  	v10 =	vsel vm13, $0x1, v0;
	v21 =	vsel vm14, $0x1, v0;
	v22 =	vsel vm15, $0x1, v0;
	v20 =	vld [tilespmem:s24+$0x30]  }
.Ltmp3:
0xfe: {  	v6 =	vadd.s32 v10, v6;
	v8 =	vadd.s32 v21, v8;
	v7 =	vadd.s32 v22, v7;
	v9 =	vld [tilespmem:s24+$0x20];
	(pc) =	sbr.rel @p0 .LBB2_8-.Ltmp3, $4  }
0xff: {  	v6 =	vadd.s32 v11, v6;
	v8 =	vadd.s32 v18, v8;
	v7 =	vadd.s32 v19, v7;
	v10 =	vld [tilespmem:s24+$0x10]  }
0x100: {  	v6 =	vadd.s32 v15, v6;
	v8 =	vadd.s32 v16, v8;
	v7 =	vadd.s32 v17, v7;
	v11 =	vld [tilespmem:s24+$0x0]  }
0x101: {  	v6 =	vadd.s32 v12, v6;
	v8 =	vadd.s32 v13, v8;
	v7 =	vadd.s32 v14, v7  }
0x102: {  	s23 =	sadd.s32 $0x100, s23;
	vm5 =	vge.f32 v20, v3;
	vm6 =	vge.f32 v20, v4;
	vm4 =	vge.f32 v20, v5  }
0x103: {  	vm7 =	vge.f32 v9, v3;
	vm8 =	vge.f32 v9, v4  }
0x104: {  	vm9 =	vge.f32 v9, v5;
	vm10 =	vge.f32 v10, v3;
	vm11 =	vge.f32 v10, v4  }
0x105: {  	vm12 =	vge.f32 v10, v5;
	v54 =	vsel vm8, $0x1, v0;
	v55 =	vsel vm9, $0x1, v0  }
0x106: {  	vm13 =	vge.f32 v11, v3;
	vm14 =	vge.f32 v11, v4;
	vm15 =	vge.f32 v11, v5  }
0x107: {  	v3 =	vsel vm5, $0x1, v0;
	v4 =	vsel vm6, $0x1, v0;
	v5 =	vsel vm7, $0x1, v0  }
0x108: {  	v56 =	vsel vm10, $0x1, v0;
	v12 =	vsel vm11, $0x1, v0;
	v13 =	vsel vm13, $0x1, v0  }
0x109: {  	v14 =	vsel vm12, $0x1, v0;
	v15 =	vsel vm14, $0x1, v0;
	v6 =	vadd.s32 v13, v6  }
0x10a: {  	v57 =	vsel vm15, $0x1, v0;
	v8 =	vadd.s32 v15, v8;
	v6 =	vadd.s32 v56, v6  }
0x10b: {  	v7 =	vadd.s32 v57, v7;
	v8 =	vadd.s32 v12, v8;
	v5 =	vadd.s32 v5, v6  }
0x10c: {  	v58 =	vadd.s32 v14, v7;
	v59 =	vadd.s32 v54, v8;
	v3 =	vadd.s32 v3, v5  }
0x10d: {  	v6 =	vadd.s32 v55, v58;
	v5 =	vsel vm4, $0x1, v0;
	v4 =	vadd.s32 v4, v59;
	(xrf0) =	vadd.scan.msk.s32 $0xffff, v3  }
0x10e: {  	v3 =	vadd.s32 v5, v6;
	(xrf0) =	vadd.scan.msk.s32 $0xffff, v4  }
0x10f: {  	(xrf0) =	vadd.scan.msk.s32 $0xffff, v3;
	_ =	sdelay $0x3  }
0x110: {  	v3, _, _ =	vpop (xrf0)  }
0x111: {  	v4, _, _ =	vpop (xrf0)  }
0x112: {  	v5, _, _ =	vpop (xrf0)  }
0x113: {  	v5 =	vbroadcast v5, $0xF  }
0x114: {  	v4 =	vbroadcast v4, $0xF  }
0x115: {  	v3 =	vbroadcast v3, $0xF;
	v5 =	vnsel vm0, $0x0, v5  }
0x116: {  	v4 =	vsel vm1, v5, v4  }
0x117: {  	v3 =	vsel vm2, v4, v3  }
0x118: {  	[tilespmem:$0xA80] =	vst v3  }
0x119: {  	[spmem:s10] =	stream.linear.scatter [tilespmem:s17], [sflag:$0x1], $0x10, $0x38;
	[tilespmem:$0xB50] =	vst v63  }
0x11a: {  	_ =	swait.ge [sflag:s16], $0x10  }
0x11b: {  	[sflag:s16] =	ssyncset.done $0x0  }
0x11c: {  	[sflag:s16] =	ssyncadd.s32 $0xFFFFFFF0  }
0x11d: {  	[bflag:$0x0] =	sbarrier.arrive $0xFFFF  }
0x11e: {  	[tilespmem:s18], [sflag:$0x1] =	stream.linear.gather [spmem:s11], $0x80, $0x38;
	[tilespmem:$0xB50] =	vst v63  }
0x11f: {  	_ =	swait.ge [sflag:s16], $0x80  }
0x120: {  	[sflag:s16] =	ssyncset.done $0x0  }
0x121: {  	[sflag:s16] =	ssyncadd.s32 $0xFFFFFF80  }
0x122: {  	v3 =	vld [tilespmem:$0xA90]  }
0x123: {  	v4 =	vld [tilespmem:$0xAA0]  }
0x124: {  	v5 =	vld [tilespmem:$0xAB0]  }
0x125: {  	v60 =	vld [tilespmem:$0xAC0]  }
0x126: {  	v61 =	vld [tilespmem:$0xAD0]  }
0x127: {  	v62 =	vld [tilespmem:$0xAE0]  }
0x128: {  	v3 =	vadd.s32 v3, v4;
	v4 =	vld [tilespmem:$0xAF0]  }
0x129: {  	v3 =	vadd.s32 v5, v3;
	v5 =	vld [tilespmem:$0xB00]  }
0x12a: {  	v3 =	vadd.s32 v60, v3  }
0x12b: {  	v3 =	vadd.s32 v61, v3  }
0x12c: {  	v3 =	vadd.s32 v62, v3  }
0x12d: {  	v3 =	vadd.s32 v4, v3  }
0x12e: {  	v3 =	vadd.s32 v5, v3  }
0x12f: {  	vm4 =	vgt.s32 v3, $0x7F  }
0x130: {  	vm4 =	vmand vm4, vm3  }
0x131: {  	v3 =	vsel vm4, $0x1, v0  }
0x132: {  	(xrf0) =	vadd.scan.msk.s32 $0xffff, v3;
	_ =	sdelay $0x5  }
0x133: {  	v3, _, _ =	vpop (xrf0)  }
0x134: {  	(v2sf) =	vpush v3, $0xF;
	_ =	sdelay $0x9  }
0x135: {  	[tilespmem:$0xA00] =	vst v1  }
0x136: {  	[tilespmem:$0xA40] =	vst v0  }
0x137: {  	[tilespmem:$0xA10] =	vst v1  }
0x138: {  	[tilespmem:$0xA50] =	vst v0  }
0x139: {  	[tilespmem:$0xA20] =	vst v1  }
0x13a: {  	[tilespmem:$0xA60] =	vst v0;
	s23 =	spop (v2sf)  }
0x13b: {  	[tilespmem:$0xA30] =	vst v1;
	s23 =	scvt.s32.f32 s23  }
0x13c: {  	s24 =	simm.s32 $0x0;
	[tilespmem:$0xA70] =	vst v0  }
0x13d: {  	v4 =	vld [tilespmem:s24+$0x0];
	s23 =	smul.f32 $3.906250000e-03, s23;
	_ =	sdelay $0x1  }
0x13e: {  	s22 =	sadd.f32 s23, s22;
	_ =	sdelay $0x1  }
0x13f: {  	v3 =	vmov s22  }
0x140: {  	vm4 =	vge.f32 v4, v3  }
0x141: {  	v5 =	vsel vm4, $0x1, v0  }
0x142: {  	(xrf0) =	vadd.scan.msk.s32 $0xffff, v5;
	_ =	sdelay $0x4  }
0x143: {  	s22 =	simm.s32 $0x0;
	v5 =	vsel vm4, $0xFFFFFFFF, v0  }
0x144: {  	v5 =	vadd.s32 s22, v5;
	v63, _, _ =	vpop (xrf0)  }
0x145: {  	v5 =	vadd.s32 v63, v5;
	(v2sf) =	vpush v63, $0xF  }
0x146: {  	vm5 =	vlt.s32 v5, $0x40  }
0x147: {  	vm4 =	vmand vm4, vm5;
	_ =	sdelay $0x5  }
0x148: {  	[tilespmem:v5+s19+$0x0] =	vst.idx.msk vm4, v4;
	v4 =	vor.u32 s12, v2  }
0x149: {  	s25 =	simm.s32 $0x10;
	s24 =	simm.s32 $0x80;
	s23 =	smov.u32 s12;
	[tilespmem:v5+s20+$0x0] =	vst.idx.msk vm4, v4  }
.LBB2_10:
0x14a: {  	p0 =	sne.s32 s24, $0x27C0;
	v4 =	vld [tilespmem:s25+$0x0];
	_ =	sdelay $0x4  }
0x14b: {  	vm4 =	vge.f32 v4, v3;
	s25 =	spop (v2sf)  }
0x14c: {  	v5 =	vsel vm4, $0xFFFFFFFF, v0;
	v6 =	vsel vm4, $0x1, v0;
	s22 =	sadd.s32 s22, s25  }
0x14d: {  	v5 =	vadd.s32 s22, v5;
	(xrf0) =	vadd.scan.msk.s32 $0xffff, v6;
	_ =	sdelay $0x5  }
0x14e: {  	v6, _, _ =	vpop (xrf0)  }
0x14f: {  	v5 =	vadd.s32 v6, v5;
	(v2sf) =	vpush v6, $0xF  }
0x150: {  	vm5 =	vlt.s32 v5, $0x40  }
0x151: {  	vm4 =	vmand vm4, vm5;
	_ =	sdelay $0x2  }
.Ltmp4:
0x152: {  	(pc) =	sbr.rel @p0 .LBB2_10-.Ltmp4, $4  }
0x153: {  	_ = 	snop  }
0x154: {  	s23 =	sadd.s32 $0x10, s23  }
0x155: {  	[tilespmem:v5+s19+$0x0] =	vst.idx.msk vm4, v4;
	v4 =	vor.u32 s23, v2  }
0x156: {  	s25 =	sshra.s32 s24, $0x2;
	s24 =	sadd.s32 $0x40, s24;
	[tilespmem:v5+s20+$0x0] =	vst.idx.msk vm4, v4  }
0x157: {  	v4 =	vld [tilespmem:s25+$0x0];
	_ =	sdelay $0x4  }
0x158: {  	vm4 =	vge.f32 v4, v3  }
0x159: {  	v3 =	vsel vm4, $0x1, v0  }
0x15a: {  	(xrf0) =	vadd.scan.msk.s32 $0xffff, v3;
	_ =	sdelay $0x5  }
0x15b: {  	v3, _, _ =	vpop (xrf0)  }
0x15c: {  	(v2sf) =	vpush v3, $0xF  }
0x15d: {  	s24 =	spop (v2sf)  }
0x15e: {  	v5 =	vsel vm4, $0xFFFFFFFF, v0;
	s22 =	sadd.s32 s22, s24  }
0x15f: {  	v5 =	vadd.s32 s22, v5  }
0x160: {  	v3 =	vadd.s32 v3, v5  }
0x161: {  	vm5 =	vlt.s32 v3, $0x40  }
0x162: {  	vm4 =	vmand vm4, vm5;
	_ =	sdelay $0x4  }
0x163: {  	s30 =	sadd.s32 $0x10, s23  }
0x164: {  	v63 =	vor.u32 s30, v2;
	[tilespmem:v3+s19+$0x0] =	vst.idx.msk vm4, v4  }
0x165: {  	[tilespmem:v3+s20+$0x0] =	vst.idx.msk vm4, v63  }
0x166: {  	[hbm4b:s13+s2] =	stream.linear.scatter [tilespmem:s19], [sflag:$0x1], $0x40, $0x38;
	[tilespmem:$0xB50] =	vst v63  }
0x167: {  	s31 =	spop (v2sf)  }
0x168: {  	s21 =	sadd.s32 $0x1, s21;
	_ =	swait.ge [sflag:s16], $0x40  }
0x169: {  	p0 =	sne.s32 s21, s15;
	[sflag:s16] =	ssyncset.done $0x0  }
.Ltmp5:
0x16a: {  	[sflag:s16] =	ssyncadd.s32 $0xFFFFFFC0;
	(pc) =	sbr.rel @p0 .LBB2_1-.Ltmp5, $4  }
0x16b: {  	[hbm4b:s14+s2] =	stream.linear.scatter [tilespmem:s20], [sflag:$0x1], $0x40, $0x38;
	[tilespmem:$0xB50] =	vst v63  }
0x16c: {  	_ =	swait.ge [sflag:s16], $0x40  }
0x16d: {  	[sflag:s16] =	ssyncset.done $0x0  }
0x16e: {  	[sflag:s16] =	ssyncadd.s32 $0xFFFFFFC0  }
0x16f: {  	_ =	sfence.sel $0x180000  }
0x170: {  	[bflag:$0x0] =	sbarrier.arrive $0xFFFF  }
0x171: {  	p0 =	sne.s32 s1, $0x0;
	_ =	strace $0x90000047  }
0x172: {  	s0 =	sadd.s32 @!p0 $0x100000, s0;
	[bflag:$0x2] =	sbarrier.arrive $0xFFFF  }
0x173: {  	[sflag:s0] =	ssyncadd.tile.s32 @!p0 $0x1;
	_ =	shalt  }
.Lfunc_end2:
_tile_overlayer_lowered:
.L_overlay_start_2:
0x174: {  	(tag) =	ssettag $0x2  }
0x175: {  	s0 =	rddreg [dreg:$0x0];
	s2 =	stileid.u32  }
0x176: {  	s1 =	rddreg [dreg:$0x1];
	p0 =	sne.s32 s2, $0x0  }
0x177: {  	s3 =	rddreg [dreg:$0x2];
	[bflag:$0x3] =	sbarrier.arrive $0xFFFF;
	s2 =	simm.s32 @!p0 $0x1C01  }
0x178: {  	[timem:s3], [sflag:s2] =	dma.local @!p0 [hbm:s0], s1  }
0x179: {  	s0 =	simm.s32 @!p0 $0x1  }
0x17a: {  	_ =	swait.ge @!p0 [sflag:s0], s1  }
0x17b: {  	s1 =	ssub.s32 @!p0 $0x0, s1;
	[sflag:s0] =	ssyncset.done @!p0 $0x0  }
0x17c: {  	[sflag:s0] =	ssyncadd.s32 @!p0 s1  }
0x17d: {  	[bflag:$0x3] =	sbarrier.arrive $0xFFFF  }
0x17e: {  	_ =	shalt  }

// kernel: kernel.9.cloned.1.call-start
scs
__scs_entry_jumppad:
0x0: {  	(pc) =	sbr.rel $0x88, $3  }
0x1: {  	(tag) =	ssettag $0x0;
	lr =	simm.s32 $0x1  }
0x2: {  	[smem:$0x3F9E] =	sst lr;
	_ =	strace $0xD0000000  }
0x3: {  	_ = 	snop  }
0x4: {  	_ = 	snop  }
0x5: {  	_ = 	snop  }
0x6: {  	_ = 	snop  }
0x7: {  	_ = 	snop  }
__scs_overlays_trampoline_lowered:
0x8: {  	[smem:$0x3FAD] =	sst s0  }
0x9: {  	[smem:$0x3FAE] =	sst s1  }
0xa: {  	[smem:$0x3FAF] =	sst s2  }
0xb: {  	[smem:$0x3FB0] =	sst s3  }
0xc: {  	[smem:$0x3FB1] =	sst s4  }
0xd: {  	[smem:$0x3FB2] =	sst s5  }
0xe: {  	[smem:$0x3FB3] =	sst s6  }
0xf: {  	[smem:$0x3FB4] =	sst s7  }
0x10: {  	[smem:$0x3FB5] =	sst s8  }
0x11: {  	[smem:$0x3FB6] =	sst s9;
	s0 =	simm.s32 @!p0 $0x0  }
0x12: {  	s1 =	sld [smem:$0x3F9C];
	s0 =	simm.s32 @p0 $0x1  }
0x13: {  	[smem:$0x3FB7] =	sst s0;
	s0 =	simm.s32 @!p1 $0x0  }
0x14: {  	s2 =	sld [smem:$0x3F9B];
	s0 =	simm.s32 @p1 $0x1  }
0x15: {  	[smem:$0x3FB8] =	sst s0;
	s0 =	simm.s32 @!p2 $0x0  }
0x16: {  	s3 =	sld [smem:$0x3FDB];
	s0 =	simm.s32 @p2 $0x1  }
0x17: {  	s4 =	simm.s32 $0x1BF5;
	[smem:$0x3FBA] =	sst s0  }
0x18: {  	s0 =	sld [smem:$0x3F9D];
	_ =	swait.ge [sflag:s4], $0x0  }
0x19: {  	s7 =	sld [smem:$0x3F9E]  }
0x1a: {  	s8 =	sadd.s32 $0xFFFFE003, lr  }
0x1b: {  	s9 =	sadd.s32 $0xFFFFFEF7, lr;
	s5 =	simm.s32 $0xFFFFFFFF;
	p2 =	slt.u32 s8, $0xFFFFF086  }
0x1c: {  	p1 =	slt.u32 s9, $0xF7A;
	s5 =	simm.s32 @!p2 $0x0  }
0x1d: {  	s5 =	simm.s32 @p1 $0x1;
	p0 =	seq.s32 s7, s2  }
0x1e: {  	s7 =	smul.u32 @!p0 $0xF7A, s2;
	p2 =	seq.s32 @!p0 s5, $0x0  }
0x1f: {  	s9 =	smul.u32 $0xF7A, s1;
	s8 =	simm.s32 @!p0 $0x1BF5;
	p2 =	por !p2, p0  }
0x20: {  	[sflag:s8] =	ssyncset.s32 @!p0 $0xFFFFF086;
	s6 =	sadd.s32 @!p0 s3, s7;
	s7 =	simm.s32 @!p0 $0x108  }
0x21: {  	s3 =	sadd.s32 s3, s9;
	s6 =	sadd.s32 @!p0 $0x88, s6;
	s7 =	simm.s32 @p2 $0x1082  }
0x22: {  	[simem:s7], [sflag:s8] =	dma.local @!p0 [hbm:s6], $0xF7A  }
0x23: {  	s9 =	sor.u32 $0xD0000000, s2;
	s6 =	simm.s32 $0x108;
	_ =	swait.ge @!p0 [sflag:s8], $0x0  }
0x24: {  	s3 =	sadd.s32 $0x88, s3;
	s6 =	simm.s32 @!p1 $0x1082;
	[sflag:s4] =	ssyncset.s32 $0xFFFFF086  }
0x25: {  	[simem:s6], [sflag:s4] =	dma.local [hbm:s3], $0xF7A  }
0x26: {  	[smem:$0x3F9E] =	sst s1;
	(tag) =	ssettag s2;
	_ =	strace s9  }
0x27: {  	s1 =	sld [smem:$0x3FAE]  }
0x28: {  	s2 =	sld [smem:$0x3FAF]  }
0x29: {  	s4 =	sld [smem:$0x3FB1]  }
0x2a: {  	p0 =	seq.s32 s5, $0x0;
	s5 =	sld [smem:$0x3FB2]  }
0x2b: {  	s6 =	sld [smem:$0x3FB3]  }
0x2c: {  	s7 =	sld [smem:$0x3FB4]  }
0x2d: {  	s3 =	simm.s32 $0x108;
	s8 =	sld [smem:$0x3FB5]  }
0x2e: {  	s3 =	simm.s32 @!p0 $0x1082;
	s9 =	sld [smem:$0x3FB6]  }
0x2f: {  	lr =	sadd.s32 s0, s3;
	s0 =	sld [smem:$0x3FAD]  }
0x30: {  	s3 =	sld [smem:$0x3FB0]  }
0x31: {  	[smem:$0x3FB9] =	sst s10  }
0x32: {  	s10 =	sld [smem:$0x3FB7];
	_ =	sdelay $0x3  }
0x33: {  	p0 =	seq.s32 s10, $0x1;
	s10 =	sld [smem:$0x3FB9];
	_ =	sdelay $0x3  }
0x34: {  	[smem:$0x3FB9] =	sst s10  }
0x35: {  	s10 =	sld [smem:$0x3FB8];
	_ =	sdelay $0x3  }
0x36: {  	p1 =	seq.s32 s10, $0x1;
	s10 =	sld [smem:$0x3FB9];
	_ =	sdelay $0x3  }
0x37: {  	[smem:$0x3FB9] =	sst s10  }
0x38: {  	s10 =	sld [smem:$0x3FBA]  }
0x39: {  	_ = 	snop;
	(pc) =	sbr.ind lr, $3  }
0x3a: {  	_ = 	snop  }
0x3b: {  	_ = 	snop  }
0x3c: {  	p2 =	seq.s32 s10, $0x1;
	s10 =	sld [smem:$0x3FB9]  }
0x3d: {  	_ =	shalt  }
0x3e: {  	_ =	shalt  }
0x3f: {  	_ =	shalt  }
0x40: {  	_ =	shalt  }
0x41: {  	_ =	shalt  }
0x42: {  	_ =	shalt  }
0x43: {  	_ =	shalt  }
0x44: {  	_ =	shalt  }
0x45: {  	_ =	shalt  }
0x46: {  	_ =	shalt  }
0x47: {  	_ =	shalt  }
0x48: {  	_ =	shalt  }
0x49: {  	_ =	shalt  }
0x4a: {  	_ =	shalt  }
0x4b: {  	_ =	shalt  }
0x4c: {  	_ =	shalt  }
0x4d: {  	_ =	shalt  }
0x4e: {  	_ =	shalt  }
0x4f: {  	_ =	shalt  }
0x50: {  	_ =	shalt  }
0x51: {  	_ =	shalt  }
0x52: {  	_ =	shalt  }
0x53: {  	_ =	shalt  }
0x54: {  	_ =	shalt  }
0x55: {  	_ =	shalt  }
0x56: {  	_ =	shalt  }
0x57: {  	_ =	shalt  }
0x58: {  	_ =	shalt  }
0x59: {  	_ =	shalt  }
0x5a: {  	_ =	shalt  }
0x5b: {  	_ =	shalt  }
0x5c: {  	_ =	shalt  }
0x5d: {  	_ =	shalt  }
0x5e: {  	_ =	shalt  }
0x5f: {  	_ =	shalt  }
0x60: {  	_ =	shalt  }
0x61: {  	_ =	shalt  }
0x62: {  	_ =	shalt  }
0x63: {  	_ =	shalt  }
0x64: {  	_ =	shalt  }
0x65: {  	_ =	shalt  }
0x66: {  	_ =	shalt  }
0x67: {  	_ =	shalt  }
0x68: {  	_ =	shalt  }
0x69: {  	_ =	shalt  }
0x6a: {  	_ =	shalt  }
0x6b: {  	_ =	shalt  }
0x6c: {  	_ =	shalt  }
0x6d: {  	_ =	shalt  }
0x6e: {  	_ =	shalt  }
0x6f: {  	_ =	shalt  }
0x70: {  	_ =	shalt  }
0x71: {  	_ =	shalt  }
0x72: {  	_ =	shalt  }
0x73: {  	_ =	shalt  }
0x74: {  	_ =	shalt  }
0x75: {  	_ =	shalt  }
0x76: {  	_ =	shalt  }
0x77: {  	_ =	shalt  }
0x78: {  	_ =	shalt  }
0x79: {  	_ =	shalt  }
0x7a: {  	_ =	shalt  }
0x7b: {  	_ =	shalt  }
0x7c: {  	_ =	shalt  }
0x7d: {  	_ =	shalt  }
0x7e: {  	_ =	shalt  }
0x7f: {  	_ =	shalt  }
0x80: {  	_ =	shalt  }
0x81: {  	_ =	shalt  }
0x82: {  	_ =	shalt  }
0x83: {  	_ =	shalt  }
0x84: {  	_ =	shalt  }
0x85: {  	_ =	shalt  }
0x86: {  	_ =	shalt  }
0x87: {  	_ =	shalt  }
.Lfunc_end0:
.L_simem_size_0:
called_computation.1_lowered:
.L_overlay_start_0:
0x88: {  	s2 =	sld [smem:$0x3FD9]  }
0x89: {  	s3 =	sld [smem:$0x3FFE];
	_ =	sdelay $0x1  }
0x8a: {  	s1 =	srdreg.scid  }
0x8b: {  	s0 =	sand.u32 $0x1, s1  }
0x8c: {  	s14 =	sshll.u32 s0, $0xA;
	s2 =	sadd.s32 s3, s2  }
0x8d: {  	s2 =	sadd.s32 s2, s14  }
0x8e: {  	[smem:$0x3FC5] =	sst s2  }
0x8f: {  	_ = 	snop  }
0x90: {  	s2 =	sld [smem:$0x3FD0];
	_ =	sdelay $0x2  }
0x91: {  	s15 =	simm.s32 $0xA;
	s4 =	simm.s32 $0x10  }
0x92: {  	[smem:s4], [sflag:s15] =	dma.local [hbm:s2], $0x1  }
0x93: {  	_ =	swait.eq [sflag:s15], $0x1  }
0x94: {  	s16 =	sld [smem:$0x11];
	[sflag:s15] =	ssyncset.done $0x0  }
0x95: {  	s17 =	sld [smem:$0x12];
	[sflag:s15] =	ssyncadd.s32 $0xFFFFFFFF  }
0x96: {  	s18 =	sld [smem:$0x14];
	(tm) =	ssettm $0x1  }
0x97: {  	s5 =	sld [smem:$0x3FFB];
	_ =	sdelay $0x3  }
0x98: {  	_ =	strace s5  }
0x99: {  	s5 =	sld [smem:$0x3FFC];
	_ =	sdelay $0x3  }
0x9a: {  	_ =	strace s5  }
0x9b: {  	s5 =	sld [smem:$0x3FFD];
	_ =	sdelay $0x3  }
0x9c: {  	_ =	strace s5  }
0x9d: {  	_ =	strace $0x8FFFFFFF  }
0x9e: {  	s19 =	sld [smem:$0x3FDB];
	_ =	sdelay $0x1  }
0x9f: {  	s6 =	simm.s32 $_scs_section_size  }
0xa0: {  	s7 =	simm.s32 $_size__tile_overlayer_lowered;
	s8 =	simm.s32 $_tile_overlayer_lowered  }
0xa1: {  	s22 =	simm.s32 $0x1BFF;
	s21 =	sshll.u32 s8, $0x1;
	s5 =	sadd.s32 s6, s19  }
0xa2: {  	s9 =	simm.s32 $0x0;
	s20 =	sshll.u32 s7, $0x1;
	s7 =	sadd.s32 s21, s5  }
0xa3: {  	[timem:s9], [sflag:s22] =	dma.local [hbm:s7], s20  }
0xa4: {  	_ =	swait.ge [sflag:s22], s20  }
0xa5: {  	s6 =	ssub.s32 $0x0, s20;
	[sflag:s22] =	ssyncset.done $0x0  }
0xa6: {  	[sflag:s22] =	ssyncadd.s32 s6;
	_ =	sdelay $0x1  }
0xa7: {  	s23 =	simm.s32 $0x1B8B  }
0xa8: {  	_ =	swait.ge [sflag:s23], $0x1  }
0xa9: {  	[sflag:s23] =	ssyncset.done $0x0  }
0xaa: {  	s25 =	simm.s32 $0x1B8E;
	s24 =	sld [smem:$0x3FFE];
	[sflag:s23] =	ssyncadd.s32 $0xFFFFFFFF  }
0xab: {  	s26 =	simm.s32 $execute0_lowered;
	[smem:$0x3FD2] =	sst s25  }
0xac: {  	s7 =	sshll.u32 s26, $0x1;
	_ =	strace $0x80000049;
	[dreg:$0x1] =	wrdreg $0xFFFFFFFF  }
0xad: {  	s28 =	simm.s32 $_size_execute0_lowered;
	s5 =	sadd.s32 s5, s7;
	[dreg:$0x0] =	wrdreg $0x0  }
0xae: {  	s7 =	sshll.u32 s28, $0x1;
	[dreg:$0x2] =	wrdreg s5  }
0xaf: {  	[dreg:$0x3] =	wrdreg s7  }
0xb0: {  	[dreg:$0x4] =	wrdreg $0xC0  }
0xb1: {  	_ =	task [dreg:s9], $0x5FFFF  }
0xb2: {  	[dreg:$0x1] =	wrdreg $0xFFFFFFFF  }
0xb3: {  	[dreg:$0x0] =	wrdreg $0x60  }
0xb4: {  	[dreg:$0x2] =	wrdreg s24  }
0xb5: {  	[dreg:$0x3] =	wrdreg s18  }
0xb6: {  	[dreg:$0x4] =	wrdreg s17  }
0xb7: {  	[dreg:$0x5] =	wrdreg s16  }
0xb8: {  	[dreg:$0x6] =	wrdreg $0x9  }
0xb9: {  	_ =	task.clear_ibuf [dreg:s9], $0x7FFFF;
	_ =	strace $0x90000049  }
0xba: {  	s29 =	simm.s32 $0x9;
	_ =	strace $0x8000004B  }
0xbb: {  	_ =	swait.ge [sflag:s29], $0x1  }
0xbc: {  	[sflag:s29] =	ssyncadd.s32 $0xFFFFFFFF  }
0xbd: {  	_ =	strace $0x9000004B  }
0xbe: {  	_ =	sfence  }
0xbf: {  	s30 =	sld [smem:$0x0];
	_ =	sdelay $0x2  }
0xc0: {  	s31 =	sshll.u32 s1, $0xD;
	s1 =	sshrl.u32 s1, $0x2  }
0xc1: {  	s3 =	sand.u32 $0x4000, s31;
	s1 =	sadd.s32 s1, s30  }
0xc2: {  	s0 =	sor.u32 s3, s0;
	s1 =	sshll.u32 s1, $0x11  }
0xc3: {  	s0 =	sor.u32 s1, s0  }
0xc4: {  	s0 =	sadd.s32 $0x8F2B, s0  }
0xc5: {  	[sflag:s0] =	ssyncadd.remote.s32 $0x1  }
0xc6: {  	_ =	sfence.sel $0xFFFF  }
0xc7: {  	[dreg:$0x0] =	wrdreg $0xFFFFFFFF;
	(pc) =	sbr.abs _section_cstart, $3  }
0xc8: {  	[dreg:$0x1] =	wrdreg $0xFFFFFFFF  }
0xc9: {  	_ =	task.clear_ibuf [dreg:s9], $0x2FFFF;
	_ =	strace $0x9FFFFFFF  }
0xca: {  	(tm) =	ssettm $0x7FFFFFFF  }
0xcb: {  	_ =	shalt  }
tec
execute0_lowered:
.L_overlay_start_1:
0x0: {  	(tag) =	ssettag $0x1  }
0x1: {  	v0 =	vimm.s32 $0x23222120;
	v2 =	vimm.s32 $0x3020100;
	v3 =	vimm.s32 $0x13121110  }
0x2: {  	vm0 =	vcmask $0x1F10;
	v5 =	vimm.s32 $0xA3A2A1A0;
	v6 =	vimm.s32 $0xB3B2B1B0  }
0x3: {  	s0 =	srdreg.scid;
	v7 =	vimm.s32 $0x83828180;
	v1 =	vunpack.c.0.s8.s32 v0;
	v0 =	vimm.s32 $0x33323130  }
0x4: {  	s3 =	sand.u32 $0x1, s0;
	v2 =	vunpack.c.0.s8.s32 v2;
	v3 =	vunpack.c.0.s8.s32 v3;
	v4 =	vunpack.c.0.s8.s32 v0  }
0x5: {  	v8 =	vimm.s32 $0x93929190;
	v10 =	vimm.s32 $0xD3D2D1D0;
	v11 =	vimm.s32 $0x53525150;
	s0 =	stileid.u32;
	s1 =	sshll.u32 s3, $0x4  }
0x6: {  	s4 =	rddreg [dreg:$0x0];
	v5 =	vunpack.c.0.s8.s32 v5;
	s30 =	sand.u32 $0x7, s0;
	s7 =	sor.u32 s0, s1;
	v2 =	vsel vm0, v3, v2;
	v1 =	vsel vm0, v4, v1  }
0x7: {  	s5 =	rddreg [dreg:$0x1];
	p1 =	sne.s32 s30, $0x0;
	p0 =	seq.s32 s7, $0x0;
	v4 =	vimm.s32 $0x73727170;
	v1 =	vcombine.low v2, v1;
	v2 =	vimm.s32 $0x63626160  }
0x8: {  	s8 =	rddreg [dreg:$0x2];
	v6 =	vunpack.c.0.s8.s32 v6;
	p0 =	por !p1, !p0;
	v4 =	vunpack.c.0.s8.s32 v4;
	v2 =	vunpack.c.0.s8.s32 v2  }
0x9: {  	s9 =	rddreg [dreg:$0x3];
	v10 =	vunpack.c.0.s8.s32 v10;
	v11 =	vunpack.c.0.s8.s32 v11;
	s1 =	simm.s32 $0x1;
	v3 =	vlaneseq.u32;
	p0 =	por !p0, !p0  }
0xa: {  	s13 =	simm.s32 $0x220;
	s2 =	sshrl.u32 s7, $0x3;
	s1 =	simm.s32 @!p0 $0x0;
	v9 =	vsel vm0, v4, v2;
	v2 =	vunpack.c.0.s8.s32 v7;
	v4 =	vunpack.c.0.s8.s32 v8  }
0xb: {  	s14 =	simm.s32 $0x2;
	s15 =	simm.s32 $0x320;
	v5 =	vsel vm0, v6, v5;
	v6 =	vimm.s32 $0xE3E2E1E0;
	s1 =	ssub.s32 s2, s1;
	v8 =	vimm.s32 $0xC3C2C1C0  }
0xc: {  	s6 =	ssub.s32 $0x2, s3;
	s3 =	sadd.s32 $0x13CC00, s4;
	s1 =	smul.u32 $0x4E20, s1;
	v4 =	vsel vm0, v4, v2;
	v2 =	vunpack.c.0.s8.s32 v6;
	v6 =	vimm.s32 $0xF3F2F1F0  }
0xd: {  	s4 =	sadd.s32 $0x18AE00, s4;
	s10 =	sshrl.u32 s6, $0x1;
	s11 =	sshll.u32 s7, $0x1;
	v7 =	vimm.s32 $0x43424140;
	v8 =	vunpack.c.0.s8.s32 v8;
	v6 =	vunpack.c.0.s8.s32 v6  }
0xe: {  	s10 =	ssub.s32 s6, s10;
	s6 =	simm.s32 $0x1;
	s31 =	sshll.u32 s7, $0x6;
	v3 =	vshrl.u32 v3, $0x2;
	v7 =	vunpack.c.0.s8.s32 v7;
	v0 =	vmov s1  }
0xf: {  	s12 =	sshll.u32 s7, $0x3;
	s5 =	sadd.s32 s5, s11;
	s7 =	sadd.s32 s8, s31;
	v8 =	vsel vm0, v10, v8;
	v10 =	vcombine.low v4, v5;
	v6 =	vsel vm0, v6, v2  }
0x10: {  	s8 =	sadd.s32 s9, s12;
	s9 =	smax.u32 s10, $0x1;
	s2 =	simm.s32 $0x0;
	v7 =	vsel vm0, v11, v7;
	v4 =	vor.u32 $0x4, v3;
	v11 =	vcombine.low v8, v6  }
0x11: {  	s10 =	simm.s32 $0x3;
	s11 =	simm.s32 $0x10;
	[smem:$0x7FF] =	sst s2;
	v5 =	vcombine.low v7, v9;
	v2 =	vimm.s32 $0x0;
	v7 =	vand.u32 $0xFF, v10  }
0x12: {  	s12 =	simm.s32 $0x20;
	s1 =	rddreg [dreg:$0x4];
	_ =	strace $0x8000004A;
	v6 =	vor.u32 $0x8, v3;
	v8 =	vor.u32 $0xC, v3;
	v9 =	vand.u32 $0xFF, v11  }
.LBB2_1:
0x13: {  	[tilespmem:s2], [sflag:$0x3] =	stream.linear.gather [hbm4b:s5+s2], $0x10, $0x38;
	[tilespmem:$0x360] =	vst v63  }
0x14: {  	_ =	swait.ge [sflag:s10], $0x10  }
0x15: {  	[sflag:s10] =	ssyncset.done $0x0  }
0x16: {  	[sflag:s10] =	ssyncadd.s32 $0xFFFFFFF0  }
0x17: {  	v10 =	vld [tilespmem:$0x0];
	_ =	sdelay $0x4  }
0x18: {  	v10 =	vadd.s32 v0, v10  }
0x19: {  	[tilespmem:$0x0] =	vst v10  }
0x1a: {  	[tilespmem:s12], [sflag:$0x1] =	stream.indirect.gather [hbm4b:s3+s11], $0x20, s2, s11, $0xb8;
	[tilespmem:$0x360] =	vst v63  }
0x1b: {  	v10 =	vld [tilespmem:$0x0];
	_ =	sdelay $0x4  }
0x1c: {  	v11 =	vshra.s32 v10, $0x1F;
	v12 =	vand.u32 $0x3, v10  }
0x1d: {  	vm1 =	vlt.s32 v10, $0x1;
	vm0 =	vne.s32 v12, $0x0;
	v11 =	vshrl.u32 v11, $0x1E  }
0x1e: {  	v10 =	vadd.s32 v11, v10;
	vm0 =	vmand vm1, vm0  }
0x1f: {  	v10 =	vshra.s32 v10, $0x2;
	v11 =	vsel vm0, $0xFFFFFFFF, v2  }
0x20: {  	v10 =	vadd.s32 v11, v10  }
0x21: {  	[tilespmem:$0x10] =	vst v10  }
0x22: {  	[tilespmem:s13], [sflag:$0x2] =	stream.indirect.gather [hbm4b:s4+s11], $0x10, s11, s11, $0xb8;
	[tilespmem:$0x360] =	vst v63  }
0x23: {  	_ =	swait.ge [sflag:s6], $0x200  }
0x24: {  	[sflag:s6] =	ssyncset.done $0x0  }
0x25: {  	[sflag:s6] =	ssyncadd.s32 $0xFFFFFE00  }
0x26: {  	[hbm4b:s7+s2] =	stream.linear.scatter [tilespmem:s12], [sflag:$0x3], $0x200, $0x38;
	[tilespmem:$0x360] =	vst v63  }
0x27: {  	_ =	swait.ge [sflag:s10], $0x200  }
0x28: {  	[sflag:s10] =	ssyncset.done $0x0  }
0x29: {  	[sflag:s10] =	ssyncadd.s32 $0xFFFFFE00  }
0x2a: {  	_ =	swait.ge [sflag:s14], $0x100  }
0x2b: {  	[sflag:s14] =	ssyncset.done $0x0  }
0x2c: {  	[sflag:s14] =	ssyncadd.s32 $0xFFFFFF00  }
0x2d: {  	v10 =	vld.idx.msk [tilespmem:v3+s2+$0x0], $0xffff;
	_ =	sdelay $0x4  }
0x2e: {  	v10 =	vshll.u32 v10, $0x2  }
0x2f: {  	v10 =	vand.u32 $0xF, v10  }
0x30: {  	v10 =	vor.u32 v1, v10;
	_ =	sdelay $0x4  }
0x31: {  	v10 =	vld.idx.msk [tilespmem:v10+s13+$0x0], $0xffff;
	_ =	sdelay $0x4  }
0x32: {  	[tilespmem:$0x320] =	vst v10  }
0x33: {  	v10 =	vld.idx.msk [tilespmem:v4+s2+$0x0], $0xffff;
	_ =	sdelay $0x4  }
0x34: {  	v10 =	vshll.u32 v10, $0x2  }
0x35: {  	v10 =	vand.u32 $0xF, v10  }
0x36: {  	v10 =	vor.u32 v5, v10;
	_ =	sdelay $0x4  }
0x37: {  	v10 =	vld.idx.msk [tilespmem:v10+s13+$0x0], $0xffff;
	_ =	sdelay $0x4  }
0x38: {  	[tilespmem:$0x330] =	vst v10  }
0x39: {  	v10 =	vld.idx.msk [tilespmem:v6+s2+$0x0], $0xffff;
	_ =	sdelay $0x4  }
0x3a: {  	v10 =	vshll.u32 v10, $0x2  }
0x3b: {  	v10 =	vand.u32 $0xF, v10  }
0x3c: {  	v10 =	vor.u32 v7, v10;
	_ =	sdelay $0x4  }
0x3d: {  	v10 =	vld.idx.msk [tilespmem:v10+s13+$0x0], $0xffff;
	_ =	sdelay $0x4  }
0x3e: {  	[tilespmem:$0x340] =	vst v10  }
0x3f: {  	v10 =	vld.idx.msk [tilespmem:v8+s2+$0x0], $0xffff;
	_ =	sdelay $0x4  }
0x40: {  	v10 =	vshll.u32 v10, $0x2  }
0x41: {  	v10 =	vand.u32 $0xF, v10  }
0x42: {  	v10 =	vor.u32 v9, v10;
	_ =	sdelay $0x4  }
0x43: {  	v10 =	vld.idx.msk [tilespmem:v10+s13+$0x0], $0xffff;
	_ =	sdelay $0x3  }
0x44: {  	p0 =	sne.s32 s9, $0x1  }
.Ltmp0:
0x45: {  	[tilespmem:$0x350] =	vst v10;
	(pc) =	sbr.rel @p0 .LBB2_1-.Ltmp0, $4  }
0x46: {  	[hbm4b:s8+s2] =	stream.linear.scatter [tilespmem:s15], [sflag:$0x3], $0x40, $0x38;
	[tilespmem:$0x360] =	vst v63  }
0x47: {  	_ =	swait.ge [sflag:s10], $0x40  }
0x48: {  	[sflag:s10] =	ssyncset.done $0x0  }
0x49: {  	s9 =	sadd.s32 $0xFFFFFFFF, s9;
	[sflag:s10] =	ssyncadd.s32 $0xFFFFFFC0  }
0x4a: {  	_ =	sfence.sel $0x180000  }
0x4b: {  	[bflag:$0x0] =	sbarrier.arrive $0xFFFF  }
0x4c: {  	p0 =	sne.s32 s0, $0x0;
	_ =	strace $0x9000004A  }
0x4d: {  	s0 =	sadd.s32 @!p0 $0x100000, s1;
	[bflag:$0x2] =	sbarrier.arrive $0xFFFF  }
0x4e: {  	[sflag:s0] =	ssyncadd.tile.s32 @!p0 $0x1;
	_ =	shalt  }
.Lfunc_end2:
_tile_overlayer_lowered:
.L_overlay_start_2:
0x4f: {  	(tag) =	ssettag $0x2  }
0x50: {  	s0 =	rddreg [dreg:$0x0];
	s2 =	stileid.u32  }
0x51: {  	s1 =	rddreg [dreg:$0x1];
	p0 =	sne.s32 s2, $0x0  }
0x52: {  	s3 =	rddreg [dreg:$0x2];
	[bflag:$0x3] =	sbarrier.arrive $0xFFFF;
	s2 =	simm.s32 @!p0 $0x1C03  }
0x53: {  	[timem:s3], [sflag:s2] =	dma.local @!p0 [hbm:s0], s1  }
0x54: {  	s0 =	simm.s32 @!p0 $0x3  }
0x55: {  	_ =	swait.ge @!p0 [sflag:s0], s1  }
0x56: {  	s1 =	ssub.s32 @!p0 $0x0, s1;
	[sflag:s0] =	ssyncset.done @!p0 $0x0  }
0x57: {  	[sflag:s0] =	ssyncadd.s32 @!p0 s1  }
0x58: {  	[bflag:$0x3] =	sbarrier.arrive $0xFFFF  }
0x59: {  	_ =	shalt  }

</sc_bundles>
